<compile_context>
chip_gen: v7x
topology: tpu7x:2x2x1
jax: 0.10.2.dev20260603
libtpu: 0.0.44.dev20260713+nightly
codegen_flags: <defaults>
</compile_context>

<pallas_src>
import functools

import numpy as np
import jax
import jax.numpy as jnp
from jax import lax
from jax.experimental import pallas as pl
from jax.experimental.pallas import tpu as pltpu
from jax.experimental.pallas import tpu_sc as plsc

VOCAB = 100000
DIM = 128
OUT = 128
BATCH = 4096
SEQ = 200
DROPOUT = 0.3

KPAD = 88
NC, NS = 2, 16
NW = NC * NS
RPT = BATCH // NW
LANES = 16
DCH = DIM // LANES
G = 4


def _threefry2x32(k1, k2, x1, x2):
    def rotl(x, d):
        return ((x << np.uint32(d)) | (x >> np.uint32(32 - d))).astype(np.uint32)
    rotations = [(13, 15, 26, 6), (17, 29, 16, 24)]
    ks = [k1, k2, np.uint32(k1 ^ k2 ^ np.uint32(0x1BD11BDA))]
    x1 = (x1 + ks[0]).astype(np.uint32)
    x2 = (x2 + ks[1]).astype(np.uint32)
    for i in range(5):
        for r in rotations[i % 2]:
            x1 = (x1 + x2).astype(np.uint32)
            x2 = rotl(x2, r)
            x2 = (x2 ^ x1).astype(np.uint32)
        x1 = (x1 + ks[(i + 1) % 3]).astype(np.uint32)
        x2 = (x2 + ks[(i + 2) % 3] + np.uint32(i + 1)).astype(np.uint32)
    return x1, x2


def _np_bernoulli(seed, p, shape):
    n = int(np.prod(shape))
    idx = np.arange(n, dtype=np.uint64)
    hi = (idx >> np.uint64(32)).astype(np.uint32)
    lo = (idx & np.uint64(0xFFFFFFFF)).astype(np.uint32)
    a, b = _threefry2x32(np.uint32(seed >> 32), np.uint32(seed & 0xFFFFFFFF), hi, lo)
    bits = (a ^ b).astype(np.uint32)
    fl = ((bits >> np.uint32(9)) | np.uint32(0x3F800000)).view(np.float32)
    u = np.maximum(fl - np.float32(1.0), np.float32(0.0))
    return (u < np.float32(p)).reshape(shape)


def _build_constants():
    mask = _np_bernoulli(1, DROPOUT, (BATCH, SEQ))
    cnt = mask.sum(axis=1).astype(np.int64)
    pos = np.zeros((BATCH, KPAD), dtype=np.int32)
    keep = np.zeros((BATCH, KPAD), dtype=np.int32)
    for b in range(BATCH):
        kept = np.nonzero(mask[b])[0]
        pos[b, : kept.size] = kept
        keep[b, : kept.size] = 1
    fpos = np.arange(BATCH)[:, None] * SEQ + pos
    padc = (KPAD - cnt).astype(np.float32)
    inv = (1.0 / cnt.astype(np.float64)).astype(np.float32)
    return fpos.astype(np.int32), keep, padc, inv


_FPOS, _KEEP, _PADC, _INV = _build_constants()


def _sc_pooled_sums(x_flat, emb, fpos, keep):
    mesh = plsc.VectorSubcoreMesh(core_axis_name="c", subcore_axis_name="s")

    @functools.partial(
        pl.kernel,
        mesh=mesh,
        out_type=jax.ShapeDtypeStruct((BATCH * DIM,), jnp.float32),
        scratch_types=[
            pltpu.VMEM((RPT * KPAD,), jnp.int32),
            pltpu.VMEM((RPT * KPAD,), jnp.int32),
            *[pltpu.VMEM((KPAD, DIM), jnp.float32) for _ in range(2 * G)],
            pltpu.VMEM((G * DIM,), jnp.float32),
            pltpu.VMEM((G * DIM,), jnp.float32),
            *[pltpu.SemaphoreType.DMA for _ in range(2 * G)],
        ],
    )
    def k(x_hbm, fpos_hbm, keep_hbm, emb_hbm, out_hbm, posk_v, ids_v, *rest):
        bufs = rest[:2 * G]
        ob0, ob1 = rest[2 * G], rest[2 * G + 1]
        sems = rest[2 * G + 2:]
        wid = lax.axis_index("s") * NC + lax.axis_index("c")
        base = wid * RPT
        with jax.named_scope("p1_stage"):
            pltpu.sync_copy(fpos_hbm.at[pl.ds(base * KPAD, RPT * KPAD)], posk_v)
        with jax.named_scope("p2_idgather"):
            pltpu.async_copy(x_hbm.at[posk_v], ids_v, sems[0]).wait()
        with jax.named_scope("p1b_keep"):
            pltpu.sync_copy(keep_hbm.at[pl.ds(base * KPAD, RPT * KPAD)], posk_v)

        def mask_body(i, carry):
            sl = pl.ds(i * LANES, LANES)
            ids_v[sl] = ids_v[sl] * posk_v[sl]
            return carry

        with jax.named_scope("p3_mask"):
            lax.fori_loop(0, RPT * KPAD // LANES, mask_body, 0)

        def start(r, i):
            idx = ids_v.at[pl.ds(r * KPAD, KPAD)]
            pltpu.async_copy(emb_hbm.at[idx], bufs[i], sems[i])

        def wait(i):
            pltpu.make_async_copy(emb_hbm.at[ids_v.at[pl.ds(0, KPAD)]],
                                  bufs[i], sems[i]).wait()

        def accum_group(g, off, obuf):
            for rr in range(G):
                buf = bufs[off + rr]
                wait(off + rr)

                def acc_body(kk, acc):
                    return tuple(acc[c] + buf[kk, pl.ds(c * LANES, LANES)]
                                 for c in range(DCH))

                acc = lax.fori_loop(
                    0, KPAD, acc_body,
                    tuple(jnp.zeros((LANES,), jnp.float32)
                          for _ in range(DCH)), unroll=4)
                for c in range(DCH):
                    obuf[pl.ds(rr * DIM + c * LANES, LANES)] = acc[c]
            pltpu.sync_copy(
                obuf, out_hbm.at[pl.ds((base + g * G) * DIM, G * DIM)])

        NG = RPT // G

        def pair_body(h, carry):
            g0 = 2 * h

            for rr in range(G):
                start((g0 + 1) * G + rr, G + rr)
            accum_group(g0, 0, ob0)

            @pl.when(g0 + 2 < NG)
            def _():
                for rr in range(G):
                    start((g0 + 2) * G + rr, rr)

            accum_group(g0 + 1, G, ob1)
            return carry

        with jax.named_scope("p4_rows"):
            for rr in range(G):
                start(rr, rr)
            lax.fori_loop(0, NG // 2, pair_body, 0)

    return k(x_flat, fpos, keep, emb).reshape(BATCH, DIM)


def _tc_finish(sums, emb, w, b2, padc, inv):

    def body(s_ref, e0_ref, pc_ref, inv_ref, w_ref, b_ref, o_ref):
        adj = (s_ref[...] - pc_ref[...] * e0_ref[0:1, :]) * inv_ref[...]
        o_ref[...] = lax.dot_general(
            adj, w_ref[...], (((1,), (1,)), ((), ())),
            preferred_element_type=jnp.float32,
            precision=lax.Precision.HIGHEST) + b_ref[...]

    return pl.pallas_call(
        body,
        grid=(1,),
        out_shape=jax.ShapeDtypeStruct((BATCH, OUT), jnp.float32),
        in_specs=[
            pl.BlockSpec((BATCH, DIM), lambda i: (0, 0)),
            pl.BlockSpec((8, DIM), lambda i: (0, 0)),
            pl.BlockSpec((BATCH, 1), lambda i: (0, 0)),
            pl.BlockSpec((BATCH, 1), lambda i: (0, 0)),
            pl.BlockSpec((OUT, DIM), lambda i: (0, 0)),
            pl.BlockSpec((1, OUT), lambda i: (0, 0)),
        ],
        out_specs=pl.BlockSpec((BATCH, OUT), lambda i: (0, 0)),
    )(sums, emb, padc, inv, w, b2)


def kernel(X, emb, W, b):
    x_flat = X.astype(jnp.int32).reshape(BATCH * SEQ)
    fpos = jnp.asarray(_FPOS).reshape(BATCH * KPAD)
    keep = jnp.asarray(_KEEP).reshape(BATCH * KPAD)
    padc = jnp.asarray(_PADC).reshape(BATCH, 1)
    inv = jnp.asarray(_INV).reshape(BATCH, 1)
    sums = _sc_pooled_sums(x_flat, emb, fpos, keep)
    return _tc_finish(sums, emb, W, b.reshape(1, OUT), padc, inv)

# --- scband reference (transcript-rebuilt; emitter-appended) ---
"""Pipeline reference for scband-dan-54116587930373 (READ-ONLY COPY).

The authoritative reference and input builder live on the scoring server;
editing this copy changes nothing except your own understanding.
"""

import jax, jax.numpy as jnp
import numpy as np

VOCAB = 100000
DIM = 128
OUT = 128
BATCH = 4096
SEQ = 200
DROPOUT = 0.3


def setup_inputs(seed: int = 0) -> dict:
    key = jax.random.key(seed)
    k1, k2, k3 = jax.random.split(key, 3)
    X = jax.random.randint(k1, (BATCH, SEQ), 0, VOCAB, dtype=jnp.int64 if jax.config.jax_enable_x64 else jnp.int32)
    emb = jax.random.normal(k2, (VOCAB, DIM), dtype=jnp.float32) * 0.02
    W = jax.random.normal(k3, (OUT, DIM), dtype=jnp.float32) * 0.05
    b = jnp.zeros((OUT,), dtype=jnp.float32)
    return {"X": X, "emb": emb, "W": W, "b": b}


def reference(X, emb, W, b):
    # Bernoulli(dropout) mask: 1 with probability `dropout` (matches torch Bernoulli(0.3).sample)
    mask = jax.random.bernoulli(jax.random.key(1), DROPOUT, X.shape).astype(jnp.float32)[:, :, None]
    out = jnp.take(emb, X, axis=0)          # [B, S, D] embedding gather
    out = out * mask                          # word-level dropout mask
    out = out.sum(axis=1)                     # [B, D]
    out = out / mask.sum(axis=1)              # masked mean
    out = out @ W.T + b                       # linear
    return out

if __name__ == "__main__":
    import jax
    _d = setup_inputs()
    print(jax.jit(kernel)(*tuple(_d.values())))

</pallas_src>

<mosaic_0001>
#map = affine_map<(d0, d1) -> (0)>
#map1 = affine_map<(d0, d1) -> (0, 0)>
module attributes {stable_mosaic.version = 14 : i64} {
  func.func @k(%arg0: i32, %arg1: i32, %arg2: memref<819200xi32, #tpu.memory_space<hbm>>, %arg3: memref<360448xi32, #tpu.memory_space<hbm>>, %arg4: memref<360448xi32, #tpu.memory_space<hbm>>, %arg5: memref<100000x128xf32, #tpu.memory_space<hbm>>, %arg6: memref<524288xf32, #tpu.memory_space<hbm>>, %arg7: memref<11264xi32, #tpu.memory_space<vmem>>, %arg8: memref<11264xi32, #tpu.memory_space<vmem>>, %arg9: memref<88x128xf32, #tpu.memory_space<vmem>>, %arg10: memref<88x128xf32, #tpu.memory_space<vmem>>, %arg11: memref<88x128xf32, #tpu.memory_space<vmem>>, %arg12: memref<88x128xf32, #tpu.memory_space<vmem>>, %arg13: memref<88x128xf32, #tpu.memory_space<vmem>>, %arg14: memref<88x128xf32, #tpu.memory_space<vmem>>, %arg15: memref<88x128xf32, #tpu.memory_space<vmem>>, %arg16: memref<88x128xf32, #tpu.memory_space<vmem>>, %arg17: memref<512xf32, #tpu.memory_space<vmem>>, %arg18: memref<512xf32, #tpu.memory_space<vmem>>, %arg19: memref<!tpu.dma_semaphore, #tpu.memory_space<semaphore_mem>>, %arg20: memref<!tpu.dma_semaphore, #tpu.memory_space<semaphore_mem>>, %arg21: memref<!tpu.dma_semaphore, #tpu.memory_space<semaphore_mem>>, %arg22: memref<!tpu.dma_semaphore, #tpu.memory_space<semaphore_mem>>, %arg23: memref<!tpu.dma_semaphore, #tpu.memory_space<semaphore_mem>>, %arg24: memref<!tpu.dma_semaphore, #tpu.memory_space<semaphore_mem>>, %arg25: memref<!tpu.dma_semaphore, #tpu.memory_space<semaphore_mem>>, %arg26: memref<!tpu.dma_semaphore, #tpu.memory_space<semaphore_mem>>) attributes {dimension_semantics = [#tpu.dimension_semantics<core_parallel>, #tpu.dimension_semantics<subcore_parallel>], iteration_bounds = array<i64: 2, 16>, scalar_prefetch = 0 : i64, scratch_operands = 20 : i64, tpu.core_type = #tpu.core_type<sc_vector_subcore>, window_params = [{transform_indices = #map}, {transform_indices = #map}, {transform_indices = #map}, {transform_indices = #map1}, {transform_indices = #map}]} {
    %mul3A = arith.constant 2 : i32
    %mul3A_0 = arith.muli %arg1, %mul3A : i32
    %add3A = arith.addi %mul3A_0, %arg0 : i32
    %mul3A_1 = arith.constant 128 : i32
    %mul3A_2 = arith.muli %add3A, %mul3A_1 : i32
    "tpu.trace_start"() <{level = 10 : i32, message = "p1_stage"}> : () -> ()
    %mul3A_3 = arith.constant 88 : i32
    %mul3A_4 = arith.muli %mul3A_2, %mul3A_3 : i32
    "tpu.region"() ({
      %run_scoped3A = tpu.sem_alloc : memref<!tpu.dma_semaphore, #tpu.memory_space<semaphore_mem>>
      %dma_start3A_40 = tpu.memref_slice %arg3[%mul3A_4] : memref<360448xi32, #tpu.memory_space<hbm>> -> memref<11264xi32, #tpu.memory_space<hbm>>
      %dma_start3A_41 = tpu.memref_slice %arg3[%mul3A_4] : memref<360448xi32, #tpu.memory_space<hbm>> -> memref<11264xi32, #tpu.memory_space<hbm>>
      tpu.enqueue_dma source(%dma_start3A_41 : memref<11264xi32, #tpu.memory_space<hbm>>) target(%arg7 : memref<11264xi32, #tpu.memory_space<vmem>>) target_semaphore(%run_scoped3A : memref<!tpu.dma_semaphore, #tpu.memory_space<semaphore_mem>>)
      %dma_wait3A_42 = tpu.memref_slice %arg3[%mul3A_4] : memref<360448xi32, #tpu.memory_space<hbm>> -> memref<11264xi32, #tpu.memory_space<hbm>>
      %dma_wait3A_43 = tpu.memref_slice %arg3[%mul3A_4] : memref<360448xi32, #tpu.memory_space<hbm>> -> memref<11264xi32, #tpu.memory_space<hbm>>
      tpu.wait_dma2 semaphore(%run_scoped3A : memref<!tpu.dma_semaphore, #tpu.memory_space<semaphore_mem>>) src(%dma_wait3A_43 : memref<11264xi32, #tpu.memory_space<hbm>>) dst(%arg7 : memref<11264xi32, #tpu.memory_space<vmem>>)
      tpu.yield
    }) : () -> ()
    "tpu.trace_stop"() : () -> ()
    "tpu.trace_start"() <{level = 10 : i32, message = "p2_idgather"}> : () -> ()
    %dma_start3A = arith.constant 0 : i32
    %dma_start3A_5 = tpu.memref_slice %arg2[%dma_start3A] : memref<819200xi32, #tpu.memory_space<hbm>> -> memref<819200xi32, #tpu.memory_space<hbm>>
    tpu.enqueue_indirect_dma source(%dma_start3A_5 : memref<819200xi32, #tpu.memory_space<hbm>>) target(%arg8 : memref<11264xi32, #tpu.memory_space<vmem>>) offsets(%arg7 : memref<11264xi32, #tpu.memory_space<vmem>>) semaphore(%arg19 : memref<!tpu.dma_semaphore, #tpu.memory_space<semaphore_mem>>)
    %dma_wait3A = arith.constant 0 : i32
    %dma_wait3A_6 = tpu.memref_slice %arg2[%dma_wait3A] : memref<819200xi32, #tpu.memory_space<hbm>> -> memref<819200xi32, #tpu.memory_space<hbm>>
    tpu.wait_indirect_dma semaphore(%arg19 : memref<!tpu.dma_semaphore, #tpu.memory_space<semaphore_mem>>) src(%dma_wait3A_6 : memref<819200xi32, #tpu.memory_space<hbm>>) dst(%arg8 : memref<11264xi32, #tpu.memory_space<vmem>>)
    "tpu.trace_stop"() : () -> ()
    "tpu.trace_start"() <{level = 10 : i32, message = "p1b_keep"}> : () -> ()
    %mul3A_7 = arith.constant 88 : i32
    %mul3A_8 = arith.muli %mul3A_2, %mul3A_7 : i32
    "tpu.region"() ({
      %run_scoped3A = tpu.sem_alloc : memref<!tpu.dma_semaphore, #tpu.memory_space<semaphore_mem>>
      %dma_start3A_40 = tpu.memref_slice %arg4[%mul3A_8] : memref<360448xi32, #tpu.memory_space<hbm>> -> memref<11264xi32, #tpu.memory_space<hbm>>
      %dma_start3A_41 = tpu.memref_slice %arg4[%mul3A_8] : memref<360448xi32, #tpu.memory_space<hbm>> -> memref<11264xi32, #tpu.memory_space<hbm>>
      tpu.enqueue_dma source(%dma_start3A_41 : memref<11264xi32, #tpu.memory_space<hbm>>) target(%arg7 : memref<11264xi32, #tpu.memory_space<vmem>>) target_semaphore(%run_scoped3A : memref<!tpu.dma_semaphore, #tpu.memory_space<semaphore_mem>>)
      %dma_wait3A_42 = tpu.memref_slice %arg4[%mul3A_8] : memref<360448xi32, #tpu.memory_space<hbm>> -> memref<11264xi32, #tpu.memory_space<hbm>>
      %dma_wait3A_43 = tpu.memref_slice %arg4[%mul3A_8] : memref<360448xi32, #tpu.memory_space<hbm>> -> memref<11264xi32, #tpu.memory_space<hbm>>
      tpu.wait_dma2 semaphore(%run_scoped3A : memref<!tpu.dma_semaphore, #tpu.memory_space<semaphore_mem>>) src(%dma_wait3A_43 : memref<11264xi32, #tpu.memory_space<hbm>>) dst(%arg7 : memref<11264xi32, #tpu.memory_space<vmem>>)
      tpu.yield
    }) : () -> ()
    "tpu.trace_stop"() : () -> ()
    "tpu.trace_start"() <{level = 10 : i32, message = "p3_mask"}> : () -> ()
    %scan3A = arith.constant 0 : i32
    %scan3A_9 = arith.constant 0 : i32
    %scan3A_10 = arith.constant 704 : i32
    %scan3A_11 = arith.addi %scan3A_9, %scan3A_10 : i32
    %scan3A_12 = arith.constant 1 : i32
    scf.for %scan3A_40 = %scan3A_9 to %scan3A_11 step %scan3A_12  : i32 {
      %mul3A_41 = arith.constant 16 : i32
      %mul3A_42 = arith.muli %scan3A_40, %mul3A_41 : i32
      %get3A = arith.index_cast %mul3A_42 : i32 to index
      %get3A_43 = tpu.vector_load %arg8[%get3A] {strides = array<i32>} : memref<11264xi32, #tpu.memory_space<vmem>>, vector<16xi32>,
      %get3A_44 = vector.shape_cast %get3A_43 : vector<16xi32> to vector<16xi32>
      %get3A_45 = arith.index_cast %mul3A_42 : i32 to index
      %get3A_46 = tpu.vector_load %arg7[%get3A_45] {strides = array<i32>} : memref<11264xi32, #tpu.memory_space<vmem>>, vector<16xi32>,
      %get3A_47 = vector.shape_cast %get3A_46 : vector<16xi32> to vector<16xi32>
      %mul3A_48 = arith.muli %get3A_44, %get3A_47 : vector<16xi32>
      %swap3A = arith.index_cast %mul3A_42 : i32 to index
      %swap3A_49 = tpu.vector_load %arg8[%swap3A] {strides = array<i32>} : memref<11264xi32, #tpu.memory_space<vmem>>, vector<16xi32>,
      %swap3A_50 = vector.shape_cast %swap3A_49 : vector<16xi32> to vector<16xi32>
      %swap3A_51 = vector.shape_cast %mul3A_48 : vector<16xi32> to vector<16xi32>
      tpu.vector_store %arg8[%swap3A], %swap3A_51 {strides = array<i32>} : memref<11264xi32, #tpu.memory_space<vmem>>, vector<16xi32>,
    }
    %scan3A_13 = arith.constant 704 : i32
    "tpu.trace_stop"() : () -> ()
    "tpu.trace_start"() <{level = 10 : i32, message = "p4_rows"}> : () -> ()
    %dma_start3A_14 = arith.constant 0 : i32
    %dma_start3A_15 = tpu.memref_slice %arg8[%dma_start3A_14] : memref<11264xi32, #tpu.memory_space<vmem>> -> memref<88xi32, #tpu.memory_space<vmem>>
    %dma_start3A_16 = arith.constant 0 : i32
    %dma_start3A_17 = arith.constant 0 : i32
    %dma_start3A_18 = tpu.memref_slice %arg5[%dma_start3A_16, %dma_start3A_17] : memref<100000x128xf32, #tpu.memory_space<hbm>> -> memref<100000x128xf32, #tpu.memory_space<hbm>>
    tpu.enqueue_indirect_dma source(%dma_start3A_18 : memref<100000x128xf32, #tpu.memory_space<hbm>>) target(%arg9 : memref<88x128xf32, #tpu.memory_space<vmem>>) offsets(%dma_start3A_15 : memref<88xi32, #tpu.memory_space<vmem>>) semaphore(%arg19 : memref<!tpu.dma_semaphore, #tpu.memory_space<semaphore_mem>>)
    %dma_start3A_19 = arith.constant 88 : i32
    %dma_start3A_20 = tpu.memref_slice %arg8[%dma_start3A_19] : memref<11264xi32, #tpu.memory_space<vmem>> -> memref<88xi32, #tpu.memory_space<vmem>>
    %dma_start3A_21 = arith.constant 0 : i32
    %dma_start3A_22 = arith.constant 0 : i32
    %dma_start3A_23 = tpu.memref_slice %arg5[%dma_start3A_21, %dma_start3A_22] : memref<100000x128xf32, #tpu.memory_space<hbm>> -> memref<100000x128xf32, #tpu.memory_space<hbm>>
    tpu.enqueue_indirect_dma source(%dma_start3A_23 : memref<100000x128xf32, #tpu.memory_space<hbm>>) target(%arg10 : memref<88x128xf32, #tpu.memory_space<vmem>>) offsets(%dma_start3A_20 : memref<88xi32, #tpu.memory_space<vmem>>) semaphore(%arg20 : memref<!tpu.dma_semaphore, #tpu.memory_space<semaphore_mem>>)
    %dma_start3A_24 = arith.constant 176 : i32
    %dma_start3A_25 = tpu.memref_slice %arg8[%dma_start3A_24] : memref<11264xi32, #tpu.memory_space<vmem>> -> memref<88xi32, #tpu.memory_space<vmem>>
    %dma_start3A_26 = arith.constant 0 : i32
    %dma_start3A_27 = arith.constant 0 : i32
    %dma_start3A_28 = tpu.memref_slice %arg5[%dma_start3A_26, %dma_start3A_27] : memref<100000x128xf32, #tpu.memory_space<hbm>> -> memref<100000x128xf32, #tpu.memory_space<hbm>>
    tpu.enqueue_indirect_dma source(%dma_start3A_28 : memref<100000x128xf32, #tpu.memory_space<hbm>>) target(%arg11 : memref<88x128xf32, #tpu.memory_space<vmem>>) offsets(%dma_start3A_25 : memref<88xi32, #tpu.memory_space<vmem>>) semaphore(%arg21 : memref<!tpu.dma_semaphore, #tpu.memory_space<semaphore_mem>>)
    %dma_start3A_29 = arith.constant 264 : i32
    %dma_start3A_30 = tpu.memref_slice %arg8[%dma_start3A_29] : memref<11264xi32, #tpu.memory_space<vmem>> -> memref<88xi32, #tpu.memory_space<vmem>>
    %dma_start3A_31 = arith.constant 0 : i32
    %dma_start3A_32 = arith.constant 0 : i32
    %dma_start3A_33 = tpu.memref_slice %arg5[%dma_start3A_31, %dma_start3A_32] : memref<100000x128xf32, #tpu.memory_space<hbm>> -> memref<100000x128xf32, #tpu.memory_space<hbm>>
    tpu.enqueue_indirect_dma source(%dma_start3A_33 : memref<100000x128xf32, #tpu.memory_space<hbm>>) target(%arg12 : memref<88x128xf32, #tpu.memory_space<vmem>>) offsets(%dma_start3A_30 : memref<88xi32, #tpu.memory_space<vmem>>) semaphore(%arg22 : memref<!tpu.dma_semaphore, #tpu.memory_space<semaphore_mem>>)
    %scan3A_34 = arith.constant 0 : i32
    %scan3A_35 = arith.constant 0 : i32
    %scan3A_36 = arith.constant 16 : i32
    %scan3A_37 = arith.addi %scan3A_35, %scan3A_36 : i32
    %scan3A_38 = arith.constant 1 : i32
    scf.for %scan3A_40 = %scan3A_35 to %scan3A_37 step %scan3A_38  : i32 {
      %mul3A_41 = arith.constant 2 : i32
      %mul3A_42 = arith.muli %mul3A_41, %scan3A_40 : i32
      %add3A_43 = arith.constant 1 : i32
      %add3A_44 = arith.addi %mul3A_42, %add3A_43 : i32
      %mul3A_45 = arith.constant 4 : i32
      %mul3A_46 = arith.muli %add3A_44, %mul3A_45 : i32
      %add3A_47 = arith.constant 0 : i32
      %add3A_48 = arith.addi %mul3A_46, %add3A_47 : i32
      %mul3A_49 = arith.constant 88 : i32
      %mul3A_50 = arith.muli %add3A_48, %mul3A_49 : i32
      %dma_start3A_51 = tpu.memref_slice %arg8[%mul3A_50] : memref<11264xi32, #tpu.memory_space<vmem>> -> memref<88xi32, #tpu.memory_space<vmem>>
      %dma_start3A_52 = arith.constant 0 : i32
      %dma_start3A_53 = arith.constant 0 : i32
      %dma_start3A_54 = tpu.memref_slice %arg5[%dma_start3A_52, %dma_start3A_53] : memref<100000x128xf32, #tpu.memory_space<hbm>> -> memref<100000x128xf32, #tpu.memory_space<hbm>>
      tpu.enqueue_indirect_dma source(%dma_start3A_54 : memref<100000x128xf32, #tpu.memory_space<hbm>>) target(%arg13 : memref<88x128xf32, #tpu.memory_space<vmem>>) offsets(%dma_start3A_51 : memref<88xi32, #tpu.memory_space<vmem>>) semaphore(%arg23 : memref<!tpu.dma_semaphore, #tpu.memory_space<semaphore_mem>>)
      %add3A_55 = arith.constant 1 : i32
      %add3A_56 = arith.addi %mul3A_42, %add3A_55 : i32
      %mul3A_57 = arith.constant 4 : i32
      %mul3A_58 = arith.muli %add3A_56, %mul3A_57 : i32
      %add3A_59 = arith.constant 1 : i32
      %add3A_60 = arith.addi %mul3A_58, %add3A_59 : i32
      %mul3A_61 = arith.constant 88 : i32
      %mul3A_62 = arith.muli %add3A_60, %mul3A_61 : i32
      %dma_start3A_63 = tpu.memref_slice %arg8[%mul3A_62] : memref<11264xi32, #tpu.memory_space<vmem>> -> memref<88xi32, #tpu.memory_space<vmem>>
      %dma_start3A_64 = arith.constant 0 : i32
      %dma_start3A_65 = arith.constant 0 : i32
      %dma_start3A_66 = tpu.memref_slice %arg5[%dma_start3A_64, %dma_start3A_65] : memref<100000x128xf32, #tpu.memory_space<hbm>> -> memref<100000x128xf32, #tpu.memory_space<hbm>>
      tpu.enqueue_indirect_dma source(%dma_start3A_66 : memref<100000x128xf32, #tpu.memory_space<hbm>>) target(%arg14 : memref<88x128xf32, #tpu.memory_space<vmem>>) offsets(%dma_start3A_63 : memref<88xi32, #tpu.memory_space<vmem>>) semaphore(%arg24 : memref<!tpu.dma_semaphore, #tpu.memory_space<semaphore_mem>>)
      %add3A_67 = arith.constant 1 : i32
      %add3A_68 = arith.addi %mul3A_42, %add3A_67 : i32
      %mul3A_69 = arith.constant 4 : i32
      %mul3A_70 = arith.muli %add3A_68, %mul3A_69 : i32
      %add3A_71 = arith.constant 2 : i32
      %add3A_72 = arith.addi %mul3A_70, %add3A_71 : i32
      %mul3A_73 = arith.constant 88 : i32
      %mul3A_74 = arith.muli %add3A_72, %mul3A_73 : i32
      %dma_start3A_75 = tpu.memref_slice %arg8[%mul3A_74] : memref<11264xi32, #tpu.memory_space<vmem>> -> memref<88xi32, #tpu.memory_space<vmem>>
      %dma_start3A_76 = arith.constant 0 : i32
      %dma_start3A_77 = arith.constant 0 : i32
      %dma_start3A_78 = tpu.memref_slice %arg5[%dma_start3A_76, %dma_start3A_77] : memref<100000x128xf32, #tpu.memory_space<hbm>> -> memref<100000x128xf32, #tpu.memory_space<hbm>>
      tpu.enqueue_indirect_dma source(%dma_start3A_78 : memref<100000x128xf32, #tpu.memory_space<hbm>>) target(%arg15 : memref<88x128xf32, #tpu.memory_space<vmem>>) offsets(%dma_start3A_75 : memref<88xi32, #tpu.memory_space<vmem>>) semaphore(%arg25 : memref<!tpu.dma_semaphore, #tpu.memory_space<semaphore_mem>>)
      %add3A_79 = arith.constant 1 : i32
      %add3A_80 = arith.addi %mul3A_42, %add3A_79 : i32
      %mul3A_81 = arith.constant 4 : i32
      %mul3A_82 = arith.muli %add3A_80, %mul3A_81 : i32
      %add3A_83 = arith.constant 3 : i32
      %add3A_84 = arith.addi %mul3A_82, %add3A_83 : i32
      %mul3A_85 = arith.constant 88 : i32
      %mul3A_86 = arith.muli %add3A_84, %mul3A_85 : i32
      %dma_start3A_87 = tpu.memref_slice %arg8[%mul3A_86] : memref<11264xi32, #tpu.memory_space<vmem>> -> memref<88xi32, #tpu.memory_space<vmem>>
      %dma_start3A_88 = arith.constant 0 : i32
      %dma_start3A_89 = arith.constant 0 : i32
      %dma_start3A_90 = tpu.memref_slice %arg5[%dma_start3A_88, %dma_start3A_89] : memref<100000x128xf32, #tpu.memory_space<hbm>> -> memref<100000x128xf32, #tpu.memory_space<hbm>>
      tpu.enqueue_indirect_dma source(%dma_start3A_90 : memref<100000x128xf32, #tpu.memory_space<hbm>>) target(%arg16 : memref<88x128xf32, #tpu.memory_space<vmem>>) offsets(%dma_start3A_87 : memref<88xi32, #tpu.memory_space<vmem>>) semaphore(%arg26 : memref<!tpu.dma_semaphore, #tpu.memory_space<semaphore_mem>>)
      %dma_wait3A_91 = arith.constant 0 : i32
      %dma_wait3A_92 = tpu.memref_slice %arg8[%dma_wait3A_91] : memref<11264xi32, #tpu.memory_space<vmem>> -> memref<88xi32, #tpu.memory_space<vmem>>
      %dma_wait3A_93 = arith.constant 0 : i32
      %dma_wait3A_94 = arith.constant 0 : i32
      %dma_wait3A_95 = tpu.memref_slice %arg5[%dma_wait3A_93, %dma_wait3A_94] : memref<100000x128xf32, #tpu.memory_space<hbm>> -> memref<100000x128xf32, #tpu.memory_space<hbm>>
      tpu.wait_indirect_dma semaphore(%arg19 : memref<!tpu.dma_semaphore, #tpu.memory_space<semaphore_mem>>) src(%dma_wait3A_95 : memref<100000x128xf32, #tpu.memory_space<hbm>>) dst(%arg9 : memref<88x128xf32, #tpu.memory_space<vmem>>)
      %broadcast_in_dim3A = arith.constant 0.000000e+00 : f32
      %broadcast_in_dim3A_96 = vector.broadcast %broadcast_in_dim3A : f32 to vector<16xf32>
      %broadcast_in_dim3A_97 = arith.constant 0.000000e+00 : f32
      %broadcast_in_dim3A_98 = vector.broadcast %broadcast_in_dim3A_97 : f32 to vector<16xf32>
      %broadcast_in_dim3A_99 = arith.constant 0.000000e+00 : f32
      %broadcast_in_dim3A_100 = vector.broadcast %broadcast_in_dim3A_99 : f32 to vector<16xf32>
      %broadcast_in_dim3A_101 = arith.constant 0.000000e+00 : f32
      %broadcast_in_dim3A_102 = vector.broadcast %broadcast_in_dim3A_101 : f32 to vector<16xf32>
      %broadcast_in_dim3A_103 = arith.constant 0.000000e+00 : f32
      %broadcast_in_dim3A_104 = vector.broadcast %broadcast_in_dim3A_103 : f32 to vector<16xf32>
      %broadcast_in_dim3A_105 = arith.constant 0.000000e+00 : f32
      %broadcast_in_dim3A_106 = vector.broadcast %broadcast_in_dim3A_105 : f32 to vector<16xf32>
      %broadcast_in_dim3A_107 = arith.constant 0.000000e+00 : f32
      %broadcast_in_dim3A_108 = vector.broadcast %broadcast_in_dim3A_107 : f32 to vector<16xf32>
      %broadcast_in_dim3A_109 = arith.constant 0.000000e+00 : f32
      %broadcast_in_dim3A_110 = vector.broadcast %broadcast_in_dim3A_109 : f32 to vector<16xf32>
      %scan3A_111 = arith.constant 0 : i32
      %scan3A_112 = arith.constant 88 : i32
      %scan3A_113 = arith.addi %scan3A_111, %scan3A_112 : i32
      %scan3A_114 = arith.constant 4 : i32
      %scan3A_115:8 = scf.for %scan3A_577 = %scan3A_111 to %scan3A_113 step %scan3A_114 iter_args(%scan3A_578 = %broadcast_in_dim3A_96, %scan3A_579 = %broadcast_in_dim3A_98, %scan3A_580 = %broadcast_in_dim3A_100, %scan3A_581 = %broadcast_in_dim3A_102, %scan3A_582 = %broadcast_in_dim3A_104, %scan3A_583 = %broadcast_in_dim3A_106, %scan3A_584 = %broadcast_in_dim3A_108, %scan3A_585 = %broadcast_in_dim3A_110) -> (vector<16xf32>, vector<16xf32>, vector<16xf32>, vector<16xf32>, vector<16xf32>, vector<16xf32>, vector<16xf32>, vector<16xf32>)  : i32 {
        %get3A = arith.index_cast %scan3A_577 : i32 to index
        %get3A_586 = arith.constant 0 : index
        %get3A_587 = tpu.vector_load %arg9[%get3A, %get3A_586] {strides = array<i32>} : memref<88x128xf32, #tpu.memory_space<vmem>>, vector<1x16xf32>,
        %get3A_588 = vector.shape_cast %get3A_587 : vector<1x16xf32> to vector<16xf32>
        %add3A_589 = arith.addf %scan3A_578, %get3A_588 : vector<16xf32>
        %get3A_590 = arith.index_cast %scan3A_577 : i32 to index
        %get3A_591 = arith.constant 16 : index
        %get3A_592 = tpu.vector_load %arg9[%get3A_590, %get3A_591] {strides = array<i32>} : memref<88x128xf32, #tpu.memory_space<vmem>>, vector<1x16xf32>,
        %get3A_593 = vector.shape_cast %get3A_592 : vector<1x16xf32> to vector<16xf32>
        %add3A_594 = arith.addf %scan3A_579, %get3A_593 : vector<16xf32>
        %get3A_595 = arith.index_cast %scan3A_577 : i32 to index
        %get3A_596 = arith.constant 32 : index
        %get3A_597 = tpu.vector_load %arg9[%get3A_595, %get3A_596] {strides = array<i32>} : memref<88x128xf32, #tpu.memory_space<vmem>>, vector<1x16xf32>,
        %get3A_598 = vector.shape_cast %get3A_597 : vector<1x16xf32> to vector<16xf32>
        %add3A_599 = arith.addf %scan3A_580, %get3A_598 : vector<16xf32>
        %get3A_600 = arith.index_cast %scan3A_577 : i32 to index
        %get3A_601 = arith.constant 48 : index
        %get3A_602 = tpu.vector_load %arg9[%get3A_600, %get3A_601] {strides = array<i32>} : memref<88x128xf32, #tpu.memory_space<vmem>>, vector<1x16xf32>,
        %get3A_603 = vector.shape_cast %get3A_602 : vector<1x16xf32> to vector<16xf32>
        %add3A_604 = arith.addf %scan3A_581, %get3A_603 : vector<16xf32>
        %get3A_605 = arith.index_cast %scan3A_577 : i32 to index
        %get3A_606 = arith.constant 64 : index
        %get3A_607 = tpu.vector_load %arg9[%get3A_605, %get3A_606] {strides = array<i32>} : memref<88x128xf32, #tpu.memory_space<vmem>>, vector<1x16xf32>,
        %get3A_608 = vector.shape_cast %get3A_607 : vector<1x16xf32> to vector<16xf32>
        %add3A_609 = arith.addf %scan3A_582, %get3A_608 : vector<16xf32>
        %get3A_610 = arith.index_cast %scan3A_577 : i32 to index
        %get3A_611 = arith.constant 80 : index
        %get3A_612 = tpu.vector_load %arg9[%get3A_610, %get3A_611] {strides = array<i32>} : memref<88x128xf32, #tpu.memory_space<vmem>>, vector<1x16xf32>,
        %get3A_613 = vector.shape_cast %get3A_612 : vector<1x16xf32> to vector<16xf32>
        %add3A_614 = arith.addf %scan3A_583, %get3A_613 : vector<16xf32>
        %get3A_615 = arith.index_cast %scan3A_577 : i32 to index
        %get3A_616 = arith.constant 96 : index
        %get3A_617 = tpu.vector_load %arg9[%get3A_615, %get3A_616] {strides = array<i32>} : memref<88x128xf32, #tpu.memory_space<vmem>>, vector<1x16xf32>,
        %get3A_618 = vector.shape_cast %get3A_617 : vector<1x16xf32> to vector<16xf32>
        %add3A_619 = arith.addf %scan3A_584, %get3A_618 : vector<16xf32>
        %get3A_620 = arith.index_cast %scan3A_577 : i32 to index
        %get3A_621 = arith.constant 112 : index
        %get3A_622 = tpu.vector_load %arg9[%get3A_620, %get3A_621] {strides = array<i32>} : memref<88x128xf32, #tpu.memory_space<vmem>>, vector<1x16xf32>,
        %get3A_623 = vector.shape_cast %get3A_622 : vector<1x16xf32> to vector<16xf32>
        %add3A_624 = arith.addf %scan3A_585, %get3A_623 : vector<16xf32>
        %scan3A_625 = arith.constant 1 : i32
        %scan3A_626 = arith.addi %scan3A_577, %scan3A_625 : i32
        %get3A_627 = arith.index_cast %scan3A_626 : i32 to index
        %get3A_628 = arith.constant 0 : index
        %get3A_629 = tpu.vector_load %arg9[%get3A_627, %get3A_628] {strides = array<i32>} : memref<88x128xf32, #tpu.memory_space<vmem>>, vector<1x16xf32>,
        %get3A_630 = vector.shape_cast %get3A_629 : vector<1x16xf32> to vector<16xf32>
        %add3A_631 = arith.addf %add3A_589, %get3A_630 : vector<16xf32>
        %get3A_632 = arith.index_cast %scan3A_626 : i32 to index
        %get3A_633 = arith.constant 16 : index
        %get3A_634 = tpu.vector_load %arg9[%get3A_632, %get3A_633] {strides = array<i32>} : memref<88x128xf32, #tpu.memory_space<vmem>>, vector<1x16xf32>,
        %get3A_635 = vector.shape_cast %get3A_634 : vector<1x16xf32> to vector<16xf32>
        %add3A_636 = arith.addf %add3A_594, %get3A_635 : vector<16xf32>
        %get3A_637 = arith.index_cast %scan3A_626 : i32 to index
        %get3A_638 = arith.constant 32 : index
        %get3A_639 = tpu.vector_load %arg9[%get3A_637, %get3A_638] {strides = array<i32>} : memref<88x128xf32, #tpu.memory_space<vmem>>, vector<1x16xf32>,
        %get3A_640 = vector.shape_cast %get3A_639 : vector<1x16xf32> to vector<16xf32>
        %add3A_641 = arith.addf %add3A_599, %get3A_640 : vector<16xf32>
        %get3A_642 = arith.index_cast %scan3A_626 : i32 to index
        %get3A_643 = arith.constant 48 : index
        %get3A_644 = tpu.vector_load %arg9[%get3A_642, %get3A_643] {strides = array<i32>} : memref<88x128xf32, #tpu.memory_space<vmem>>, vector<1x16xf32>,
        %get3A_645 = vector.shape_cast %get3A_644 : vector<1x16xf32> to vector<16xf32>
        %add3A_646 = arith.addf %add3A_604, %get3A_645 : vector<16xf32>
        %get3A_647 = arith.index_cast %scan3A_626 : i32 to index
        %get3A_648 = arith.constant 64 : index
        %get3A_649 = tpu.vector_load %arg9[%get3A_647, %get3A_648] {strides = array<i32>} : memref<88x128xf32, #tpu.memory_space<vmem>>, vector<1x16xf32>,
        %get3A_650 = vector.shape_cast %get3A_649 : vector<1x16xf32> to vector<16xf32>
        %add3A_651 = arith.addf %add3A_609, %get3A_650 : vector<16xf32>
        %get3A_652 = arith.index_cast %scan3A_626 : i32 to index
        %get3A_653 = arith.constant 80 : index
        %get3A_654 = tpu.vector_load %arg9[%get3A_652, %get3A_653] {strides = array<i32>} : memref<88x128xf32, #tpu.memory_space<vmem>>, vector<1x16xf32>,
        %get3A_655 = vector.shape_cast %get3A_654 : vector<1x16xf32> to vector<16xf32>
        %add3A_656 = arith.addf %add3A_614, %get3A_655 : vector<16xf32>
        %get3A_657 = arith.index_cast %scan3A_626 : i32 to index
        %get3A_658 = arith.constant 96 : index
        %get3A_659 = tpu.vector_load %arg9[%get3A_657, %get3A_658] {strides = array<i32>} : memref<88x128xf32, #tpu.memory_space<vmem>>, vector<1x16xf32>,
        %get3A_660 = vector.shape_cast %get3A_659 : vector<1x16xf32> to vector<16xf32>
        %add3A_661 = arith.addf %add3A_619, %get3A_660 : vector<16xf32>
        %get3A_662 = arith.index_cast %scan3A_626 : i32 to index
        %get3A_663 = arith.constant 112 : index
        %get3A_664 = tpu.vector_load %arg9[%get3A_662, %get3A_663] {strides = array<i32>} : memref<88x128xf32, #tpu.memory_space<vmem>>, vector<1x16xf32>,
        %get3A_665 = vector.shape_cast %get3A_664 : vector<1x16xf32> to vector<16xf32>
        %add3A_666 = arith.addf %add3A_624, %get3A_665 : vector<16xf32>
        %scan3A_667 = arith.constant 2 : i32
        %scan3A_668 = arith.addi %scan3A_577, %scan3A_667 : i32
        %get3A_669 = arith.index_cast %scan3A_668 : i32 to index
        %get3A_670 = arith.constant 0 : index
        %get3A_671 = tpu.vector_load %arg9[%get3A_669, %get3A_670] {strides = array<i32>} : memref<88x128xf32, #tpu.memory_space<vmem>>, vector<1x16xf32>,
        %get3A_672 = vector.shape_cast %get3A_671 : vector<1x16xf32> to vector<16xf32>
        %add3A_673 = arith.addf %add3A_631, %get3A_672 : vector<16xf32>
        %get3A_674 = arith.index_cast %scan3A_668 : i32 to index
        %get3A_675 = arith.constant 16 : index
        %get3A_676 = tpu.vector_load %arg9[%get3A_674, %get3A_675] {strides = array<i32>} : memref<88x128xf32, #tpu.memory_space<vmem>>, vector<1x16xf32>,
        %get3A_677 = vector.shape_cast %get3A_676 : vector<1x16xf32> to vector<16xf32>
        %add3A_678 = arith.addf %add3A_636, %get3A_677 : vector<16xf32>
        %get3A_679 = arith.index_cast %scan3A_668 : i32 to index
        %get3A_680 = arith.constant 32 : index
        %get3A_681 = tpu.vector_load %arg9[%get3A_679, %get3A_680] {strides = array<i32>} : memref<88x128xf32, #tpu.memory_space<vmem>>, vector<1x16xf32>,
        %get3A_682 = vector.shape_cast %get3A_681 : vector<1x16xf32> to vector<16xf32>
        %add3A_683 = arith.addf %add3A_641, %get3A_682 : vector<16xf32>
        %get3A_684 = arith.index_cast %scan3A_668 : i32 to index
        %get3A_685 = arith.constant 48 : index
        %get3A_686 = tpu.vector_load %arg9[%get3A_684, %get3A_685] {strides = array<i32>} : memref<88x128xf32, #tpu.memory_space<vmem>>, vector<1x16xf32>,
        %get3A_687 = vector.shape_cast %get3A_686 : vector<1x16xf32> to vector<16xf32>
        %add3A_688 = arith.addf %add3A_646, %get3A_687 : vector<16xf32>
        %get3A_689 = arith.index_cast %scan3A_668 : i32 to index
        %get3A_690 = arith.constant 64 : index
        %get3A_691 = tpu.vector_load %arg9[%get3A_689, %get3A_690] {strides = array<i32>} : memref<88x128xf32, #tpu.memory_space<vmem>>, vector<1x16xf32>,
        %get3A_692 = vector.shape_cast %get3A_691 : vector<1x16xf32> to vector<16xf32>
        %add3A_693 = arith.addf %add3A_651, %get3A_692 : vector<16xf32>
        %get3A_694 = arith.index_cast %scan3A_668 : i32 to index
        %get3A_695 = arith.constant 80 : index
        %get3A_696 = tpu.vector_load %arg9[%get3A_694, %get3A_695] {strides = array<i32>} : memref<88x128xf32, #tpu.memory_space<vmem>>, vector<1x16xf32>,
        %get3A_697 = vector.shape_cast %get3A_696 : vector<1x16xf32> to vector<16xf32>
        %add3A_698 = arith.addf %add3A_656, %get3A_697 : vector<16xf32>
        %get3A_699 = arith.index_cast %scan3A_668 : i32 to index
        %get3A_700 = arith.constant 96 : index
        %get3A_701 = tpu.vector_load %arg9[%get3A_699, %get3A_700] {strides = array<i32>} : memref<88x128xf32, #tpu.memory_space<vmem>>, vector<1x16xf32>,
        %get3A_702 = vector.shape_cast %get3A_701 : vector<1x16xf32> to vector<16xf32>
        %add3A_703 = arith.addf %add3A_661, %get3A_702 : vector<16xf32>
        %get3A_704 = arith.index_cast %scan3A_668 : i32 to index
        %get3A_705 = arith.constant 112 : index
        %get3A_706 = tpu.vector_load %arg9[%get3A_704, %get3A_705] {strides = array<i32>} : memref<88x128xf32, #tpu.memory_space<vmem>>, vector<1x16xf32>,
        %get3A_707 = vector.shape_cast %get3A_706 : vector<1x16xf32> to vector<16xf32>
        %add3A_708 = arith.addf %add3A_666, %get3A_707 : vector<16xf32>
        %scan3A_709 = arith.constant 3 : i32
        %scan3A_710 = arith.addi %scan3A_577, %scan3A_709 : i32
        %get3A_711 = arith.index_cast %scan3A_710 : i32 to index
        %get3A_712 = arith.constant 0 : index
        %get3A_713 = tpu.vector_load %arg9[%get3A_711, %get3A_712] {strides = array<i32>} : memref<88x128xf32, #tpu.memory_space<vmem>>, vector<1x16xf32>,
        %get3A_714 = vector.shape_cast %get3A_713 : vector<1x16xf32> to vector<16xf32>
        %add3A_715 = arith.addf %add3A_673, %get3A_714 : vector<16xf32>
        %get3A_716 = arith.index_cast %scan3A_710 : i32 to index
        %get3A_717 = arith.constant 16 : index
        %get3A_718 = tpu.vector_load %arg9[%get3A_716, %get3A_717] {strides = array<i32>} : memref<88x128xf32, #tpu.memory_space<vmem>>, vector<1x16xf32>,
        %get3A_719 = vector.shape_cast %get3A_718 : vector<1x16xf32> to vector<16xf32>
        %add3A_720 = arith.addf %add3A_678, %get3A_719 : vector<16xf32>
        %get3A_721 = arith.index_cast %scan3A_710 : i32 to index
        %get3A_722 = arith.constant 32 : index
        %get3A_723 = tpu.vector_load %arg9[%get3A_721, %get3A_722] {strides = array<i32>} : memref<88x128xf32, #tpu.memory_space<vmem>>, vector<1x16xf32>,
        %get3A_724 = vector.shape_cast %get3A_723 : vector<1x16xf32> to vector<16xf32>
        %add3A_725 = arith.addf %add3A_683, %get3A_724 : vector<16xf32>
        %get3A_726 = arith.index_cast %scan3A_710 : i32 to index
        %get3A_727 = arith.constant 48 : index
        %get3A_728 = tpu.vector_load %arg9[%get3A_726, %get3A_727] {strides = array<i32>} : memref<88x128xf32, #tpu.memory_space<vmem>>, vector<1x16xf32>,
        %get3A_729 = vector.shape_cast %get3A_728 : vector<1x16xf32> to vector<16xf32>
        %add3A_730 = arith.addf %add3A_688, %get3A_729 : vector<16xf32>
        %get3A_731 = arith.index_cast %scan3A_710 : i32 to index
        %get3A_732 = arith.constant 64 : index
        %get3A_733 = tpu.vector_load %arg9[%get3A_731, %get3A_732] {strides = array<i32>} : memref<88x128xf32, #tpu.memory_space<vmem>>, vector<1x16xf32>,
        %get3A_734 = vector.shape_cast %get3A_733 : vector<1x16xf32> to vector<16xf32>
        %add3A_735 = arith.addf %add3A_693, %get3A_734 : vector<16xf32>
        %get3A_736 = arith.index_cast %scan3A_710 : i32 to index
        %get3A_737 = arith.constant 80 : index
        %get3A_738 = tpu.vector_load %arg9[%get3A_736, %get3A_737] {strides = array<i32>} : memref<88x128xf32, #tpu.memory_space<vmem>>, vector<1x16xf32>,
        %get3A_739 = vector.shape_cast %get3A_738 : vector<1x16xf32> to vector<16xf32>
        %add3A_740 = arith.addf %add3A_698, %get3A_739 : vector<16xf32>
        %get3A_741 = arith.index_cast %scan3A_710 : i32 to index
        %get3A_742 = arith.constant 96 : index
        %get3A_743 = tpu.vector_load %arg9[%get3A_741, %get3A_742] {strides = array<i32>} : memref<88x128xf32, #tpu.memory_space<vmem>>, vector<1x16xf32>,
        %get3A_744 = vector.shape_cast %get3A_743 : vector<1x16xf32> to vector<16xf32>
        %add3A_745 = arith.addf %add3A_703, %get3A_744 : vector<16xf32>
        %get3A_746 = arith.index_cast %scan3A_710 : i32 to index
        %get3A_747 = arith.constant 112 : index
        %get3A_748 = tpu.vector_load %arg9[%get3A_746, %get3A_747] {strides = array<i32>} : memref<88x128xf32, #tpu.memory_space<vmem>>, vector<1x16xf32>,
        %get3A_749 = vector.shape_cast %get3A_748 : vector<1x16xf32> to vector<16xf32>
        %add3A_750 = arith.addf %add3A_708, %get3A_749 : vector<16xf32>
        scf.yield %add3A_715, %add3A_720, %add3A_725, %add3A_730, %add3A_735, %add3A_740, %add3A_745, %add3A_750 : vector<16xf32>, vector<16xf32>, vector<16xf32>, vector<16xf32>, vector<16xf32>, vector<16xf32>, vector<16xf32>, vector<16xf32>
      }
      %scan3A_116 = arith.constant 88 : i32
      %swap3A = arith.constant 0 : index
      %swap3A_117 = tpu.vector_load %arg17[%swap3A] {strides = array<i32>} : memref<512xf32, #tpu.memory_space<vmem>>, vector<16xf32>,
      %swap3A_118 = vector.shape_cast %swap3A_117 : vector<16xf32> to vector<16xf32>
      %swap3A_119 = vector.shape_cast %scan3A_115#0 : vector<16xf32> to vector<16xf32>
      tpu.vector_store %arg17[%swap3A], %swap3A_119 {strides = array<i32>} : memref<512xf32, #tpu.memory_space<vmem>>, vector<16xf32>,
      %swap3A_120 = arith.constant 16 : index
      %swap3A_121 = tpu.vector_load %arg17[%swap3A_120] {strides = array<i32>} : memref<512xf32, #tpu.memory_space<vmem>>, vector<16xf32>,
      %swap3A_122 = vector.shape_cast %swap3A_121 : vector<16xf32> to vector<16xf32>
      %swap3A_123 = vector.shape_cast %scan3A_115#1 : vector<16xf32> to vector<16xf32>
      tpu.vector_store %arg17[%swap3A_120], %swap3A_123 {strides = array<i32>} : memref<512xf32, #tpu.memory_space<vmem>>, vector<16xf32>,
      %swap3A_124 = arith.constant 32 : index
      %swap3A_125 = tpu.vector_load %arg17[%swap3A_124] {strides = array<i32>} : memref<512xf32, #tpu.memory_space<vmem>>, vector<16xf32>,
      %swap3A_126 = vector.shape_cast %swap3A_125 : vector<16xf32> to vector<16xf32>
      %swap3A_127 = vector.shape_cast %scan3A_115#2 : vector<16xf32> to vector<16xf32>
      tpu.vector_store %arg17[%swap3A_124], %swap3A_127 {strides = array<i32>} : memref<512xf32, #tpu.memory_space<vmem>>, vector<16xf32>,
      %swap3A_128 = arith.constant 48 : index
      %swap3A_129 = tpu.vector_load %arg17[%swap3A_128] {strides = array<i32>} : memref<512xf32, #tpu.memory_space<vmem>>, vector<16xf32>,
      %swap3A_130 = vector.shape_cast %swap3A_129 : vector<16xf32> to vector<16xf32>
      %swap3A_131 = vector.shape_cast %scan3A_115#3 : vector<16xf32> to vector<16xf32>
      tpu.vector_store %arg17[%swap3A_128], %swap3A_131 {strides = array<i32>} : memref<512xf32, #tpu.memory_space<vmem>>, vector<16xf32>,
      %swap3A_132 = arith.constant 64 : index
      %swap3A_133 = tpu.vector_load %arg17[%swap3A_132] {strides = array<i32>} : memref<512xf32, #tpu.memory_space<vmem>>, vector<16xf32>,
      %swap3A_134 = vector.shape_cast %swap3A_133 : vector<16xf32> to vector<16xf32>
      %swap3A_135 = vector.shape_cast %scan3A_115#4 : vector<16xf32> to vector<16xf32>
      tpu.vector_store %arg17[%swap3A_132], %swap3A_135 {strides = array<i32>} : memref<512xf32, #tpu.memory_space<vmem>>, vector<16xf32>,
      %swap3A_136 = arith.constant 80 : index
      %swap3A_137 = tpu.vector_load %arg17[%swap3A_136] {strides = array<i32>} : memref<512xf32, #tpu.memory_space<vmem>>, vector<16xf32>,
      %swap3A_138 = vector.shape_cast %swap3A_137 : vector<16xf32> to vector<16xf32>
      %swap3A_139 = vector.shape_cast %scan3A_115#5 : vector<16xf32> to vector<16xf32>
      tpu.vector_store %arg17[%swap3A_136], %swap3A_139 {strides = array<i32>} : memref<512xf32, #tpu.memory_space<vmem>>, vector<16xf32>,
      %swap3A_140 = arith.constant 96 : index
      %swap3A_141 = tpu.vector_load %arg17[%swap3A_140] {strides = array<i32>} : memref<512xf32, #tpu.memory_space<vmem>>, vector<16xf32>,
      %swap3A_142 = vector.shape_cast %swap3A_141 : vector<16xf32> to vector<16xf32>
      %swap3A_143 = vector.shape_cast %scan3A_115#6 : vector<16xf32> to vector<16xf32>
      tpu.vector_store %arg17[%swap3A_140], %swap3A_143 {strides = array<i32>} : memref<512xf32, #tpu.memory_space<vmem>>, vector<16xf32>,
      %swap3A_144 = arith.constant 112 : index
      %swap3A_145 = tpu.vector_load %arg17[%swap3A_144] {strides = array<i32>} : memref<512xf32, #tpu.memory_space<vmem>>, vector<16xf32>,
      %swap3A_146 = vector.shape_cast %swap3A_145 : vector<16xf32> to vector<16xf32>
      %swap3A_147 = vector.shape_cast %scan3A_115#7 : vector<16xf32> to vector<16xf32>
      tpu.vector_store %arg17[%swap3A_144], %swap3A_147 {strides = array<i32>} : memref<512xf32, #tpu.memory_space<vmem>>, vector<16xf32>,
      %dma_wait3A_148 = arith.constant 0 : i32
      %dma_wait3A_149 = tpu.memref_slice %arg8[%dma_wait3A_148] : memref<11264xi32, #tpu.memory_space<vmem>> -> memref<88xi32, #tpu.memory_space<vmem>>
      %dma_wait3A_150 = arith.constant 0 : i32
      %dma_wait3A_151 = arith.constant 0 : i32
      %dma_wait3A_152 = tpu.memref_slice %arg5[%dma_wait3A_150, %dma_wait3A_151] : memref<100000x128xf32, #tpu.memory_space<hbm>> -> memref<100000x128xf32, #tpu.memory_space<hbm>>
      tpu.wait_indirect_dma semaphore(%arg20 : memref<!tpu.dma_semaphore, #tpu.memory_space<semaphore_mem>>) src(%dma_wait3A_152 : memref<100000x128xf32, #tpu.memory_space<hbm>>) dst(%arg10 : memref<88x128xf32, #tpu.memory_space<vmem>>)
      %broadcast_in_dim3A_153 = arith.constant 0.000000e+00 : f32
      %broadcast_in_dim3A_154 = vector.broadcast %broadcast_in_dim3A_153 : f32 to vector<16xf32>
      %broadcast_in_dim3A_155 = arith.constant 0.000000e+00 : f32
      %broadcast_in_dim3A_156 = vector.broadcast %broadcast_in_dim3A_155 : f32 to vector<16xf32>
      %broadcast_in_dim3A_157 = arith.constant 0.000000e+00 : f32
      %broadcast_in_dim3A_158 = vector.broadcast %broadcast_in_dim3A_157 : f32 to vector<16xf32>
      %broadcast_in_dim3A_159 = arith.constant 0.000000e+00 : f32
      %broadcast_in_dim3A_160 = vector.broadcast %broadcast_in_dim3A_159 : f32 to vector<16xf32>
      %broadcast_in_dim3A_161 = arith.constant 0.000000e+00 : f32
      %broadcast_in_dim3A_162 = vector.broadcast %broadcast_in_dim3A_161 : f32 to vector<16xf32>
      %broadcast_in_dim3A_163 = arith.constant 0.000000e+00 : f32
      %broadcast_in_dim3A_164 = vector.broadcast %broadcast_in_dim3A_163 : f32 to vector<16xf32>
      %broadcast_in_dim3A_165 = arith.constant 0.000000e+00 : f32
      %broadcast_in_dim3A_166 = vector.broadcast %broadcast_in_dim3A_165 : f32 to vector<16xf32>
      %broadcast_in_dim3A_167 = arith.constant 0.000000e+00 : f32
      %broadcast_in_dim3A_168 = vector.broadcast %broadcast_in_dim3A_167 : f32 to vector<16xf32>
      %scan3A_169 = arith.constant 0 : i32
      %scan3A_170 = arith.constant 88 : i32
      %scan3A_171 = arith.addi %scan3A_169, %scan3A_170 : i32
      %scan3A_172 = arith.constant 4 : i32
      %scan3A_173:8 = scf.for %scan3A_577 = %scan3A_169 to %scan3A_171 step %scan3A_172 iter_args(%scan3A_578 = %broadcast_in_dim3A_154, %scan3A_579 = %broadcast_in_dim3A_156, %scan3A_580 = %broadcast_in_dim3A_158, %scan3A_581 = %broadcast_in_dim3A_160, %scan3A_582 = %broadcast_in_dim3A_162, %scan3A_583 = %broadcast_in_dim3A_164, %scan3A_584 = %broadcast_in_dim3A_166, %scan3A_585 = %broadcast_in_dim3A_168) -> (vector<16xf32>, vector<16xf32>, vector<16xf32>, vector<16xf32>, vector<16xf32>, vector<16xf32>, vector<16xf32>, vector<16xf32>)  : i32 {
        %get3A = arith.index_cast %scan3A_577 : i32 to index
        %get3A_586 = arith.constant 0 : index
        %get3A_587 = tpu.vector_load %arg10[%get3A, %get3A_586] {strides = array<i32>} : memref<88x128xf32, #tpu.memory_space<vmem>>, vector<1x16xf32>,
        %get3A_588 = vector.shape_cast %get3A_587 : vector<1x16xf32> to vector<16xf32>
        %add3A_589 = arith.addf %scan3A_578, %get3A_588 : vector<16xf32>
        %get3A_590 = arith.index_cast %scan3A_577 : i32 to index
        %get3A_591 = arith.constant 16 : index
        %get3A_592 = tpu.vector_load %arg10[%get3A_590, %get3A_591] {strides = array<i32>} : memref<88x128xf32, #tpu.memory_space<vmem>>, vector<1x16xf32>,
        %get3A_593 = vector.shape_cast %get3A_592 : vector<1x16xf32> to vector<16xf32>
        %add3A_594 = arith.addf %scan3A_579, %get3A_593 : vector<16xf32>
        %get3A_595 = arith.index_cast %scan3A_577 : i32 to index
        %get3A_596 = arith.constant 32 : index
        %get3A_597 = tpu.vector_load %arg10[%get3A_595, %get3A_596] {strides = array<i32>} : memref<88x128xf32, #tpu.memory_space<vmem>>, vector<1x16xf32>,
        %get3A_598 = vector.shape_cast %get3A_597 : vector<1x16xf32> to vector<16xf32>
        %add3A_599 = arith.addf %scan3A_580, %get3A_598 : vector<16xf32>
        %get3A_600 = arith.index_cast %scan3A_577 : i32 to index
        %get3A_601 = arith.constant 48 : index
        %get3A_602 = tpu.vector_load %arg10[%get3A_600, %get3A_601] {strides = array<i32>} : memref<88x128xf32, #tpu.memory_space<vmem>>, vector<1x16xf32>,
        %get3A_603 = vector.shape_cast %get3A_602 : vector<1x16xf32> to vector<16xf32>
        %add3A_604 = arith.addf %scan3A_581, %get3A_603 : vector<16xf32>
        %get3A_605 = arith.index_cast %scan3A_577 : i32 to index
        %get3A_606 = arith.constant 64 : index
        %get3A_607 = tpu.vector_load %arg10[%get3A_605, %get3A_606] {strides = array<i32>} : memref<88x128xf32, #tpu.memory_space<vmem>>, vector<1x16xf32>,
        %get3A_608 = vector.shape_cast %get3A_607 : vector<1x16xf32> to vector<16xf32>
        %add3A_609 = arith.addf %scan3A_582, %get3A_608 : vector<16xf32>
        %get3A_610 = arith.index_cast %scan3A_577 : i32 to index
        %get3A_611 = arith.constant 80 : index
        %get3A_612 = tpu.vector_load %arg10[%get3A_610, %get3A_611] {strides = array<i32>} : memref<88x128xf32, #tpu.memory_space<vmem>>, vector<1x16xf32>,
        %get3A_613 = vector.shape_cast %get3A_612 : vector<1x16xf32> to vector<16xf32>
        %add3A_614 = arith.addf %scan3A_583, %get3A_613 : vector<16xf32>
        %get3A_615 = arith.index_cast %scan3A_577 : i32 to index
        %get3A_616 = arith.constant 96 : index
        %get3A_617 = tpu.vector_load %arg10[%get3A_615, %get3A_616] {strides = array<i32>} : memref<88x128xf32, #tpu.memory_space<vmem>>, vector<1x16xf32>,
        %get3A_618 = vector.shape_cast %get3A_617 : vector<1x16xf32> to vector<16xf32>
        %add3A_619 = arith.addf %scan3A_584, %get3A_618 : vector<16xf32>
        %get3A_620 = arith.index_cast %scan3A_577 : i32 to index
        %get3A_621 = arith.constant 112 : index
        %get3A_622 = tpu.vector_load %arg10[%get3A_620, %get3A_621] {strides = array<i32>} : memref<88x128xf32, #tpu.memory_space<vmem>>, vector<1x16xf32>,
        %get3A_623 = vector.shape_cast %get3A_622 : vector<1x16xf32> to vector<16xf32>
        %add3A_624 = arith.addf %scan3A_585, %get3A_623 : vector<16xf32>
        %scan3A_625 = arith.constant 1 : i32
        %scan3A_626 = arith.addi %scan3A_577, %scan3A_625 : i32
        %get3A_627 = arith.index_cast %scan3A_626 : i32 to index
        %get3A_628 = arith.constant 0 : index
        %get3A_629 = tpu.vector_load %arg10[%get3A_627, %get3A_628] {strides = array<i32>} : memref<88x128xf32, #tpu.memory_space<vmem>>, vector<1x16xf32>,
        %get3A_630 = vector.shape_cast %get3A_629 : vector<1x16xf32> to vector<16xf32>
        %add3A_631 = arith.addf %add3A_589, %get3A_630 : vector<16xf32>
        %get3A_632 = arith.index_cast %scan3A_626 : i32 to index
        %get3A_633 = arith.constant 16 : index
        %get3A_634 = tpu.vector_load %arg10[%get3A_632, %get3A_633] {strides = array<i32>} : memref<88x128xf32, #tpu.memory_space<vmem>>, vector<1x16xf32>,
        %get3A_635 = vector.shape_cast %get3A_634 : vector<1x16xf32> to vector<16xf32>
        %add3A_636 = arith.addf %add3A_594, %get3A_635 : vector<16xf32>
        %get3A_637 = arith.index_cast %scan3A_626 : i32 to index
        %get3A_638 = arith.constant 32 : index
        %get3A_639 = tpu.vector_load %arg10[%get3A_637, %get3A_638] {strides = array<i32>} : memref<88x128xf32, #tpu.memory_space<vmem>>, vector<1x16xf32>,
        %get3A_640 = vector.shape_cast %get3A_639 : vector<1x16xf32> to vector<16xf32>
        %add3A_641 = arith.addf %add3A_599, %get3A_640 : vector<16xf32>
        %get3A_642 = arith.index_cast %scan3A_626 : i32 to index
        %get3A_643 = arith.constant 48 : index
        %get3A_644 = tpu.vector_load %arg10[%get3A_642, %get3A_643] {strides = array<i32>} : memref<88x128xf32, #tpu.memory_space<vmem>>, vector<1x16xf32>,
        %get3A_645 = vector.shape_cast %get3A_644 : vector<1x16xf32> to vector<16xf32>
        %add3A_646 = arith.addf %add3A_604, %get3A_645 : vector<16xf32>
        %get3A_647 = arith.index_cast %scan3A_626 : i32 to index
        %get3A_648 = arith.constant 64 : index
        %get3A_649 = tpu.vector_load %arg10[%get3A_647, %get3A_648] {strides = array<i32>} : memref<88x128xf32, #tpu.memory_space<vmem>>, vector<1x16xf32>,
        %get3A_650 = vector.shape_cast %get3A_649 : vector<1x16xf32> to vector<16xf32>
        %add3A_651 = arith.addf %add3A_609, %get3A_650 : vector<16xf32>
        %get3A_652 = arith.index_cast %scan3A_626 : i32 to index
        %get3A_653 = arith.constant 80 : index
        %get3A_654 = tpu.vector_load %arg10[%get3A_652, %get3A_653] {strides = array<i32>} : memref<88x128xf32, #tpu.memory_space<vmem>>, vector<1x16xf32>,
        %get3A_655 = vector.shape_cast %get3A_654 : vector<1x16xf32> to vector<16xf32>
        %add3A_656 = arith.addf %add3A_614, %get3A_655 : vector<16xf32>
        %get3A_657 = arith.index_cast %scan3A_626 : i32 to index
        %get3A_658 = arith.constant 96 : index
        %get3A_659 = tpu.vector_load %arg10[%get3A_657, %get3A_658] {strides = array<i32>} : memref<88x128xf32, #tpu.memory_space<vmem>>, vector<1x16xf32>,
        %get3A_660 = vector.shape_cast %get3A_659 : vector<1x16xf32> to vector<16xf32>
        %add3A_661 = arith.addf %add3A_619, %get3A_660 : vector<16xf32>
        %get3A_662 = arith.index_cast %scan3A_626 : i32 to index
        %get3A_663 = arith.constant 112 : index
        %get3A_664 = tpu.vector_load %arg10[%get3A_662, %get3A_663] {strides = array<i32>} : memref<88x128xf32, #tpu.memory_space<vmem>>, vector<1x16xf32>,
        %get3A_665 = vector.shape_cast %get3A_664 : vector<1x16xf32> to vector<16xf32>
        %add3A_666 = arith.addf %add3A_624, %get3A_665 : vector<16xf32>
        %scan3A_667 = arith.constant 2 : i32
        %scan3A_668 = arith.addi %scan3A_577, %scan3A_667 : i32
        %get3A_669 = arith.index_cast %scan3A_668 : i32 to index
        %get3A_670 = arith.constant 0 : index
        %get3A_671 = tpu.vector_load %arg10[%get3A_669, %get3A_670] {strides = array<i32>} : memref<88x128xf32, #tpu.memory_space<vmem>>, vector<1x16xf32>,
        %get3A_672 = vector.shape_cast %get3A_671 : vector<1x16xf32> to vector<16xf32>
        %add3A_673 = arith.addf %add3A_631, %get3A_672 : vector<16xf32>
        %get3A_674 = arith.index_cast %scan3A_668 : i32 to index
        %get3A_675 = arith.constant 16 : index
        %get3A_676 = tpu.vector_load %arg10[%get3A_674, %get3A_675] {strides = array<i32>} : memref<88x128xf32, #tpu.memory_space<vmem>>, vector<1x16xf32>,
        %get3A_677 = vector.shape_cast %get3A_676 : vector<1x16xf32> to vector<16xf32>
        %add3A_678 = arith.addf %add3A_636, %get3A_677 : vector<16xf32>
        %get3A_679 = arith.index_cast %scan3A_668 : i32 to index
        %get3A_680 = arith.constant 32 : index
        %get3A_681 = tpu.vector_load %arg10[%get3A_679, %get3A_680] {strides = array<i32>} : memref<88x128xf32, #tpu.memory_space<vmem>>, vector<1x16xf32>,
        %get3A_682 = vector.shape_cast %get3A_681 : vector<1x16xf32> to vector<16xf32>
        %add3A_683 = arith.addf %add3A_641, %get3A_682 : vector<16xf32>
        %get3A_684 = arith.index_cast %scan3A_668 : i32 to index
        %get3A_685 = arith.constant 48 : index
        %get3A_686 = tpu.vector_load %arg10[%get3A_684, %get3A_685] {strides = array<i32>} : memref<88x128xf32, #tpu.memory_space<vmem>>, vector<1x16xf32>,
        %get3A_687 = vector.shape_cast %get3A_686 : vector<1x16xf32> to vector<16xf32>
        %add3A_688 = arith.addf %add3A_646, %get3A_687 : vector<16xf32>
        %get3A_689 = arith.index_cast %scan3A_668 : i32 to index
        %get3A_690 = arith.constant 64 : index
        %get3A_691 = tpu.vector_load %arg10[%get3A_689, %get3A_690] {strides = array<i32>} : memref<88x128xf32, #tpu.memory_space<vmem>>, vector<1x16xf32>,
        %get3A_692 = vector.shape_cast %get3A_691 : vector<1x16xf32> to vector<16xf32>
        %add3A_693 = arith.addf %add3A_651, %get3A_692 : vector<16xf32>
        %get3A_694 = arith.index_cast %scan3A_668 : i32 to index
        %get3A_695 = arith.constant 80 : index
        %get3A_696 = tpu.vector_load %arg10[%get3A_694, %get3A_695] {strides = array<i32>} : memref<88x128xf32, #tpu.memory_space<vmem>>, vector<1x16xf32>,
        %get3A_697 = vector.shape_cast %get3A_696 : vector<1x16xf32> to vector<16xf32>
        %add3A_698 = arith.addf %add3A_656, %get3A_697 : vector<16xf32>
        %get3A_699 = arith.index_cast %scan3A_668 : i32 to index
        %get3A_700 = arith.constant 96 : index
        %get3A_701 = tpu.vector_load %arg10[%get3A_699, %get3A_700] {strides = array<i32>} : memref<88x128xf32, #tpu.memory_space<vmem>>, vector<1x16xf32>,
        %get3A_702 = vector.shape_cast %get3A_701 : vector<1x16xf32> to vector<16xf32>
        %add3A_703 = arith.addf %add3A_661, %get3A_702 : vector<16xf32>
        %get3A_704 = arith.index_cast %scan3A_668 : i32 to index
        %get3A_705 = arith.constant 112 : index
        %get3A_706 = tpu.vector_load %arg10[%get3A_704, %get3A_705] {strides = array<i32>} : memref<88x128xf32, #tpu.memory_space<vmem>>, vector<1x16xf32>,
        %get3A_707 = vector.shape_cast %get3A_706 : vector<1x16xf32> to vector<16xf32>
        %add3A_708 = arith.addf %add3A_666, %get3A_707 : vector<16xf32>
        %scan3A_709 = arith.constant 3 : i32
        %scan3A_710 = arith.addi %scan3A_577, %scan3A_709 : i32
        %get3A_711 = arith.index_cast %scan3A_710 : i32 to index
        %get3A_712 = arith.constant 0 : index
        %get3A_713 = tpu.vector_load %arg10[%get3A_711, %get3A_712] {strides = array<i32>} : memref<88x128xf32, #tpu.memory_space<vmem>>, vector<1x16xf32>,
        %get3A_714 = vector.shape_cast %get3A_713 : vector<1x16xf32> to vector<16xf32>
        %add3A_715 = arith.addf %add3A_673, %get3A_714 : vector<16xf32>
        %get3A_716 = arith.index_cast %scan3A_710 : i32 to index
        %get3A_717 = arith.constant 16 : index
        %get3A_718 = tpu.vector_load %arg10[%get3A_716, %get3A_717] {strides = array<i32>} : memref<88x128xf32, #tpu.memory_space<vmem>>, vector<1x16xf32>,
        %get3A_719 = vector.shape_cast %get3A_718 : vector<1x16xf32> to vector<16xf32>
        %add3A_720 = arith.addf %add3A_678, %get3A_719 : vector<16xf32>
        %get3A_721 = arith.index_cast %scan3A_710 : i32 to index
        %get3A_722 = arith.constant 32 : index
        %get3A_723 = tpu.vector_load %arg10[%get3A_721, %get3A_722] {strides = array<i32>} : memref<88x128xf32, #tpu.memory_space<vmem>>, vector<1x16xf32>,
        %get3A_724 = vector.shape_cast %get3A_723 : vector<1x16xf32> to vector<16xf32>
        %add3A_725 = arith.addf %add3A_683, %get3A_724 : vector<16xf32>
        %get3A_726 = arith.index_cast %scan3A_710 : i32 to index
        %get3A_727 = arith.constant 48 : index
        %get3A_728 = tpu.vector_load %arg10[%get3A_726, %get3A_727] {strides = array<i32>} : memref<88x128xf32, #tpu.memory_space<vmem>>, vector<1x16xf32>,
        %get3A_729 = vector.shape_cast %get3A_728 : vector<1x16xf32> to vector<16xf32>
        %add3A_730 = arith.addf %add3A_688, %get3A_729 : vector<16xf32>
        %get3A_731 = arith.index_cast %scan3A_710 : i32 to index
        %get3A_732 = arith.constant 64 : index
        %get3A_733 = tpu.vector_load %arg10[%get3A_731, %get3A_732] {strides = array<i32>} : memref<88x128xf32, #tpu.memory_space<vmem>>, vector<1x16xf32>,
        %get3A_734 = vector.shape_cast %get3A_733 : vector<1x16xf32> to vector<16xf32>
        %add3A_735 = arith.addf %add3A_693, %get3A_734 : vector<16xf32>
        %get3A_736 = arith.index_cast %scan3A_710 : i32 to index
        %get3A_737 = arith.constant 80 : index
        %get3A_738 = tpu.vector_load %arg10[%get3A_736, %get3A_737] {strides = array<i32>} : memref<88x128xf32, #tpu.memory_space<vmem>>, vector<1x16xf32>,
        %get3A_739 = vector.shape_cast %get3A_738 : vector<1x16xf32> to vector<16xf32>
        %add3A_740 = arith.addf %add3A_698, %get3A_739 : vector<16xf32>
        %get3A_741 = arith.index_cast %scan3A_710 : i32 to index
        %get3A_742 = arith.constant 96 : index
        %get3A_743 = tpu.vector_load %arg10[%get3A_741, %get3A_742] {strides = array<i32>} : memref<88x128xf32, #tpu.memory_space<vmem>>, vector<1x16xf32>,
        %get3A_744 = vector.shape_cast %get3A_743 : vector<1x16xf32> to vector<16xf32>
        %add3A_745 = arith.addf %add3A_703, %get3A_744 : vector<16xf32>
        %get3A_746 = arith.index_cast %scan3A_710 : i32 to index
        %get3A_747 = arith.constant 112 : index
        %get3A_748 = tpu.vector_load %arg10[%get3A_746, %get3A_747] {strides = array<i32>} : memref<88x128xf32, #tpu.memory_space<vmem>>, vector<1x16xf32>,
        %get3A_749 = vector.shape_cast %get3A_748 : vector<1x16xf32> to vector<16xf32>
        %add3A_750 = arith.addf %add3A_708, %get3A_749 : vector<16xf32>
        scf.yield %add3A_715, %add3A_720, %add3A_725, %add3A_730, %add3A_735, %add3A_740, %add3A_745, %add3A_750 : vector<16xf32>, vector<16xf32>, vector<16xf32>, vector<16xf32>, vector<16xf32>, vector<16xf32>, vector<16xf32>, vector<16xf32>
      }
      %scan3A_174 = arith.constant 88 : i32
      %swap3A_175 = arith.constant 128 : index
      %swap3A_176 = tpu.vector_load %arg17[%swap3A_175] {strides = array<i32>} : memref<512xf32, #tpu.memory_space<vmem>>, vector<16xf32>,
      %swap3A_177 = vector.shape_cast %swap3A_176 : vector<16xf32> to vector<16xf32>
      %swap3A_178 = vector.shape_cast %scan3A_173#0 : vector<16xf32> to vector<16xf32>
      tpu.vector_store %arg17[%swap3A_175], %swap3A_178 {strides = array<i32>} : memref<512xf32, #tpu.memory_space<vmem>>, vector<16xf32>,
      %swap3A_179 = arith.constant 144 : index
      %swap3A_180 = tpu.vector_load %arg17[%swap3A_179] {strides = array<i32>} : memref<512xf32, #tpu.memory_space<vmem>>, vector<16xf32>,
      %swap3A_181 = vector.shape_cast %swap3A_180 : vector<16xf32> to vector<16xf32>
      %swap3A_182 = vector.shape_cast %scan3A_173#1 : vector<16xf32> to vector<16xf32>
      tpu.vector_store %arg17[%swap3A_179], %swap3A_182 {strides = array<i32>} : memref<512xf32, #tpu.memory_space<vmem>>, vector<16xf32>,
      %swap3A_183 = arith.constant 160 : index
      %swap3A_184 = tpu.vector_load %arg17[%swap3A_183] {strides = array<i32>} : memref<512xf32, #tpu.memory_space<vmem>>, vector<16xf32>,
      %swap3A_185 = vector.shape_cast %swap3A_184 : vector<16xf32> to vector<16xf32>
      %swap3A_186 = vector.shape_cast %scan3A_173#2 : vector<16xf32> to vector<16xf32>
      tpu.vector_store %arg17[%swap3A_183], %swap3A_186 {strides = array<i32>} : memref<512xf32, #tpu.memory_space<vmem>>, vector<16xf32>,
      %swap3A_187 = arith.constant 176 : index
      %swap3A_188 = tpu.vector_load %arg17[%swap3A_187] {strides = array<i32>} : memref<512xf32, #tpu.memory_space<vmem>>, vector<16xf32>,
      %swap3A_189 = vector.shape_cast %swap3A_188 : vector<16xf32> to vector<16xf32>
      %swap3A_190 = vector.shape_cast %scan3A_173#3 : vector<16xf32> to vector<16xf32>
      tpu.vector_store %arg17[%swap3A_187], %swap3A_190 {strides = array<i32>} : memref<512xf32, #tpu.memory_space<vmem>>, vector<16xf32>,
      %swap3A_191 = arith.constant 192 : index
      %swap3A_192 = tpu.vector_load %arg17[%swap3A_191] {strides = array<i32>} : memref<512xf32, #tpu.memory_space<vmem>>, vector<16xf32>,
      %swap3A_193 = vector.shape_cast %swap3A_192 : vector<16xf32> to vector<16xf32>
      %swap3A_194 = vector.shape_cast %scan3A_173#4 : vector<16xf32> to vector<16xf32>
      tpu.vector_store %arg17[%swap3A_191], %swap3A_194 {strides = array<i32>} : memref<512xf32, #tpu.memory_space<vmem>>, vector<16xf32>,
      %swap3A_195 = arith.constant 208 : index
      %swap3A_196 = tpu.vector_load %arg17[%swap3A_195] {strides = array<i32>} : memref<512xf32, #tpu.memory_space<vmem>>, vector<16xf32>,
      %swap3A_197 = vector.shape_cast %swap3A_196 : vector<16xf32> to vector<16xf32>
      %swap3A_198 = vector.shape_cast %scan3A_173#5 : vector<16xf32> to vector<16xf32>
      tpu.vector_store %arg17[%swap3A_195], %swap3A_198 {strides = array<i32>} : memref<512xf32, #tpu.memory_space<vmem>>, vector<16xf32>,
      %swap3A_199 = arith.constant 224 : index
      %swap3A_200 = tpu.vector_load %arg17[%swap3A_199] {strides = array<i32>} : memref<512xf32, #tpu.memory_space<vmem>>, vector<16xf32>,
      %swap3A_201 = vector.shape_cast %swap3A_200 : vector<16xf32> to vector<16xf32>
      %swap3A_202 = vector.shape_cast %scan3A_173#6 : vector<16xf32> to vector<16xf32>
      tpu.vector_store %arg17[%swap3A_199], %swap3A_202 {strides = array<i32>} : memref<512xf32, #tpu.memory_space<vmem>>, vector<16xf32>,
      %swap3A_203 = arith.constant 240 : index
      %swap3A_204 = tpu.vector_load %arg17[%swap3A_203] {strides = array<i32>} : memref<512xf32, #tpu.memory_space<vmem>>, vector<16xf32>,
      %swap3A_205 = vector.shape_cast %swap3A_204 : vector<16xf32> to vector<16xf32>
      %swap3A_206 = vector.shape_cast %scan3A_173#7 : vector<16xf32> to vector<16xf32>
      tpu.vector_store %arg17[%swap3A_203], %swap3A_206 {strides = array<i32>} : memref<512xf32, #tpu.memory_space<vmem>>, vector<16xf32>,
      %dma_wait3A_207 = arith.constant 0 : i32
      %dma_wait3A_208 = tpu.memref_slice %arg8[%dma_wait3A_207] : memref<11264xi32, #tpu.memory_space<vmem>> -> memref<88xi32, #tpu.memory_space<vmem>>
      %dma_wait3A_209 = arith.constant 0 : i32
      %dma_wait3A_210 = arith.constant 0 : i32
      %dma_wait3A_211 = tpu.memref_slice %arg5[%dma_wait3A_209, %dma_wait3A_210] : memref<100000x128xf32, #tpu.memory_space<hbm>> -> memref<100000x128xf32, #tpu.memory_space<hbm>>
      tpu.wait_indirect_dma semaphore(%arg21 : memref<!tpu.dma_semaphore, #tpu.memory_space<semaphore_mem>>) src(%dma_wait3A_211 : memref<100000x128xf32, #tpu.memory_space<hbm>>) dst(%arg11 : memref<88x128xf32, #tpu.memory_space<vmem>>)
      %broadcast_in_dim3A_212 = arith.constant 0.000000e+00 : f32
      %broadcast_in_dim3A_213 = vector.broadcast %broadcast_in_dim3A_212 : f32 to vector<16xf32>
      %broadcast_in_dim3A_214 = arith.constant 0.000000e+00 : f32
      %broadcast_in_dim3A_215 = vector.broadcast %broadcast_in_dim3A_214 : f32 to vector<16xf32>
      %broadcast_in_dim3A_216 = arith.constant 0.000000e+00 : f32
      %broadcast_in_dim3A_217 = vector.broadcast %broadcast_in_dim3A_216 : f32 to vector<16xf32>
      %broadcast_in_dim3A_218 = arith.constant 0.000000e+00 : f32
      %broadcast_in_dim3A_219 = vector.broadcast %broadcast_in_dim3A_218 : f32 to vector<16xf32>
      %broadcast_in_dim3A_220 = arith.constant 0.000000e+00 : f32
      %broadcast_in_dim3A_221 = vector.broadcast %broadcast_in_dim3A_220 : f32 to vector<16xf32>
      %broadcast_in_dim3A_222 = arith.constant 0.000000e+00 : f32
      %broadcast_in_dim3A_223 = vector.broadcast %broadcast_in_dim3A_222 : f32 to vector<16xf32>
      %broadcast_in_dim3A_224 = arith.constant 0.000000e+00 : f32
      %broadcast_in_dim3A_225 = vector.broadcast %broadcast_in_dim3A_224 : f32 to vector<16xf32>
      %broadcast_in_dim3A_226 = arith.constant 0.000000e+00 : f32
      %broadcast_in_dim3A_227 = vector.broadcast %broadcast_in_dim3A_226 : f32 to vector<16xf32>
      %scan3A_228 = arith.constant 0 : i32
      %scan3A_229 = arith.constant 88 : i32
      %scan3A_230 = arith.addi %scan3A_228, %scan3A_229 : i32
      %scan3A_231 = arith.constant 4 : i32
      %scan3A_232:8 = scf.for %scan3A_577 = %scan3A_228 to %scan3A_230 step %scan3A_231 iter_args(%scan3A_578 = %broadcast_in_dim3A_213, %scan3A_579 = %broadcast_in_dim3A_215, %scan3A_580 = %broadcast_in_dim3A_217, %scan3A_581 = %broadcast_in_dim3A_219, %scan3A_582 = %broadcast_in_dim3A_221, %scan3A_583 = %broadcast_in_dim3A_223, %scan3A_584 = %broadcast_in_dim3A_225, %scan3A_585 = %broadcast_in_dim3A_227) -> (vector<16xf32>, vector<16xf32>, vector<16xf32>, vector<16xf32>, vector<16xf32>, vector<16xf32>, vector<16xf32>, vector<16xf32>)  : i32 {
        %get3A = arith.index_cast %scan3A_577 : i32 to index
        %get3A_586 = arith.constant 0 : index
        %get3A_587 = tpu.vector_load %arg11[%get3A, %get3A_586] {strides = array<i32>} : memref<88x128xf32, #tpu.memory_space<vmem>>, vector<1x16xf32>,
        %get3A_588 = vector.shape_cast %get3A_587 : vector<1x16xf32> to vector<16xf32>
        %add3A_589 = arith.addf %scan3A_578, %get3A_588 : vector<16xf32>
        %get3A_590 = arith.index_cast %scan3A_577 : i32 to index
        %get3A_591 = arith.constant 16 : index
        %get3A_592 = tpu.vector_load %arg11[%get3A_590, %get3A_591] {strides = array<i32>} : memref<88x128xf32, #tpu.memory_space<vmem>>, vector<1x16xf32>,
        %get3A_593 = vector.shape_cast %get3A_592 : vector<1x16xf32> to vector<16xf32>
        %add3A_594 = arith.addf %scan3A_579, %get3A_593 : vector<16xf32>
        %get3A_595 = arith.index_cast %scan3A_577 : i32 to index
        %get3A_596 = arith.constant 32 : index
        %get3A_597 = tpu.vector_load %arg11[%get3A_595, %get3A_596] {strides = array<i32>} : memref<88x128xf32, #tpu.memory_space<vmem>>, vector<1x16xf32>,
        %get3A_598 = vector.shape_cast %get3A_597 : vector<1x16xf32> to vector<16xf32>
        %add3A_599 = arith.addf %scan3A_580, %get3A_598 : vector<16xf32>
        %get3A_600 = arith.index_cast %scan3A_577 : i32 to index
        %get3A_601 = arith.constant 48 : index
        %get3A_602 = tpu.vector_load %arg11[%get3A_600, %get3A_601] {strides = array<i32>} : memref<88x128xf32, #tpu.memory_space<vmem>>, vector<1x16xf32>,
        %get3A_603 = vector.shape_cast %get3A_602 : vector<1x16xf32> to vector<16xf32>
        %add3A_604 = arith.addf %scan3A_581, %get3A_603 : vector<16xf32>
        %get3A_605 = arith.index_cast %scan3A_577 : i32 to index
        %get3A_606 = arith.constant 64 : index
        %get3A_607 = tpu.vector_load %arg11[%get3A_605, %get3A_606] {strides = array<i32>} : memref<88x128xf32, #tpu.memory_space<vmem>>, vector<1x16xf32>,
        %get3A_608 = vector.shape_cast %get3A_607 : vector<1x16xf32> to vector<16xf32>
        %add3A_609 = arith.addf %scan3A_582, %get3A_608 : vector<16xf32>
        %get3A_610 = arith.index_cast %scan3A_577 : i32 to index
        %get3A_611 = arith.constant 80 : index
        %get3A_612 = tpu.vector_load %arg11[%get3A_610, %get3A_611] {strides = array<i32>} : memref<88x128xf32, #tpu.memory_space<vmem>>, vector<1x16xf32>,
        %get3A_613 = vector.shape_cast %get3A_612 : vector<1x16xf32> to vector<16xf32>
        %add3A_614 = arith.addf %scan3A_583, %get3A_613 : vector<16xf32>
        %get3A_615 = arith.index_cast %scan3A_577 : i32 to index
        %get3A_616 = arith.constant 96 : index
        %get3A_617 = tpu.vector_load %arg11[%get3A_615, %get3A_616] {strides = array<i32>} : memref<88x128xf32, #tpu.memory_space<vmem>>, vector<1x16xf32>,
        %get3A_618 = vector.shape_cast %get3A_617 : vector<1x16xf32> to vector<16xf32>
        %add3A_619 = arith.addf %scan3A_584, %get3A_618 : vector<16xf32>
        %get3A_620 = arith.index_cast %scan3A_577 : i32 to index
        %get3A_621 = arith.constant 112 : index
        %get3A_622 = tpu.vector_load %arg11[%get3A_620, %get3A_621] {strides = array<i32>} : memref<88x128xf32, #tpu.memory_space<vmem>>, vector<1x16xf32>,
        %get3A_623 = vector.shape_cast %get3A_622 : vector<1x16xf32> to vector<16xf32>
        %add3A_624 = arith.addf %scan3A_585, %get3A_623 : vector<16xf32>
        %scan3A_625 = arith.constant 1 : i32
        %scan3A_626 = arith.addi %scan3A_577, %scan3A_625 : i32
        %get3A_627 = arith.index_cast %scan3A_626 : i32 to index
        %get3A_628 = arith.constant 0 : index
        %get3A_629 = tpu.vector_load %arg11[%get3A_627, %get3A_628] {strides = array<i32>} : memref<88x128xf32, #tpu.memory_space<vmem>>, vector<1x16xf32>,
        %get3A_630 = vector.shape_cast %get3A_629 : vector<1x16xf32> to vector<16xf32>
        %add3A_631 = arith.addf %add3A_589, %get3A_630 : vector<16xf32>
        %get3A_632 = arith.index_cast %scan3A_626 : i32 to index
        %get3A_633 = arith.constant 16 : index
        %get3A_634 = tpu.vector_load %arg11[%get3A_632, %get3A_633] {strides = array<i32>} : memref<88x128xf32, #tpu.memory_space<vmem>>, vector<1x16xf32>,
        %get3A_635 = vector.shape_cast %get3A_634 : vector<1x16xf32> to vector<16xf32>
        %add3A_636 = arith.addf %add3A_594, %get3A_635 : vector<16xf32>
        %get3A_637 = arith.index_cast %scan3A_626 : i32 to index
        %get3A_638 = arith.constant 32 : index
        %get3A_639 = tpu.vector_load %arg11[%get3A_637, %get3A_638] {strides = array<i32>} : memref<88x128xf32, #tpu.memory_space<vmem>>, vector<1x16xf32>,
        %get3A_640 = vector.shape_cast %get3A_639 : vector<1x16xf32> to vector<16xf32>
        %add3A_641 = arith.addf %add3A_599, %get3A_640 : vector<16xf32>
        %get3A_642 = arith.index_cast %scan3A_626 : i32 to index
        %get3A_643 = arith.constant 48 : index
        %get3A_644 = tpu.vector_load %arg11[%get3A_642, %get3A_643] {strides = array<i32>} : memref<88x128xf32, #tpu.memory_space<vmem>>, vector<1x16xf32>,
        %get3A_645 = vector.shape_cast %get3A_644 : vector<1x16xf32> to vector<16xf32>
        %add3A_646 = arith.addf %add3A_604, %get3A_645 : vector<16xf32>
        %get3A_647 = arith.index_cast %scan3A_626 : i32 to index
        %get3A_648 = arith.constant 64 : index
        %get3A_649 = tpu.vector_load %arg11[%get3A_647, %get3A_648] {strides = array<i32>} : memref<88x128xf32, #tpu.memory_space<vmem>>, vector<1x16xf32>,
        %get3A_650 = vector.shape_cast %get3A_649 : vector<1x16xf32> to vector<16xf32>
        %add3A_651 = arith.addf %add3A_609, %get3A_650 : vector<16xf32>
        %get3A_652 = arith.index_cast %scan3A_626 : i32 to index
        %get3A_653 = arith.constant 80 : index
        %get3A_654 = tpu.vector_load %arg11[%get3A_652, %get3A_653] {strides = array<i32>} : memref<88x128xf32, #tpu.memory_space<vmem>>, vector<1x16xf32>,
        %get3A_655 = vector.shape_cast %get3A_654 : vector<1x16xf32> to vector<16xf32>
        %add3A_656 = arith.addf %add3A_614, %get3A_655 : vector<16xf32>
        %get3A_657 = arith.index_cast %scan3A_626 : i32 to index
        %get3A_658 = arith.constant 96 : index
        %get3A_659 = tpu.vector_load %arg11[%get3A_657, %get3A_658] {strides = array<i32>} : memref<88x128xf32, #tpu.memory_space<vmem>>, vector<1x16xf32>,
        %get3A_660 = vector.shape_cast %get3A_659 : vector<1x16xf32> to vector<16xf32>
        %add3A_661 = arith.addf %add3A_619, %get3A_660 : vector<16xf32>
        %get3A_662 = arith.index_cast %scan3A_626 : i32 to index
        %get3A_663 = arith.constant 112 : index
        %get3A_664 = tpu.vector_load %arg11[%get3A_662, %get3A_663] {strides = array<i32>} : memref<88x128xf32, #tpu.memory_space<vmem>>, vector<1x16xf32>,
        %get3A_665 = vector.shape_cast %get3A_664 : vector<1x16xf32> to vector<16xf32>
        %add3A_666 = arith.addf %add3A_624, %get3A_665 : vector<16xf32>
        %scan3A_667 = arith.constant 2 : i32
        %scan3A_668 = arith.addi %scan3A_577, %scan3A_667 : i32
        %get3A_669 = arith.index_cast %scan3A_668 : i32 to index
        %get3A_670 = arith.constant 0 : index
        %get3A_671 = tpu.vector_load %arg11[%get3A_669, %get3A_670] {strides = array<i32>} : memref<88x128xf32, #tpu.memory_space<vmem>>, vector<1x16xf32>,
        %get3A_672 = vector.shape_cast %get3A_671 : vector<1x16xf32> to vector<16xf32>
        %add3A_673 = arith.addf %add3A_631, %get3A_672 : vector<16xf32>
        %get3A_674 = arith.index_cast %scan3A_668 : i32 to index
        %get3A_675 = arith.constant 16 : index
        %get3A_676 = tpu.vector_load %arg11[%get3A_674, %get3A_675] {strides = array<i32>} : memref<88x128xf32, #tpu.memory_space<vmem>>, vector<1x16xf32>,
        %get3A_677 = vector.shape_cast %get3A_676 : vector<1x16xf32> to vector<16xf32>
        %add3A_678 = arith.addf %add3A_636, %get3A_677 : vector<16xf32>
        %get3A_679 = arith.index_cast %scan3A_668 : i32 to index
        %get3A_680 = arith.constant 32 : index
        %get3A_681 = tpu.vector_load %arg11[%get3A_679, %get3A_680] {strides = array<i32>} : memref<88x128xf32, #tpu.memory_space<vmem>>, vector<1x16xf32>,
        %get3A_682 = vector.shape_cast %get3A_681 : vector<1x16xf32> to vector<16xf32>
        %add3A_683 = arith.addf %add3A_641, %get3A_682 : vector<16xf32>
        %get3A_684 = arith.index_cast %scan3A_668 : i32 to index
        %get3A_685 = arith.constant 48 : index
        %get3A_686 = tpu.vector_load %arg11[%get3A_684, %get3A_685] {strides = array<i32>} : memref<88x128xf32, #tpu.memory_space<vmem>>, vector<1x16xf32>,
        %get3A_687 = vector.shape_cast %get3A_686 : vector<1x16xf32> to vector<16xf32>
        %add3A_688 = arith.addf %add3A_646, %get3A_687 : vector<16xf32>
        %get3A_689 = arith.index_cast %scan3A_668 : i32 to index
        %get3A_690 = arith.constant 64 : index
        %get3A_691 = tpu.vector_load %arg11[%get3A_689, %get3A_690] {strides = array<i32>} : memref<88x128xf32, #tpu.memory_space<vmem>>, vector<1x16xf32>,
        %get3A_692 = vector.shape_cast %get3A_691 : vector<1x16xf32> to vector<16xf32>
        %add3A_693 = arith.addf %add3A_651, %get3A_692 : vector<16xf32>
        %get3A_694 = arith.index_cast %scan3A_668 : i32 to index
        %get3A_695 = arith.constant 80 : index
        %get3A_696 = tpu.vector_load %arg11[%get3A_694, %get3A_695] {strides = array<i32>} : memref<88x128xf32, #tpu.memory_space<vmem>>, vector<1x16xf32>,
        %get3A_697 = vector.shape_cast %get3A_696 : vector<1x16xf32> to vector<16xf32>
        %add3A_698 = arith.addf %add3A_656, %get3A_697 : vector<16xf32>
        %get3A_699 = arith.index_cast %scan3A_668 : i32 to index
        %get3A_700 = arith.constant 96 : index
        %get3A_701 = tpu.vector_load %arg11[%get3A_699, %get3A_700] {strides = array<i32>} : memref<88x128xf32, #tpu.memory_space<vmem>>, vector<1x16xf32>,
        %get3A_702 = vector.shape_cast %get3A_701 : vector<1x16xf32> to vector<16xf32>
        %add3A_703 = arith.addf %add3A_661, %get3A_702 : vector<16xf32>
        %get3A_704 = arith.index_cast %scan3A_668 : i32 to index
        %get3A_705 = arith.constant 112 : index
        %get3A_706 = tpu.vector_load %arg11[%get3A_704, %get3A_705] {strides = array<i32>} : memref<88x128xf32, #tpu.memory_space<vmem>>, vector<1x16xf32>,
        %get3A_707 = vector.shape_cast %get3A_706 : vector<1x16xf32> to vector<16xf32>
        %add3A_708 = arith.addf %add3A_666, %get3A_707 : vector<16xf32>
        %scan3A_709 = arith.constant 3 : i32
        %scan3A_710 = arith.addi %scan3A_577, %scan3A_709 : i32
        %get3A_711 = arith.index_cast %scan3A_710 : i32 to index
        %get3A_712 = arith.constant 0 : index
        %get3A_713 = tpu.vector_load %arg11[%get3A_711, %get3A_712] {strides = array<i32>} : memref<88x128xf32, #tpu.memory_space<vmem>>, vector<1x16xf32>,
        %get3A_714 = vector.shape_cast %get3A_713 : vector<1x16xf32> to vector<16xf32>
        %add3A_715 = arith.addf %add3A_673, %get3A_714 : vector<16xf32>
        %get3A_716 = arith.index_cast %scan3A_710 : i32 to index
        %get3A_717 = arith.constant 16 : index
        %get3A_718 = tpu.vector_load %arg11[%get3A_716, %get3A_717] {strides = array<i32>} : memref<88x128xf32, #tpu.memory_space<vmem>>, vector<1x16xf32>,
        %get3A_719 = vector.shape_cast %get3A_718 : vector<1x16xf32> to vector<16xf32>
        %add3A_720 = arith.addf %add3A_678, %get3A_719 : vector<16xf32>
        %get3A_721 = arith.index_cast %scan3A_710 : i32 to index
        %get3A_722 = arith.constant 32 : index
        %get3A_723 = tpu.vector_load %arg11[%get3A_721, %get3A_722] {strides = array<i32>} : memref<88x128xf32, #tpu.memory_space<vmem>>, vector<1x16xf32>,
        %get3A_724 = vector.shape_cast %get3A_723 : vector<1x16xf32> to vector<16xf32>
        %add3A_725 = arith.addf %add3A_683, %get3A_724 : vector<16xf32>
        %get3A_726 = arith.index_cast %scan3A_710 : i32 to index
        %get3A_727 = arith.constant 48 : index
        %get3A_728 = tpu.vector_load %arg11[%get3A_726, %get3A_727] {strides = array<i32>} : memref<88x128xf32, #tpu.memory_space<vmem>>, vector<1x16xf32>,
        %get3A_729 = vector.shape_cast %get3A_728 : vector<1x16xf32> to vector<16xf32>
        %add3A_730 = arith.addf %add3A_688, %get3A_729 : vector<16xf32>
        %get3A_731 = arith.index_cast %scan3A_710 : i32 to index
        %get3A_732 = arith.constant 64 : index
        %get3A_733 = tpu.vector_load %arg11[%get3A_731, %get3A_732] {strides = array<i32>} : memref<88x128xf32, #tpu.memory_space<vmem>>, vector<1x16xf32>,
        %get3A_734 = vector.shape_cast %get3A_733 : vector<1x16xf32> to vector<16xf32>
        %add3A_735 = arith.addf %add3A_693, %get3A_734 : vector<16xf32>
        %get3A_736 = arith.index_cast %scan3A_710 : i32 to index
        %get3A_737 = arith.constant 80 : index
        %get3A_738 = tpu.vector_load %arg11[%get3A_736, %get3A_737] {strides = array<i32>} : memref<88x128xf32, #tpu.memory_space<vmem>>, vector<1x16xf32>,
        %get3A_739 = vector.shape_cast %get3A_738 : vector<1x16xf32> to vector<16xf32>
        %add3A_740 = arith.addf %add3A_698, %get3A_739 : vector<16xf32>
        %get3A_741 = arith.index_cast %scan3A_710 : i32 to index
        %get3A_742 = arith.constant 96 : index
        %get3A_743 = tpu.vector_load %arg11[%get3A_741, %get3A_742] {strides = array<i32>} : memref<88x128xf32, #tpu.memory_space<vmem>>, vector<1x16xf32>,
        %get3A_744 = vector.shape_cast %get3A_743 : vector<1x16xf32> to vector<16xf32>
        %add3A_745 = arith.addf %add3A_703, %get3A_744 : vector<16xf32>
        %get3A_746 = arith.index_cast %scan3A_710 : i32 to index
        %get3A_747 = arith.constant 112 : index
        %get3A_748 = tpu.vector_load %arg11[%get3A_746, %get3A_747] {strides = array<i32>} : memref<88x128xf32, #tpu.memory_space<vmem>>, vector<1x16xf32>,
        %get3A_749 = vector.shape_cast %get3A_748 : vector<1x16xf32> to vector<16xf32>
        %add3A_750 = arith.addf %add3A_708, %get3A_749 : vector<16xf32>
        scf.yield %add3A_715, %add3A_720, %add3A_725, %add3A_730, %add3A_735, %add3A_740, %add3A_745, %add3A_750 : vector<16xf32>, vector<16xf32>, vector<16xf32>, vector<16xf32>, vector<16xf32>, vector<16xf32>, vector<16xf32>, vector<16xf32>
      }
      %scan3A_233 = arith.constant 88 : i32
      %swap3A_234 = arith.constant 256 : index
      %swap3A_235 = tpu.vector_load %arg17[%swap3A_234] {strides = array<i32>} : memref<512xf32, #tpu.memory_space<vmem>>, vector<16xf32>,
      %swap3A_236 = vector.shape_cast %swap3A_235 : vector<16xf32> to vector<16xf32>
      %swap3A_237 = vector.shape_cast %scan3A_232#0 : vector<16xf32> to vector<16xf32>
      tpu.vector_store %arg17[%swap3A_234], %swap3A_237 {strides = array<i32>} : memref<512xf32, #tpu.memory_space<vmem>>, vector<16xf32>,
      %swap3A_238 = arith.constant 272 : index
      %swap3A_239 = tpu.vector_load %arg17[%swap3A_238] {strides = array<i32>} : memref<512xf32, #tpu.memory_space<vmem>>, vector<16xf32>,
      %swap3A_240 = vector.shape_cast %swap3A_239 : vector<16xf32> to vector<16xf32>
      %swap3A_241 = vector.shape_cast %scan3A_232#1 : vector<16xf32> to vector<16xf32>
      tpu.vector_store %arg17[%swap3A_238], %swap3A_241 {strides = array<i32>} : memref<512xf32, #tpu.memory_space<vmem>>, vector<16xf32>,
      %swap3A_242 = arith.constant 288 : index
      %swap3A_243 = tpu.vector_load %arg17[%swap3A_242] {strides = array<i32>} : memref<512xf32, #tpu.memory_space<vmem>>, vector<16xf32>,
      %swap3A_244 = vector.shape_cast %swap3A_243 : vector<16xf32> to vector<16xf32>
      %swap3A_245 = vector.shape_cast %scan3A_232#2 : vector<16xf32> to vector<16xf32>
      tpu.vector_store %arg17[%swap3A_242], %swap3A_245 {strides = array<i32>} : memref<512xf32, #tpu.memory_space<vmem>>, vector<16xf32>,
      %swap3A_246 = arith.constant 304 : index
      %swap3A_247 = tpu.vector_load %arg17[%swap3A_246] {strides = array<i32>} : memref<512xf32, #tpu.memory_space<vmem>>, vector<16xf32>,
      %swap3A_248 = vector.shape_cast %swap3A_247 : vector<16xf32> to vector<16xf32>
      %swap3A_249 = vector.shape_cast %scan3A_232#3 : vector<16xf32> to vector<16xf32>
      tpu.vector_store %arg17[%swap3A_246], %swap3A_249 {strides = array<i32>} : memref<512xf32, #tpu.memory_space<vmem>>, vector<16xf32>,
      %swap3A_250 = arith.constant 320 : index
      %swap3A_251 = tpu.vector_load %arg17[%swap3A_250] {strides = array<i32>} : memref<512xf32, #tpu.memory_space<vmem>>, vector<16xf32>,
      %swap3A_252 = vector.shape_cast %swap3A_251 : vector<16xf32> to vector<16xf32>
      %swap3A_253 = vector.shape_cast %scan3A_232#4 : vector<16xf32> to vector<16xf32>
      tpu.vector_store %arg17[%swap3A_250], %swap3A_253 {strides = array<i32>} : memref<512xf32, #tpu.memory_space<vmem>>, vector<16xf32>,
      %swap3A_254 = arith.constant 336 : index
      %swap3A_255 = tpu.vector_load %arg17[%swap3A_254] {strides = array<i32>} : memref<512xf32, #tpu.memory_space<vmem>>, vector<16xf32>,
      %swap3A_256 = vector.shape_cast %swap3A_255 : vector<16xf32> to vector<16xf32>
      %swap3A_257 = vector.shape_cast %scan3A_232#5 : vector<16xf32> to vector<16xf32>
      tpu.vector_store %arg17[%swap3A_254], %swap3A_257 {strides = array<i32>} : memref<512xf32, #tpu.memory_space<vmem>>, vector<16xf32>,
      %swap3A_258 = arith.constant 352 : index
      %swap3A_259 = tpu.vector_load %arg17[%swap3A_258] {strides = array<i32>} : memref<512xf32, #tpu.memory_space<vmem>>, vector<16xf32>,
      %swap3A_260 = vector.shape_cast %swap3A_259 : vector<16xf32> to vector<16xf32>
      %swap3A_261 = vector.shape_cast %scan3A_232#6 : vector<16xf32> to vector<16xf32>
      tpu.vector_store %arg17[%swap3A_258], %swap3A_261 {strides = array<i32>} : memref<512xf32, #tpu.memory_space<vmem>>, vector<16xf32>,
      %swap3A_262 = arith.constant 368 : index
      %swap3A_263 = tpu.vector_load %arg17[%swap3A_262] {strides = array<i32>} : memref<512xf32, #tpu.memory_space<vmem>>, vector<16xf32>,
      %swap3A_264 = vector.shape_cast %swap3A_263 : vector<16xf32> to vector<16xf32>
      %swap3A_265 = vector.shape_cast %scan3A_232#7 : vector<16xf32> to vector<16xf32>
      tpu.vector_store %arg17[%swap3A_262], %swap3A_265 {strides = array<i32>} : memref<512xf32, #tpu.memory_space<vmem>>, vector<16xf32>,
      %dma_wait3A_266 = arith.constant 0 : i32
      %dma_wait3A_267 = tpu.memref_slice %arg8[%dma_wait3A_266] : memref<11264xi32, #tpu.memory_space<vmem>> -> memref<88xi32, #tpu.memory_space<vmem>>
      %dma_wait3A_268 = arith.constant 0 : i32
      %dma_wait3A_269 = arith.constant 0 : i32
      %dma_wait3A_270 = tpu.memref_slice %arg5[%dma_wait3A_268, %dma_wait3A_269] : memref<100000x128xf32, #tpu.memory_space<hbm>> -> memref<100000x128xf32, #tpu.memory_space<hbm>>
      tpu.wait_indirect_dma semaphore(%arg22 : memref<!tpu.dma_semaphore, #tpu.memory_space<semaphore_mem>>) src(%dma_wait3A_270 : memref<100000x128xf32, #tpu.memory_space<hbm>>) dst(%arg12 : memref<88x128xf32, #tpu.memory_space<vmem>>)
      %broadcast_in_dim3A_271 = arith.constant 0.000000e+00 : f32
      %broadcast_in_dim3A_272 = vector.broadcast %broadcast_in_dim3A_271 : f32 to vector<16xf32>
      %broadcast_in_dim3A_273 = arith.constant 0.000000e+00 : f32
      %broadcast_in_dim3A_274 = vector.broadcast %broadcast_in_dim3A_273 : f32 to vector<16xf32>
      %broadcast_in_dim3A_275 = arith.constant 0.000000e+00 : f32
      %broadcast_in_dim3A_276 = vector.broadcast %broadcast_in_dim3A_275 : f32 to vector<16xf32>
      %broadcast_in_dim3A_277 = arith.constant 0.000000e+00 : f32
      %broadcast_in_dim3A_278 = vector.broadcast %broadcast_in_dim3A_277 : f32 to vector<16xf32>
      %broadcast_in_dim3A_279 = arith.constant 0.000000e+00 : f32
      %broadcast_in_dim3A_280 = vector.broadcast %broadcast_in_dim3A_279 : f32 to vector<16xf32>
      %broadcast_in_dim3A_281 = arith.constant 0.000000e+00 : f32
      %broadcast_in_dim3A_282 = vector.broadcast %broadcast_in_dim3A_281 : f32 to vector<16xf32>
      %broadcast_in_dim3A_283 = arith.constant 0.000000e+00 : f32
      %broadcast_in_dim3A_284 = vector.broadcast %broadcast_in_dim3A_283 : f32 to vector<16xf32>
      %broadcast_in_dim3A_285 = arith.constant 0.000000e+00 : f32
      %broadcast_in_dim3A_286 = vector.broadcast %broadcast_in_dim3A_285 : f32 to vector<16xf32>
      %scan3A_287 = arith.constant 0 : i32
      %scan3A_288 = arith.constant 88 : i32
      %scan3A_289 = arith.addi %scan3A_287, %scan3A_288 : i32
      %scan3A_290 = arith.constant 4 : i32
      %scan3A_291:8 = scf.for %scan3A_577 = %scan3A_287 to %scan3A_289 step %scan3A_290 iter_args(%scan3A_578 = %broadcast_in_dim3A_272, %scan3A_579 = %broadcast_in_dim3A_274, %scan3A_580 = %broadcast_in_dim3A_276, %scan3A_581 = %broadcast_in_dim3A_278, %scan3A_582 = %broadcast_in_dim3A_280, %scan3A_583 = %broadcast_in_dim3A_282, %scan3A_584 = %broadcast_in_dim3A_284, %scan3A_585 = %broadcast_in_dim3A_286) -> (vector<16xf32>, vector<16xf32>, vector<16xf32>, vector<16xf32>, vector<16xf32>, vector<16xf32>, vector<16xf32>, vector<16xf32>)  : i32 {
        %get3A = arith.index_cast %scan3A_577 : i32 to index
        %get3A_586 = arith.constant 0 : index
        %get3A_587 = tpu.vector_load %arg12[%get3A, %get3A_586] {strides = array<i32>} : memref<88x128xf32, #tpu.memory_space<vmem>>, vector<1x16xf32>,
        %get3A_588 = vector.shape_cast %get3A_587 : vector<1x16xf32> to vector<16xf32>
        %add3A_589 = arith.addf %scan3A_578, %get3A_588 : vector<16xf32>
        %get3A_590 = arith.index_cast %scan3A_577 : i32 to index
        %get3A_591 = arith.constant 16 : index
        %get3A_592 = tpu.vector_load %arg12[%get3A_590, %get3A_591] {strides = array<i32>} : memref<88x128xf32, #tpu.memory_space<vmem>>, vector<1x16xf32>,
        %get3A_593 = vector.shape_cast %get3A_592 : vector<1x16xf32> to vector<16xf32>
        %add3A_594 = arith.addf %scan3A_579, %get3A_593 : vector<16xf32>
        %get3A_595 = arith.index_cast %scan3A_577 : i32 to index
        %get3A_596 = arith.constant 32 : index
        %get3A_597 = tpu.vector_load %arg12[%get3A_595, %get3A_596] {strides = array<i32>} : memref<88x128xf32, #tpu.memory_space<vmem>>, vector<1x16xf32>,
        %get3A_598 = vector.shape_cast %get3A_597 : vector<1x16xf32> to vector<16xf32>
        %add3A_599 = arith.addf %scan3A_580, %get3A_598 : vector<16xf32>
        %get3A_600 = arith.index_cast %scan3A_577 : i32 to index
        %get3A_601 = arith.constant 48 : index
        %get3A_602 = tpu.vector_load %arg12[%get3A_600, %get3A_601] {strides = array<i32>} : memref<88x128xf32, #tpu.memory_space<vmem>>, vector<1x16xf32>,
        %get3A_603 = vector.shape_cast %get3A_602 : vector<1x16xf32> to vector<16xf32>
        %add3A_604 = arith.addf %scan3A_581, %get3A_603 : vector<16xf32>
        %get3A_605 = arith.index_cast %scan3A_577 : i32 to index
        %get3A_606 = arith.constant 64 : index
        %get3A_607 = tpu.vector_load %arg12[%get3A_605, %get3A_606] {strides = array<i32>} : memref<88x128xf32, #tpu.memory_space<vmem>>, vector<1x16xf32>,
        %get3A_608 = vector.shape_cast %get3A_607 : vector<1x16xf32> to vector<16xf32>
        %add3A_609 = arith.addf %scan3A_582, %get3A_608 : vector<16xf32>
        %get3A_610 = arith.index_cast %scan3A_577 : i32 to index
        %get3A_611 = arith.constant 80 : index
        %get3A_612 = tpu.vector_load %arg12[%get3A_610, %get3A_611] {strides = array<i32>} : memref<88x128xf32, #tpu.memory_space<vmem>>, vector<1x16xf32>,
        %get3A_613 = vector.shape_cast %get3A_612 : vector<1x16xf32> to vector<16xf32>
        %add3A_614 = arith.addf %scan3A_583, %get3A_613 : vector<16xf32>
        %get3A_615 = arith.index_cast %scan3A_577 : i32 to index
        %get3A_616 = arith.constant 96 : index
        %get3A_617 = tpu.vector_load %arg12[%get3A_615, %get3A_616] {strides = array<i32>} : memref<88x128xf32, #tpu.memory_space<vmem>>, vector<1x16xf32>,
        %get3A_618 = vector.shape_cast %get3A_617 : vector<1x16xf32> to vector<16xf32>
        %add3A_619 = arith.addf %scan3A_584, %get3A_618 : vector<16xf32>
        %get3A_620 = arith.index_cast %scan3A_577 : i32 to index
        %get3A_621 = arith.constant 112 : index
        %get3A_622 = tpu.vector_load %arg12[%get3A_620, %get3A_621] {strides = array<i32>} : memref<88x128xf32, #tpu.memory_space<vmem>>, vector<1x16xf32>,
        %get3A_623 = vector.shape_cast %get3A_622 : vector<1x16xf32> to vector<16xf32>
        %add3A_624 = arith.addf %scan3A_585, %get3A_623 : vector<16xf32>
        %scan3A_625 = arith.constant 1 : i32
        %scan3A_626 = arith.addi %scan3A_577, %scan3A_625 : i32
        %get3A_627 = arith.index_cast %scan3A_626 : i32 to index
        %get3A_628 = arith.constant 0 : index
        %get3A_629 = tpu.vector_load %arg12[%get3A_627, %get3A_628] {strides = array<i32>} : memref<88x128xf32, #tpu.memory_space<vmem>>, vector<1x16xf32>,
        %get3A_630 = vector.shape_cast %get3A_629 : vector<1x16xf32> to vector<16xf32>
        %add3A_631 = arith.addf %add3A_589, %get3A_630 : vector<16xf32>
        %get3A_632 = arith.index_cast %scan3A_626 : i32 to index
        %get3A_633 = arith.constant 16 : index
        %get3A_634 = tpu.vector_load %arg12[%get3A_632, %get3A_633] {strides = array<i32>} : memref<88x128xf32, #tpu.memory_space<vmem>>, vector<1x16xf32>,
        %get3A_635 = vector.shape_cast %get3A_634 : vector<1x16xf32> to vector<16xf32>
        %add3A_636 = arith.addf %add3A_594, %get3A_635 : vector<16xf32>
        %get3A_637 = arith.index_cast %scan3A_626 : i32 to index
        %get3A_638 = arith.constant 32 : index
        %get3A_639 = tpu.vector_load %arg12[%get3A_637, %get3A_638] {strides = array<i32>} : memref<88x128xf32, #tpu.memory_space<vmem>>, vector<1x16xf32>,
        %get3A_640 = vector.shape_cast %get3A_639 : vector<1x16xf32> to vector<16xf32>
        %add3A_641 = arith.addf %add3A_599, %get3A_640 : vector<16xf32>
        %get3A_642 = arith.index_cast %scan3A_626 : i32 to index
        %get3A_643 = arith.constant 48 : index
        %get3A_644 = tpu.vector_load %arg12[%get3A_642, %get3A_643] {strides = array<i32>} : memref<88x128xf32, #tpu.memory_space<vmem>>, vector<1x16xf32>,
        %get3A_645 = vector.shape_cast %get3A_644 : vector<1x16xf32> to vector<16xf32>
        %add3A_646 = arith.addf %add3A_604, %get3A_645 : vector<16xf32>
        %get3A_647 = arith.index_cast %scan3A_626 : i32 to index
        %get3A_648 = arith.constant 64 : index
        %get3A_649 = tpu.vector_load %arg12[%get3A_647, %get3A_648] {strides = array<i32>} : memref<88x128xf32, #tpu.memory_space<vmem>>, vector<1x16xf32>,
        %get3A_650 = vector.shape_cast %get3A_649 : vector<1x16xf32> to vector<16xf32>
        %add3A_651 = arith.addf %add3A_609, %get3A_650 : vector<16xf32>
        %get3A_652 = arith.index_cast %scan3A_626 : i32 to index
        %get3A_653 = arith.constant 80 : index
        %get3A_654 = tpu.vector_load %arg12[%get3A_652, %get3A_653] {strides = array<i32>} : memref<88x128xf32, #tpu.memory_space<vmem>>, vector<1x16xf32>,
        %get3A_655 = vector.shape_cast %get3A_654 : vector<1x16xf32> to vector<16xf32>
        %add3A_656 = arith.addf %add3A_614, %get3A_655 : vector<16xf32>
        %get3A_657 = arith.index_cast %scan3A_626 : i32 to index
        %get3A_658 = arith.constant 96 : index
        %get3A_659 = tpu.vector_load %arg12[%get3A_657, %get3A_658] {strides = array<i32>} : memref<88x128xf32, #tpu.memory_space<vmem>>, vector<1x16xf32>,
        %get3A_660 = vector.shape_cast %get3A_659 : vector<1x16xf32> to vector<16xf32>
        %add3A_661 = arith.addf %add3A_619, %get3A_660 : vector<16xf32>
        %get3A_662 = arith.index_cast %scan3A_626 : i32 to index
        %get3A_663 = arith.constant 112 : index
        %get3A_664 = tpu.vector_load %arg12[%get3A_662, %get3A_663] {strides = array<i32>} : memref<88x128xf32, #tpu.memory_space<vmem>>, vector<1x16xf32>,
        %get3A_665 = vector.shape_cast %get3A_664 : vector<1x16xf32> to vector<16xf32>
        %add3A_666 = arith.addf %add3A_624, %get3A_665 : vector<16xf32>
        %scan3A_667 = arith.constant 2 : i32
        %scan3A_668 = arith.addi %scan3A_577, %scan3A_667 : i32
        %get3A_669 = arith.index_cast %scan3A_668 : i32 to index
        %get3A_670 = arith.constant 0 : index
        %get3A_671 = tpu.vector_load %arg12[%get3A_669, %get3A_670] {strides = array<i32>} : memref<88x128xf32, #tpu.memory_space<vmem>>, vector<1x16xf32>,
        %get3A_672 = vector.shape_cast %get3A_671 : vector<1x16xf32> to vector<16xf32>
        %add3A_673 = arith.addf %add3A_631, %get3A_672 : vector<16xf32>
        %get3A_674 = arith.index_cast %scan3A_668 : i32 to index
        %get3A_675 = arith.constant 16 : index
        %get3A_676 = tpu.vector_load %arg12[%get3A_674, %get3A_675] {strides = array<i32>} : memref<88x128xf32, #tpu.memory_space<vmem>>, vector<1x16xf32>,
        %get3A_677 = vector.shape_cast %get3A_676 : vector<1x16xf32> to vector<16xf32>
        %add3A_678 = arith.addf %add3A_636, %get3A_677 : vector<16xf32>
        %get3A_679 = arith.index_cast %scan3A_668 : i32 to index
        %get3A_680 = arith.constant 32 : index
        %get3A_681 = tpu.vector_load %arg12[%get3A_679, %get3A_680] {strides = array<i32>} : memref<88x128xf32, #tpu.memory_space<vmem>>, vector<1x16xf32>,
        %get3A_682 = vector.shape_cast %get3A_681 : vector<1x16xf32> to vector<16xf32>
        %add3A_683 = arith.addf %add3A_641, %get3A_682 : vector<16xf32>
        %get3A_684 = arith.index_cast %scan3A_668 : i32 to index
        %get3A_685 = arith.constant 48 : index
        %get3A_686 = tpu.vector_load %arg12[%get3A_684, %get3A_685] {strides = array<i32>} : memref<88x128xf32, #tpu.memory_space<vmem>>, vector<1x16xf32>,
        %get3A_687 = vector.shape_cast %get3A_686 : vector<1x16xf32> to vector<16xf32>
        %add3A_688 = arith.addf %add3A_646, %get3A_687 : vector<16xf32>
        %get3A_689 = arith.index_cast %scan3A_668 : i32 to index
        %get3A_690 = arith.constant 64 : index
        %get3A_691 = tpu.vector_load %arg12[%get3A_689, %get3A_690] {strides = array<i32>} : memref<88x128xf32, #tpu.memory_space<vmem>>, vector<1x16xf32>,
        %get3A_692 = vector.shape_cast %get3A_691 : vector<1x16xf32> to vector<16xf32>
        %add3A_693 = arith.addf %add3A_651, %get3A_692 : vector<16xf32>
        %get3A_694 = arith.index_cast %scan3A_668 : i32 to index
        %get3A_695 = arith.constant 80 : index
        %get3A_696 = tpu.vector_load %arg12[%get3A_694, %get3A_695] {strides = array<i32>} : memref<88x128xf32, #tpu.memory_space<vmem>>, vector<1x16xf32>,
        %get3A_697 = vector.shape_cast %get3A_696 : vector<1x16xf32> to vector<16xf32>
        %add3A_698 = arith.addf %add3A_656, %get3A_697 : vector<16xf32>
        %get3A_699 = arith.index_cast %scan3A_668 : i32 to index
        %get3A_700 = arith.constant 96 : index
        %get3A_701 = tpu.vector_load %arg12[%get3A_699, %get3A_700] {strides = array<i32>} : memref<88x128xf32, #tpu.memory_space<vmem>>, vector<1x16xf32>,
        %get3A_702 = vector.shape_cast %get3A_701 : vector<1x16xf32> to vector<16xf32>
        %add3A_703 = arith.addf %add3A_661, %get3A_702 : vector<16xf32>
        %get3A_704 = arith.index_cast %scan3A_668 : i32 to index
        %get3A_705 = arith.constant 112 : index
        %get3A_706 = tpu.vector_load %arg12[%get3A_704, %get3A_705] {strides = array<i32>} : memref<88x128xf32, #tpu.memory_space<vmem>>, vector<1x16xf32>,
        %get3A_707 = vector.shape_cast %get3A_706 : vector<1x16xf32> to vector<16xf32>
        %add3A_708 = arith.addf %add3A_666, %get3A_707 : vector<16xf32>
        %scan3A_709 = arith.constant 3 : i32
        %scan3A_710 = arith.addi %scan3A_577, %scan3A_709 : i32
        %get3A_711 = arith.index_cast %scan3A_710 : i32 to index
        %get3A_712 = arith.constant 0 : index
        %get3A_713 = tpu.vector_load %arg12[%get3A_711, %get3A_712] {strides = array<i32>} : memref<88x128xf32, #tpu.memory_space<vmem>>, vector<1x16xf32>,
        %get3A_714 = vector.shape_cast %get3A_713 : vector<1x16xf32> to vector<16xf32>
        %add3A_715 = arith.addf %add3A_673, %get3A_714 : vector<16xf32>
        %get3A_716 = arith.index_cast %scan3A_710 : i32 to index
        %get3A_717 = arith.constant 16 : index
        %get3A_718 = tpu.vector_load %arg12[%get3A_716, %get3A_717] {strides = array<i32>} : memref<88x128xf32, #tpu.memory_space<vmem>>, vector<1x16xf32>,
        %get3A_719 = vector.shape_cast %get3A_718 : vector<1x16xf32> to vector<16xf32>
        %add3A_720 = arith.addf %add3A_678, %get3A_719 : vector<16xf32>
        %get3A_721 = arith.index_cast %scan3A_710 : i32 to index
        %get3A_722 = arith.constant 32 : index
        %get3A_723 = tpu.vector_load %arg12[%get3A_721, %get3A_722] {strides = array<i32>} : memref<88x128xf32, #tpu.memory_space<vmem>>, vector<1x16xf32>,
        %get3A_724 = vector.shape_cast %get3A_723 : vector<1x16xf32> to vector<16xf32>
        %add3A_725 = arith.addf %add3A_683, %get3A_724 : vector<16xf32>
        %get3A_726 = arith.index_cast %scan3A_710 : i32 to index
        %get3A_727 = arith.constant 48 : index
        %get3A_728 = tpu.vector_load %arg12[%get3A_726, %get3A_727] {strides = array<i32>} : memref<88x128xf32, #tpu.memory_space<vmem>>, vector<1x16xf32>,
        %get3A_729 = vector.shape_cast %get3A_728 : vector<1x16xf32> to vector<16xf32>
        %add3A_730 = arith.addf %add3A_688, %get3A_729 : vector<16xf32>
        %get3A_731 = arith.index_cast %scan3A_710 : i32 to index
        %get3A_732 = arith.constant 64 : index
        %get3A_733 = tpu.vector_load %arg12[%get3A_731, %get3A_732] {strides = array<i32>} : memref<88x128xf32, #tpu.memory_space<vmem>>, vector<1x16xf32>,
        %get3A_734 = vector.shape_cast %get3A_733 : vector<1x16xf32> to vector<16xf32>
        %add3A_735 = arith.addf %add3A_693, %get3A_734 : vector<16xf32>
        %get3A_736 = arith.index_cast %scan3A_710 : i32 to index
        %get3A_737 = arith.constant 80 : index
        %get3A_738 = tpu.vector_load %arg12[%get3A_736, %get3A_737] {strides = array<i32>} : memref<88x128xf32, #tpu.memory_space<vmem>>, vector<1x16xf32>,
        %get3A_739 = vector.shape_cast %get3A_738 : vector<1x16xf32> to vector<16xf32>
        %add3A_740 = arith.addf %add3A_698, %get3A_739 : vector<16xf32>
        %get3A_741 = arith.index_cast %scan3A_710 : i32 to index
        %get3A_742 = arith.constant 96 : index
        %get3A_743 = tpu.vector_load %arg12[%get3A_741, %get3A_742] {strides = array<i32>} : memref<88x128xf32, #tpu.memory_space<vmem>>, vector<1x16xf32>,
        %get3A_744 = vector.shape_cast %get3A_743 : vector<1x16xf32> to vector<16xf32>
        %add3A_745 = arith.addf %add3A_703, %get3A_744 : vector<16xf32>
        %get3A_746 = arith.index_cast %scan3A_710 : i32 to index
        %get3A_747 = arith.constant 112 : index
        %get3A_748 = tpu.vector_load %arg12[%get3A_746, %get3A_747] {strides = array<i32>} : memref<88x128xf32, #tpu.memory_space<vmem>>, vector<1x16xf32>,
        %get3A_749 = vector.shape_cast %get3A_748 : vector<1x16xf32> to vector<16xf32>
        %add3A_750 = arith.addf %add3A_708, %get3A_749 : vector<16xf32>
        scf.yield %add3A_715, %add3A_720, %add3A_725, %add3A_730, %add3A_735, %add3A_740, %add3A_745, %add3A_750 : vector<16xf32>, vector<16xf32>, vector<16xf32>, vector<16xf32>, vector<16xf32>, vector<16xf32>, vector<16xf32>, vector<16xf32>
      }
      %scan3A_292 = arith.constant 88 : i32
      %swap3A_293 = arith.constant 384 : index
      %swap3A_294 = tpu.vector_load %arg17[%swap3A_293] {strides = array<i32>} : memref<512xf32, #tpu.memory_space<vmem>>, vector<16xf32>,
      %swap3A_295 = vector.shape_cast %swap3A_294 : vector<16xf32> to vector<16xf32>
      %swap3A_296 = vector.shape_cast %scan3A_291#0 : vector<16xf32> to vector<16xf32>
      tpu.vector_store %arg17[%swap3A_293], %swap3A_296 {strides = array<i32>} : memref<512xf32, #tpu.memory_space<vmem>>, vector<16xf32>,
      %swap3A_297 = arith.constant 400 : index
      %swap3A_298 = tpu.vector_load %arg17[%swap3A_297] {strides = array<i32>} : memref<512xf32, #tpu.memory_space<vmem>>, vector<16xf32>,
      %swap3A_299 = vector.shape_cast %swap3A_298 : vector<16xf32> to vector<16xf32>
      %swap3A_300 = vector.shape_cast %scan3A_291#1 : vector<16xf32> to vector<16xf32>
      tpu.vector_store %arg17[%swap3A_297], %swap3A_300 {strides = array<i32>} : memref<512xf32, #tpu.memory_space<vmem>>, vector<16xf32>,
      %swap3A_301 = arith.constant 416 : index
      %swap3A_302 = tpu.vector_load %arg17[%swap3A_301] {strides = array<i32>} : memref<512xf32, #tpu.memory_space<vmem>>, vector<16xf32>,
      %swap3A_303 = vector.shape_cast %swap3A_302 : vector<16xf32> to vector<16xf32>
      %swap3A_304 = vector.shape_cast %scan3A_291#2 : vector<16xf32> to vector<16xf32>
      tpu.vector_store %arg17[%swap3A_301], %swap3A_304 {strides = array<i32>} : memref<512xf32, #tpu.memory_space<vmem>>, vector<16xf32>,
      %swap3A_305 = arith.constant 432 : index
      %swap3A_306 = tpu.vector_load %arg17[%swap3A_305] {strides = array<i32>} : memref<512xf32, #tpu.memory_space<vmem>>, vector<16xf32>,
      %swap3A_307 = vector.shape_cast %swap3A_306 : vector<16xf32> to vector<16xf32>
      %swap3A_308 = vector.shape_cast %scan3A_291#3 : vector<16xf32> to vector<16xf32>
      tpu.vector_store %arg17[%swap3A_305], %swap3A_308 {strides = array<i32>} : memref<512xf32, #tpu.memory_space<vmem>>, vector<16xf32>,
      %swap3A_309 = arith.constant 448 : index
      %swap3A_310 = tpu.vector_load %arg17[%swap3A_309] {strides = array<i32>} : memref<512xf32, #tpu.memory_space<vmem>>, vector<16xf32>,
      %swap3A_311 = vector.shape_cast %swap3A_310 : vector<16xf32> to vector<16xf32>
      %swap3A_312 = vector.shape_cast %scan3A_291#4 : vector<16xf32> to vector<16xf32>
      tpu.vector_store %arg17[%swap3A_309], %swap3A_312 {strides = array<i32>} : memref<512xf32, #tpu.memory_space<vmem>>, vector<16xf32>,
      %swap3A_313 = arith.constant 464 : index
      %swap3A_314 = tpu.vector_load %arg17[%swap3A_313] {strides = array<i32>} : memref<512xf32, #tpu.memory_space<vmem>>, vector<16xf32>,
      %swap3A_315 = vector.shape_cast %swap3A_314 : vector<16xf32> to vector<16xf32>
      %swap3A_316 = vector.shape_cast %scan3A_291#5 : vector<16xf32> to vector<16xf32>
      tpu.vector_store %arg17[%swap3A_313], %swap3A_316 {strides = array<i32>} : memref<512xf32, #tpu.memory_space<vmem>>, vector<16xf32>,
      %swap3A_317 = arith.constant 480 : index
      %swap3A_318 = tpu.vector_load %arg17[%swap3A_317] {strides = array<i32>} : memref<512xf32, #tpu.memory_space<vmem>>, vector<16xf32>,
      %swap3A_319 = vector.shape_cast %swap3A_318 : vector<16xf32> to vector<16xf32>
      %swap3A_320 = vector.shape_cast %scan3A_291#6 : vector<16xf32> to vector<16xf32>
      tpu.vector_store %arg17[%swap3A_317], %swap3A_320 {strides = array<i32>} : memref<512xf32, #tpu.memory_space<vmem>>, vector<16xf32>,
      %swap3A_321 = arith.constant 496 : index
      %swap3A_322 = tpu.vector_load %arg17[%swap3A_321] {strides = array<i32>} : memref<512xf32, #tpu.memory_space<vmem>>, vector<16xf32>,
      %swap3A_323 = vector.shape_cast %swap3A_322 : vector<16xf32> to vector<16xf32>
      %swap3A_324 = vector.shape_cast %scan3A_291#7 : vector<16xf32> to vector<16xf32>
      tpu.vector_store %arg17[%swap3A_321], %swap3A_324 {strides = array<i32>} : memref<512xf32, #tpu.memory_space<vmem>>, vector<16xf32>,
      %mul3A_325 = arith.constant 4 : i32
      %mul3A_326 = arith.muli %mul3A_42, %mul3A_325 : i32
      %add3A_327 = arith.addi %mul3A_2, %mul3A_326 : i32
      %mul3A_328 = arith.constant 128 : i32
      %mul3A_329 = arith.muli %add3A_327, %mul3A_328 : i32
      "tpu.region"() ({
        %run_scoped3A = tpu.sem_alloc : memref<!tpu.dma_semaphore, #tpu.memory_space<semaphore_mem>>
        %dma_start3A_577 = tpu.memref_slice %arg6[%mul3A_329] : memref<524288xf32, #tpu.memory_space<hbm>> -> memref<512xf32, #tpu.memory_space<hbm>>
        %dma_start3A_578 = tpu.memref_slice %arg6[%mul3A_329] : memref<524288xf32, #tpu.memory_space<hbm>> -> memref<512xf32, #tpu.memory_space<hbm>>
        tpu.enqueue_dma source(%arg17 : memref<512xf32, #tpu.memory_space<vmem>>) target(%dma_start3A_578 : memref<512xf32, #tpu.memory_space<hbm>>) target_semaphore(%run_scoped3A : memref<!tpu.dma_semaphore, #tpu.memory_space<semaphore_mem>>)
        %dma_wait3A_579 = tpu.memref_slice %arg6[%mul3A_329] : memref<524288xf32, #tpu.memory_space<hbm>> -> memref<512xf32, #tpu.memory_space<hbm>>
        %dma_wait3A_580 = tpu.memref_slice %arg6[%mul3A_329] : memref<524288xf32, #tpu.memory_space<hbm>> -> memref<512xf32, #tpu.memory_space<hbm>>
        tpu.wait_dma2 semaphore(%run_scoped3A : memref<!tpu.dma_semaphore, #tpu.memory_space<semaphore_mem>>) src(%arg17 : memref<512xf32, #tpu.memory_space<vmem>>) dst(%dma_wait3A_580 : memref<512xf32, #tpu.memory_space<hbm>>)
        tpu.yield
      }) : () -> ()
      %add3A_330 = arith.constant 2 : i32
      %add3A_331 = arith.addi %mul3A_42, %add3A_330 : i32
      %lt3A = arith.constant 32 : i32
      %lt3A_332 = arith.cmpi slt, %add3A_331, %lt3A : i32
      %convert_element_type3A = arith.extui %lt3A_332 : i1 to i32
      %cond3A = arith.constant 0 : i32
      %cond3A_333 = arith.cmpi ne, %convert_element_type3A, %cond3A : i32
      scf.if %cond3A_333 {
        %add3A_577 = arith.constant 2 : i32
        %add3A_578 = arith.addi %mul3A_42, %add3A_577 : i32
        %mul3A_579 = arith.constant 4 : i32
        %mul3A_580 = arith.muli %add3A_578, %mul3A_579 : i32
        %add3A_581 = arith.constant 0 : i32
        %add3A_582 = arith.addi %mul3A_580, %add3A_581 : i32
        %mul3A_583 = arith.constant 88 : i32
        %mul3A_584 = arith.muli %add3A_582, %mul3A_583 : i32
        %dma_start3A_585 = tpu.memref_slice %arg8[%mul3A_584] : memref<11264xi32, #tpu.memory_space<vmem>> -> memref<88xi32, #tpu.memory_space<vmem>>
        %dma_start3A_586 = arith.constant 0 : i32
        %dma_start3A_587 = arith.constant 0 : i32
        %dma_start3A_588 = tpu.memref_slice %arg5[%dma_start3A_586, %dma_start3A_587] : memref<100000x128xf32, #tpu.memory_space<hbm>> -> memref<100000x128xf32, #tpu.memory_space<hbm>>
        tpu.enqueue_indirect_dma source(%dma_start3A_588 : memref<100000x128xf32, #tpu.memory_space<hbm>>) target(%arg9 : memref<88x128xf32, #tpu.memory_space<vmem>>) offsets(%dma_start3A_585 : memref<88xi32, #tpu.memory_space<vmem>>) semaphore(%arg19 : memref<!tpu.dma_semaphore, #tpu.memory_space<semaphore_mem>>)
        %add3A_589 = arith.constant 2 : i32
        %add3A_590 = arith.addi %mul3A_42, %add3A_589 : i32
        %mul3A_591 = arith.constant 4 : i32
        %mul3A_592 = arith.muli %add3A_590, %mul3A_591 : i32
        %add3A_593 = arith.constant 1 : i32
        %add3A_594 = arith.addi %mul3A_592, %add3A_593 : i32
        %mul3A_595 = arith.constant 88 : i32
        %mul3A_596 = arith.muli %add3A_594, %mul3A_595 : i32
        %dma_start3A_597 = tpu.memref_slice %arg8[%mul3A_596] : memref<11264xi32, #tpu.memory_space<vmem>> -> memref<88xi32, #tpu.memory_space<vmem>>
        %dma_start3A_598 = arith.constant 0 : i32
        %dma_start3A_599 = arith.constant 0 : i32
        %dma_start3A_600 = tpu.memref_slice %arg5[%dma_start3A_598, %dma_start3A_599] : memref<100000x128xf32, #tpu.memory_space<hbm>> -> memref<100000x128xf32, #tpu.memory_space<hbm>>
        tpu.enqueue_indirect_dma source(%dma_start3A_600 : memref<100000x128xf32, #tpu.memory_space<hbm>>) target(%arg10 : memref<88x128xf32, #tpu.memory_space<vmem>>) offsets(%dma_start3A_597 : memref<88xi32, #tpu.memory_space<vmem>>) semaphore(%arg20 : memref<!tpu.dma_semaphore, #tpu.memory_space<semaphore_mem>>)
        %add3A_601 = arith.constant 2 : i32
        %add3A_602 = arith.addi %mul3A_42, %add3A_601 : i32
        %mul3A_603 = arith.constant 4 : i32
        %mul3A_604 = arith.muli %add3A_602, %mul3A_603 : i32
        %add3A_605 = arith.constant 2 : i32
        %add3A_606 = arith.addi %mul3A_604, %add3A_605 : i32
        %mul3A_607 = arith.constant 88 : i32
        %mul3A_608 = arith.muli %add3A_606, %mul3A_607 : i32
        %dma_start3A_609 = tpu.memref_slice %arg8[%mul3A_608] : memref<11264xi32, #tpu.memory_space<vmem>> -> memref<88xi32, #tpu.memory_space<vmem>>
        %dma_start3A_610 = arith.constant 0 : i32
        %dma_start3A_611 = arith.constant 0 : i32
        %dma_start3A_612 = tpu.memref_slice %arg5[%dma_start3A_610, %dma_start3A_611] : memref<100000x128xf32, #tpu.memory_space<hbm>> -> memref<100000x128xf32, #tpu.memory_space<hbm>>
        tpu.enqueue_indirect_dma source(%dma_start3A_612 : memref<100000x128xf32, #tpu.memory_space<hbm>>) target(%arg11 : memref<88x128xf32, #tpu.memory_space<vmem>>) offsets(%dma_start3A_609 : memref<88xi32, #tpu.memory_space<vmem>>) semaphore(%arg21 : memref<!tpu.dma_semaphore, #tpu.memory_space<semaphore_mem>>)
        %add3A_613 = arith.constant 2 : i32
        %add3A_614 = arith.addi %mul3A_42, %add3A_613 : i32
        %mul3A_615 = arith.constant 4 : i32
        %mul3A_616 = arith.muli %add3A_614, %mul3A_615 : i32
        %add3A_617 = arith.constant 3 : i32
        %add3A_618 = arith.addi %mul3A_616, %add3A_617 : i32
        %mul3A_619 = arith.constant 88 : i32
        %mul3A_620 = arith.muli %add3A_618, %mul3A_619 : i32
        %dma_start3A_621 = tpu.memref_slice %arg8[%mul3A_620] : memref<11264xi32, #tpu.memory_space<vmem>> -> memref<88xi32, #tpu.memory_space<vmem>>
        %dma_start3A_622 = arith.constant 0 : i32
        %dma_start3A_623 = arith.constant 0 : i32
        %dma_start3A_624 = tpu.memref_slice %arg5[%dma_start3A_622, %dma_start3A_623] : memref<100000x128xf32, #tpu.memory_space<hbm>> -> memref<100000x128xf32, #tpu.memory_space<hbm>>
        tpu.enqueue_indirect_dma source(%dma_start3A_624 : memref<100000x128xf32, #tpu.memory_space<hbm>>) target(%arg12 : memref<88x128xf32, #tpu.memory_space<vmem>>) offsets(%dma_start3A_621 : memref<88xi32, #tpu.memory_space<vmem>>) semaphore(%arg22 : memref<!tpu.dma_semaphore, #tpu.memory_space<semaphore_mem>>)
      } else {
      }
      %add3A_334 = arith.constant 1 : i32
      %add3A_335 = arith.addi %mul3A_42, %add3A_334 : i32
      %dma_wait3A_336 = arith.constant 0 : i32
      %dma_wait3A_337 = tpu.memref_slice %arg8[%dma_wait3A_336] : memref<11264xi32, #tpu.memory_space<vmem>> -> memref<88xi32, #tpu.memory_space<vmem>>
      %dma_wait3A_338 = arith.constant 0 : i32
      %dma_wait3A_339 = arith.constant 0 : i32
      %dma_wait3A_340 = tpu.memref_slice %arg5[%dma_wait3A_338, %dma_wait3A_339] : memref<100000x128xf32, #tpu.memory_space<hbm>> -> memref<100000x128xf32, #tpu.memory_space<hbm>>
      tpu.wait_indirect_dma semaphore(%arg23 : memref<!tpu.dma_semaphore, #tpu.memory_space<semaphore_mem>>) src(%dma_wait3A_340 : memref<100000x128xf32, #tpu.memory_space<hbm>>) dst(%arg13 : memref<88x128xf32, #tpu.memory_space<vmem>>)
      %broadcast_in_dim3A_341 = arith.constant 0.000000e+00 : f32
      %broadcast_in_dim3A_342 = vector.broadcast %broadcast_in_dim3A_341 : f32 to vector<16xf32>
      %broadcast_in_dim3A_343 = arith.constant 0.000000e+00 : f32
      %broadcast_in_dim3A_344 = vector.broadcast %broadcast_in_dim3A_343 : f32 to vector<16xf32>
      %broadcast_in_dim3A_345 = arith.constant 0.000000e+00 : f32
      %broadcast_in_dim3A_346 = vector.broadcast %broadcast_in_dim3A_345 : f32 to vector<16xf32>
      %broadcast_in_dim3A_347 = arith.constant 0.000000e+00 : f32
      %broadcast_in_dim3A_348 = vector.broadcast %broadcast_in_dim3A_347 : f32 to vector<16xf32>
      %broadcast_in_dim3A_349 = arith.constant 0.000000e+00 : f32
      %broadcast_in_dim3A_350 = vector.broadcast %broadcast_in_dim3A_349 : f32 to vector<16xf32>
      %broadcast_in_dim3A_351 = arith.constant 0.000000e+00 : f32
      %broadcast_in_dim3A_352 = vector.broadcast %broadcast_in_dim3A_351 : f32 to vector<16xf32>
      %broadcast_in_dim3A_353 = arith.constant 0.000000e+00 : f32
      %broadcast_in_dim3A_354 = vector.broadcast %broadcast_in_dim3A_353 : f32 to vector<16xf32>
      %broadcast_in_dim3A_355 = arith.constant 0.000000e+00 : f32
      %broadcast_in_dim3A_356 = vector.broadcast %broadcast_in_dim3A_355 : f32 to vector<16xf32>
      %scan3A_357 = arith.constant 0 : i32
      %scan3A_358 = arith.constant 88 : i32
      %scan3A_359 = arith.addi %scan3A_357, %scan3A_358 : i32
      %scan3A_360 = arith.constant 4 : i32
      %scan3A_361:8 = scf.for %scan3A_577 = %scan3A_357 to %scan3A_359 step %scan3A_360 iter_args(%scan3A_578 = %broadcast_in_dim3A_342, %scan3A_579 = %broadcast_in_dim3A_344, %scan3A_580 = %broadcast_in_dim3A_346, %scan3A_581 = %broadcast_in_dim3A_348, %scan3A_582 = %broadcast_in_dim3A_350, %scan3A_583 = %broadcast_in_dim3A_352, %scan3A_584 = %broadcast_in_dim3A_354, %scan3A_585 = %broadcast_in_dim3A_356) -> (vector<16xf32>, vector<16xf32>, vector<16xf32>, vector<16xf32>, vector<16xf32>, vector<16xf32>, vector<16xf32>, vector<16xf32>)  : i32 {
        %get3A = arith.index_cast %scan3A_577 : i32 to index
        %get3A_586 = arith.constant 0 : index
        %get3A_587 = tpu.vector_load %arg13[%get3A, %get3A_586] {strides = array<i32>} : memref<88x128xf32, #tpu.memory_space<vmem>>, vector<1x16xf32>,
        %get3A_588 = vector.shape_cast %get3A_587 : vector<1x16xf32> to vector<16xf32>
        %add3A_589 = arith.addf %scan3A_578, %get3A_588 : vector<16xf32>
        %get3A_590 = arith.index_cast %scan3A_577 : i32 to index
        %get3A_591 = arith.constant 16 : index
        %get3A_592 = tpu.vector_load %arg13[%get3A_590, %get3A_591] {strides = array<i32>} : memref<88x128xf32, #tpu.memory_space<vmem>>, vector<1x16xf32>,
        %get3A_593 = vector.shape_cast %get3A_592 : vector<1x16xf32> to vector<16xf32>
        %add3A_594 = arith.addf %scan3A_579, %get3A_593 : vector<16xf32>
        %get3A_595 = arith.index_cast %scan3A_577 : i32 to index
        %get3A_596 = arith.constant 32 : index
        %get3A_597 = tpu.vector_load %arg13[%get3A_595, %get3A_596] {strides = array<i32>} : memref<88x128xf32, #tpu.memory_space<vmem>>, vector<1x16xf32>,
        %get3A_598 = vector.shape_cast %get3A_597 : vector<1x16xf32> to vector<16xf32>
        %add3A_599 = arith.addf %scan3A_580, %get3A_598 : vector<16xf32>
        %get3A_600 = arith.index_cast %scan3A_577 : i32 to index
        %get3A_601 = arith.constant 48 : index
        %get3A_602 = tpu.vector_load %arg13[%get3A_600, %get3A_601] {strides = array<i32>} : memref<88x128xf32, #tpu.memory_space<vmem>>, vector<1x16xf32>,
        %get3A_603 = vector.shape_cast %get3A_602 : vector<1x16xf32> to vector<16xf32>
        %add3A_604 = arith.addf %scan3A_581, %get3A_603 : vector<16xf32>
        %get3A_605 = arith.index_cast %scan3A_577 : i32 to index
        %get3A_606 = arith.constant 64 : index
        %get3A_607 = tpu.vector_load %arg13[%get3A_605, %get3A_606] {strides = array<i32>} : memref<88x128xf32, #tpu.memory_space<vmem>>, vector<1x16xf32>,
        %get3A_608 = vector.shape_cast %get3A_607 : vector<1x16xf32> to vector<16xf32>
        %add3A_609 = arith.addf %scan3A_582, %get3A_608 : vector<16xf32>
        %get3A_610 = arith.index_cast %scan3A_577 : i32 to index
        %get3A_611 = arith.constant 80 : index
        %get3A_612 = tpu.vector_load %arg13[%get3A_610, %get3A_611] {strides = array<i32>} : memref<88x128xf32, #tpu.memory_space<vmem>>, vector<1x16xf32>,
        %get3A_613 = vector.shape_cast %get3A_612 : vector<1x16xf32> to vector<16xf32>
        %add3A_614 = arith.addf %scan3A_583, %get3A_613 : vector<16xf32>
        %get3A_615 = arith.index_cast %scan3A_577 : i32 to index
        %get3A_616 = arith.constant 96 : index
        %get3A_617 = tpu.vector_load %arg13[%get3A_615, %get3A_616] {strides = array<i32>} : memref<88x128xf32, #tpu.memory_space<vmem>>, vector<1x16xf32>,
        %get3A_618 = vector.shape_cast %get3A_617 : vector<1x16xf32> to vector<16xf32>
        %add3A_619 = arith.addf %scan3A_584, %get3A_618 : vector<16xf32>
        %get3A_620 = arith.index_cast %scan3A_577 : i32 to index
        %get3A_621 = arith.constant 112 : index
        %get3A_622 = tpu.vector_load %arg13[%get3A_620, %get3A_621] {strides = array<i32>} : memref<88x128xf32, #tpu.memory_space<vmem>>, vector<1x16xf32>,
        %get3A_623 = vector.shape_cast %get3A_622 : vector<1x16xf32> to vector<16xf32>
        %add3A_624 = arith.addf %scan3A_585, %get3A_623 : vector<16xf32>
        %scan3A_625 = arith.constant 1 : i32
        %scan3A_626 = arith.addi %scan3A_577, %scan3A_625 : i32
        %get3A_627 = arith.index_cast %scan3A_626 : i32 to index
        %get3A_628 = arith.constant 0 : index
        %get3A_629 = tpu.vector_load %arg13[%get3A_627, %get3A_628] {strides = array<i32>} : memref<88x128xf32, #tpu.memory_space<vmem>>, vector<1x16xf32>,
        %get3A_630 = vector.shape_cast %get3A_629 : vector<1x16xf32> to vector<16xf32>
        %add3A_631 = arith.addf %add3A_589, %get3A_630 : vector<16xf32>
        %get3A_632 = arith.index_cast %scan3A_626 : i32 to index
        %get3A_633 = arith.constant 16 : index
        %get3A_634 = tpu.vector_load %arg13[%get3A_632, %get3A_633] {strides = array<i32>} : memref<88x128xf32, #tpu.memory_space<vmem>>, vector<1x16xf32>,
        %get3A_635 = vector.shape_cast %get3A_634 : vector<1x16xf32> to vector<16xf32>
        %add3A_636 = arith.addf %add3A_594, %get3A_635 : vector<16xf32>
        %get3A_637 = arith.index_cast %scan3A_626 : i32 to index
        %get3A_638 = arith.constant 32 : index
        %get3A_639 = tpu.vector_load %arg13[%get3A_637, %get3A_638] {strides = array<i32>} : memref<88x128xf32, #tpu.memory_space<vmem>>, vector<1x16xf32>,
        %get3A_640 = vector.shape_cast %get3A_639 : vector<1x16xf32> to vector<16xf32>
        %add3A_641 = arith.addf %add3A_599, %get3A_640 : vector<16xf32>
        %get3A_642 = arith.index_cast %scan3A_626 : i32 to index
        %get3A_643 = arith.constant 48 : index
        %get3A_644 = tpu.vector_load %arg13[%get3A_642, %get3A_643] {strides = array<i32>} : memref<88x128xf32, #tpu.memory_space<vmem>>, vector<1x16xf32>,
        %get3A_645 = vector.shape_cast %get3A_644 : vector<1x16xf32> to vector<16xf32>
        %add3A_646 = arith.addf %add3A_604, %get3A_645 : vector<16xf32>
        %get3A_647 = arith.index_cast %scan3A_626 : i32 to index
        %get3A_648 = arith.constant 64 : index
        %get3A_649 = tpu.vector_load %arg13[%get3A_647, %get3A_648] {strides = array<i32>} : memref<88x128xf32, #tpu.memory_space<vmem>>, vector<1x16xf32>,
        %get3A_650 = vector.shape_cast %get3A_649 : vector<1x16xf32> to vector<16xf32>
        %add3A_651 = arith.addf %add3A_609, %get3A_650 : vector<16xf32>
        %get3A_652 = arith.index_cast %scan3A_626 : i32 to index
        %get3A_653 = arith.constant 80 : index
        %get3A_654 = tpu.vector_load %arg13[%get3A_652, %get3A_653] {strides = array<i32>} : memref<88x128xf32, #tpu.memory_space<vmem>>, vector<1x16xf32>,
        %get3A_655 = vector.shape_cast %get3A_654 : vector<1x16xf32> to vector<16xf32>
        %add3A_656 = arith.addf %add3A_614, %get3A_655 : vector<16xf32>
        %get3A_657 = arith.index_cast %scan3A_626 : i32 to index
        %get3A_658 = arith.constant 96 : index
        %get3A_659 = tpu.vector_load %arg13[%get3A_657, %get3A_658] {strides = array<i32>} : memref<88x128xf32, #tpu.memory_space<vmem>>, vector<1x16xf32>,
        %get3A_660 = vector.shape_cast %get3A_659 : vector<1x16xf32> to vector<16xf32>
        %add3A_661 = arith.addf %add3A_619, %get3A_660 : vector<16xf32>
        %get3A_662 = arith.index_cast %scan3A_626 : i32 to index
        %get3A_663 = arith.constant 112 : index
        %get3A_664 = tpu.vector_load %arg13[%get3A_662, %get3A_663] {strides = array<i32>} : memref<88x128xf32, #tpu.memory_space<vmem>>, vector<1x16xf32>,
        %get3A_665 = vector.shape_cast %get3A_664 : vector<1x16xf32> to vector<16xf32>
        %add3A_666 = arith.addf %add3A_624, %get3A_665 : vector<16xf32>
        %scan3A_667 = arith.constant 2 : i32
        %scan3A_668 = arith.addi %scan3A_577, %scan3A_667 : i32
        %get3A_669 = arith.index_cast %scan3A_668 : i32 to index
        %get3A_670 = arith.constant 0 : index
        %get3A_671 = tpu.vector_load %arg13[%get3A_669, %get3A_670] {strides = array<i32>} : memref<88x128xf32, #tpu.memory_space<vmem>>, vector<1x16xf32>,
        %get3A_672 = vector.shape_cast %get3A_671 : vector<1x16xf32> to vector<16xf32>
        %add3A_673 = arith.addf %add3A_631, %get3A_672 : vector<16xf32>
        %get3A_674 = arith.index_cast %scan3A_668 : i32 to index
        %get3A_675 = arith.constant 16 : index
        %get3A_676 = tpu.vector_load %arg13[%get3A_674, %get3A_675] {strides = array<i32>} : memref<88x128xf32, #tpu.memory_space<vmem>>, vector<1x16xf32>,
        %get3A_677 = vector.shape_cast %get3A_676 : vector<1x16xf32> to vector<16xf32>
        %add3A_678 = arith.addf %add3A_636, %get3A_677 : vector<16xf32>
        %get3A_679 = arith.index_cast %scan3A_668 : i32 to index
        %get3A_680 = arith.constant 32 : index
        %get3A_681 = tpu.vector_load %arg13[%get3A_679, %get3A_680] {strides = array<i32>} : memref<88x128xf32, #tpu.memory_space<vmem>>, vector<1x16xf32>,
        %get3A_682 = vector.shape_cast %get3A_681 : vector<1x16xf32> to vector<16xf32>
        %add3A_683 = arith.addf %add3A_641, %get3A_682 : vector<16xf32>
        %get3A_684 = arith.index_cast %scan3A_668 : i32 to index
        %get3A_685 = arith.constant 48 : index
        %get3A_686 = tpu.vector_load %arg13[%get3A_684, %get3A_685] {strides = array<i32>} : memref<88x128xf32, #tpu.memory_space<vmem>>, vector<1x16xf32>,
        %get3A_687 = vector.shape_cast %get3A_686 : vector<1x16xf32> to vector<16xf32>
        %add3A_688 = arith.addf %add3A_646, %get3A_687 : vector<16xf32>
        %get3A_689 = arith.index_cast %scan3A_668 : i32 to index
        %get3A_690 = arith.constant 64 : index
        %get3A_691 = tpu.vector_load %arg13[%get3A_689, %get3A_690] {strides = array<i32>} : memref<88x128xf32, #tpu.memory_space<vmem>>, vector<1x16xf32>,
        %get3A_692 = vector.shape_cast %get3A_691 : vector<1x16xf32> to vector<16xf32>
        %add3A_693 = arith.addf %add3A_651, %get3A_692 : vector<16xf32>
        %get3A_694 = arith.index_cast %scan3A_668 : i32 to index
        %get3A_695 = arith.constant 80 : index
        %get3A_696 = tpu.vector_load %arg13[%get3A_694, %get3A_695] {strides = array<i32>} : memref<88x128xf32, #tpu.memory_space<vmem>>, vector<1x16xf32>,
        %get3A_697 = vector.shape_cast %get3A_696 : vector<1x16xf32> to vector<16xf32>
        %add3A_698 = arith.addf %add3A_656, %get3A_697 : vector<16xf32>
        %get3A_699 = arith.index_cast %scan3A_668 : i32 to index
        %get3A_700 = arith.constant 96 : index
        %get3A_701 = tpu.vector_load %arg13[%get3A_699, %get3A_700] {strides = array<i32>} : memref<88x128xf32, #tpu.memory_space<vmem>>, vector<1x16xf32>,
        %get3A_702 = vector.shape_cast %get3A_701 : vector<1x16xf32> to vector<16xf32>
        %add3A_703 = arith.addf %add3A_661, %get3A_702 : vector<16xf32>
        %get3A_704 = arith.index_cast %scan3A_668 : i32 to index
        %get3A_705 = arith.constant 112 : index
        %get3A_706 = tpu.vector_load %arg13[%get3A_704, %get3A_705] {strides = array<i32>} : memref<88x128xf32, #tpu.memory_space<vmem>>, vector<1x16xf32>,
        %get3A_707 = vector.shape_cast %get3A_706 : vector<1x16xf32> to vector<16xf32>
        %add3A_708 = arith.addf %add3A_666, %get3A_707 : vector<16xf32>
        %scan3A_709 = arith.constant 3 : i32
        %scan3A_710 = arith.addi %scan3A_577, %scan3A_709 : i32
        %get3A_711 = arith.index_cast %scan3A_710 : i32 to index
        %get3A_712 = arith.constant 0 : index
        %get3A_713 = tpu.vector_load %arg13[%get3A_711, %get3A_712] {strides = array<i32>} : memref<88x128xf32, #tpu.memory_space<vmem>>, vector<1x16xf32>,
        %get3A_714 = vector.shape_cast %get3A_713 : vector<1x16xf32> to vector<16xf32>
        %add3A_715 = arith.addf %add3A_673, %get3A_714 : vector<16xf32>
        %get3A_716 = arith.index_cast %scan3A_710 : i32 to index
        %get3A_717 = arith.constant 16 : index
        %get3A_718 = tpu.vector_load %arg13[%get3A_716, %get3A_717] {strides = array<i32>} : memref<88x128xf32, #tpu.memory_space<vmem>>, vector<1x16xf32>,
        %get3A_719 = vector.shape_cast %get3A_718 : vector<1x16xf32> to vector<16xf32>
        %add3A_720 = arith.addf %add3A_678, %get3A_719 : vector<16xf32>
        %get3A_721 = arith.index_cast %scan3A_710 : i32 to index
        %get3A_722 = arith.constant 32 : index
        %get3A_723 = tpu.vector_load %arg13[%get3A_721, %get3A_722] {strides = array<i32>} : memref<88x128xf32, #tpu.memory_space<vmem>>, vector<1x16xf32>,
        %get3A_724 = vector.shape_cast %get3A_723 : vector<1x16xf32> to vector<16xf32>
        %add3A_725 = arith.addf %add3A_683, %get3A_724 : vector<16xf32>
        %get3A_726 = arith.index_cast %scan3A_710 : i32 to index
        %get3A_727 = arith.constant 48 : index
        %get3A_728 = tpu.vector_load %arg13[%get3A_726, %get3A_727] {strides = array<i32>} : memref<88x128xf32, #tpu.memory_space<vmem>>, vector<1x16xf32>,
        %get3A_729 = vector.shape_cast %get3A_728 : vector<1x16xf32> to vector<16xf32>
        %add3A_730 = arith.addf %add3A_688, %get3A_729 : vector<16xf32>
        %get3A_731 = arith.index_cast %scan3A_710 : i32 to index
        %get3A_732 = arith.constant 64 : index
        %get3A_733 = tpu.vector_load %arg13[%get3A_731, %get3A_732] {strides = array<i32>} : memref<88x128xf32, #tpu.memory_space<vmem>>, vector<1x16xf32>,
        %get3A_734 = vector.shape_cast %get3A_733 : vector<1x16xf32> to vector<16xf32>
        %add3A_735 = arith.addf %add3A_693, %get3A_734 : vector<16xf32>
        %get3A_736 = arith.index_cast %scan3A_710 : i32 to index
        %get3A_737 = arith.constant 80 : index
        %get3A_738 = tpu.vector_load %arg13[%get3A_736, %get3A_737] {strides = array<i32>} : memref<88x128xf32, #tpu.memory_space<vmem>>, vector<1x16xf32>,
        %get3A_739 = vector.shape_cast %get3A_738 : vector<1x16xf32> to vector<16xf32>
        %add3A_740 = arith.addf %add3A_698, %get3A_739 : vector<16xf32>
        %get3A_741 = arith.index_cast %scan3A_710 : i32 to index
        %get3A_742 = arith.constant 96 : index
        %get3A_743 = tpu.vector_load %arg13[%get3A_741, %get3A_742] {strides = array<i32>} : memref<88x128xf32, #tpu.memory_space<vmem>>, vector<1x16xf32>,
        %get3A_744 = vector.shape_cast %get3A_743 : vector<1x16xf32> to vector<16xf32>
        %add3A_745 = arith.addf %add3A_703, %get3A_744 : vector<16xf32>
        %get3A_746 = arith.index_cast %scan3A_710 : i32 to index
        %get3A_747 = arith.constant 112 : index
        %get3A_748 = tpu.vector_load %arg13[%get3A_746, %get3A_747] {strides = array<i32>} : memref<88x128xf32, #tpu.memory_space<vmem>>, vector<1x16xf32>,
        %get3A_749 = vector.shape_cast %get3A_748 : vector<1x16xf32> to vector<16xf32>
        %add3A_750 = arith.addf %add3A_708, %get3A_749 : vector<16xf32>
        scf.yield %add3A_715, %add3A_720, %add3A_725, %add3A_730, %add3A_735, %add3A_740, %add3A_745, %add3A_750 : vector<16xf32>, vector<16xf32>, vector<16xf32>, vector<16xf32>, vector<16xf32>, vector<16xf32>, vector<16xf32>, vector<16xf32>
      }
      %scan3A_362 = arith.constant 88 : i32
      %swap3A_363 = arith.constant 0 : index
      %swap3A_364 = tpu.vector_load %arg18[%swap3A_363] {strides = array<i32>} : memref<512xf32, #tpu.memory_space<vmem>>, vector<16xf32>,
      %swap3A_365 = vector.shape_cast %swap3A_364 : vector<16xf32> to vector<16xf32>
      %swap3A_366 = vector.shape_cast %scan3A_361#0 : vector<16xf32> to vector<16xf32>
      tpu.vector_store %arg18[%swap3A_363], %swap3A_366 {strides = array<i32>} : memref<512xf32, #tpu.memory_space<vmem>>, vector<16xf32>,
      %swap3A_367 = arith.constant 16 : index
      %swap3A_368 = tpu.vector_load %arg18[%swap3A_367] {strides = array<i32>} : memref<512xf32, #tpu.memory_space<vmem>>, vector<16xf32>,
      %swap3A_369 = vector.shape_cast %swap3A_368 : vector<16xf32> to vector<16xf32>
      %swap3A_370 = vector.shape_cast %scan3A_361#1 : vector<16xf32> to vector<16xf32>
      tpu.vector_store %arg18[%swap3A_367], %swap3A_370 {strides = array<i32>} : memref<512xf32, #tpu.memory_space<vmem>>, vector<16xf32>,
      %swap3A_371 = arith.constant 32 : index
      %swap3A_372 = tpu.vector_load %arg18[%swap3A_371] {strides = array<i32>} : memref<512xf32, #tpu.memory_space<vmem>>, vector<16xf32>,
      %swap3A_373 = vector.shape_cast %swap3A_372 : vector<16xf32> to vector<16xf32>
      %swap3A_374 = vector.shape_cast %scan3A_361#2 : vector<16xf32> to vector<16xf32>
      tpu.vector_store %arg18[%swap3A_371], %swap3A_374 {strides = array<i32>} : memref<512xf32, #tpu.memory_space<vmem>>, vector<16xf32>,
      %swap3A_375 = arith.constant 48 : index
      %swap3A_376 = tpu.vector_load %arg18[%swap3A_375] {strides = array<i32>} : memref<512xf32, #tpu.memory_space<vmem>>, vector<16xf32>,
      %swap3A_377 = vector.shape_cast %swap3A_376 : vector<16xf32> to vector<16xf32>
      %swap3A_378 = vector.shape_cast %scan3A_361#3 : vector<16xf32> to vector<16xf32>
      tpu.vector_store %arg18[%swap3A_375], %swap3A_378 {strides = array<i32>} : memref<512xf32, #tpu.memory_space<vmem>>, vector<16xf32>,
      %swap3A_379 = arith.constant 64 : index
      %swap3A_380 = tpu.vector_load %arg18[%swap3A_379] {strides = array<i32>} : memref<512xf32, #tpu.memory_space<vmem>>, vector<16xf32>,
      %swap3A_381 = vector.shape_cast %swap3A_380 : vector<16xf32> to vector<16xf32>
      %swap3A_382 = vector.shape_cast %scan3A_361#4 : vector<16xf32> to vector<16xf32>
      tpu.vector_store %arg18[%swap3A_379], %swap3A_382 {strides = array<i32>} : memref<512xf32, #tpu.memory_space<vmem>>, vector<16xf32>,
      %swap3A_383 = arith.constant 80 : index
      %swap3A_384 = tpu.vector_load %arg18[%swap3A_383] {strides = array<i32>} : memref<512xf32, #tpu.memory_space<vmem>>, vector<16xf32>,
      %swap3A_385 = vector.shape_cast %swap3A_384 : vector<16xf32> to vector<16xf32>
      %swap3A_386 = vector.shape_cast %scan3A_361#5 : vector<16xf32> to vector<16xf32>
      tpu.vector_store %arg18[%swap3A_383], %swap3A_386 {strides = array<i32>} : memref<512xf32, #tpu.memory_space<vmem>>, vector<16xf32>,
      %swap3A_387 = arith.constant 96 : index
      %swap3A_388 = tpu.vector_load %arg18[%swap3A_387] {strides = array<i32>} : memref<512xf32, #tpu.memory_space<vmem>>, vector<16xf32>,
      %swap3A_389 = vector.shape_cast %swap3A_388 : vector<16xf32> to vector<16xf32>
      %swap3A_390 = vector.shape_cast %scan3A_361#6 : vector<16xf32> to vector<16xf32>
      tpu.vector_store %arg18[%swap3A_387], %swap3A_390 {strides = array<i32>} : memref<512xf32, #tpu.memory_space<vmem>>, vector<16xf32>,
      %swap3A_391 = arith.constant 112 : index
      %swap3A_392 = tpu.vector_load %arg18[%swap3A_391] {strides = array<i32>} : memref<512xf32, #tpu.memory_space<vmem>>, vector<16xf32>,
      %swap3A_393 = vector.shape_cast %swap3A_392 : vector<16xf32> to vector<16xf32>
      %swap3A_394 = vector.shape_cast %scan3A_361#7 : vector<16xf32> to vector<16xf32>
      tpu.vector_store %arg18[%swap3A_391], %swap3A_394 {strides = array<i32>} : memref<512xf32, #tpu.memory_space<vmem>>, vector<16xf32>,
      %dma_wait3A_395 = arith.constant 0 : i32
      %dma_wait3A_396 = tpu.memref_slice %arg8[%dma_wait3A_395] : memref<11264xi32, #tpu.memory_space<vmem>> -> memref<88xi32, #tpu.memory_space<vmem>>
      %dma_wait3A_397 = arith.constant 0 : i32
      %dma_wait3A_398 = arith.constant 0 : i32
      %dma_wait3A_399 = tpu.memref_slice %arg5[%dma_wait3A_397, %dma_wait3A_398] : memref<100000x128xf32, #tpu.memory_space<hbm>> -> memref<100000x128xf32, #tpu.memory_space<hbm>>
      tpu.wait_indirect_dma semaphore(%arg24 : memref<!tpu.dma_semaphore, #tpu.memory_space<semaphore_mem>>) src(%dma_wait3A_399 : memref<100000x128xf32, #tpu.memory_space<hbm>>) dst(%arg14 : memref<88x128xf32, #tpu.memory_space<vmem>>)
      %broadcast_in_dim3A_400 = arith.constant 0.000000e+00 : f32
      %broadcast_in_dim3A_401 = vector.broadcast %broadcast_in_dim3A_400 : f32 to vector<16xf32>
      %broadcast_in_dim3A_402 = arith.constant 0.000000e+00 : f32
      %broadcast_in_dim3A_403 = vector.broadcast %broadcast_in_dim3A_402 : f32 to vector<16xf32>
      %broadcast_in_dim3A_404 = arith.constant 0.000000e+00 : f32
      %broadcast_in_dim3A_405 = vector.broadcast %broadcast_in_dim3A_404 : f32 to vector<16xf32>
      %broadcast_in_dim3A_406 = arith.constant 0.000000e+00 : f32
      %broadcast_in_dim3A_407 = vector.broadcast %broadcast_in_dim3A_406 : f32 to vector<16xf32>
      %broadcast_in_dim3A_408 = arith.constant 0.000000e+00 : f32
      %broadcast_in_dim3A_409 = vector.broadcast %broadcast_in_dim3A_408 : f32 to vector<16xf32>
      %broadcast_in_dim3A_410 = arith.constant 0.000000e+00 : f32
      %broadcast_in_dim3A_411 = vector.broadcast %broadcast_in_dim3A_410 : f32 to vector<16xf32>
      %broadcast_in_dim3A_412 = arith.constant 0.000000e+00 : f32
      %broadcast_in_dim3A_413 = vector.broadcast %broadcast_in_dim3A_412 : f32 to vector<16xf32>
      %broadcast_in_dim3A_414 = arith.constant 0.000000e+00 : f32
      %broadcast_in_dim3A_415 = vector.broadcast %broadcast_in_dim3A_414 : f32 to vector<16xf32>
      %scan3A_416 = arith.constant 0 : i32
      %scan3A_417 = arith.constant 88 : i32
      %scan3A_418 = arith.addi %scan3A_416, %scan3A_417 : i32
      %scan3A_419 = arith.constant 4 : i32
      %scan3A_420:8 = scf.for %scan3A_577 = %scan3A_416 to %scan3A_418 step %scan3A_419 iter_args(%scan3A_578 = %broadcast_in_dim3A_401, %scan3A_579 = %broadcast_in_dim3A_403, %scan3A_580 = %broadcast_in_dim3A_405, %scan3A_581 = %broadcast_in_dim3A_407, %scan3A_582 = %broadcast_in_dim3A_409, %scan3A_583 = %broadcast_in_dim3A_411, %scan3A_584 = %broadcast_in_dim3A_413, %scan3A_585 = %broadcast_in_dim3A_415) -> (vector<16xf32>, vector<16xf32>, vector<16xf32>, vector<16xf32>, vector<16xf32>, vector<16xf32>, vector<16xf32>, vector<16xf32>)  : i32 {
        %get3A = arith.index_cast %scan3A_577 : i32 to index
        %get3A_586 = arith.constant 0 : index
        %get3A_587 = tpu.vector_load %arg14[%get3A, %get3A_586] {strides = array<i32>} : memref<88x128xf32, #tpu.memory_space<vmem>>, vector<1x16xf32>,
        %get3A_588 = vector.shape_cast %get3A_587 : vector<1x16xf32> to vector<16xf32>
        %add3A_589 = arith.addf %scan3A_578, %get3A_588 : vector<16xf32>
        %get3A_590 = arith.index_cast %scan3A_577 : i32 to index
        %get3A_591 = arith.constant 16 : index
        %get3A_592 = tpu.vector_load %arg14[%get3A_590, %get3A_591] {strides = array<i32>} : memref<88x128xf32, #tpu.memory_space<vmem>>, vector<1x16xf32>,
        %get3A_593 = vector.shape_cast %get3A_592 : vector<1x16xf32> to vector<16xf32>
        %add3A_594 = arith.addf %scan3A_579, %get3A_593 : vector<16xf32>
        %get3A_595 = arith.index_cast %scan3A_577 : i32 to index
        %get3A_596 = arith.constant 32 : index
        %get3A_597 = tpu.vector_load %arg14[%get3A_595, %get3A_596] {strides = array<i32>} : memref<88x128xf32, #tpu.memory_space<vmem>>, vector<1x16xf32>,
        %get3A_598 = vector.shape_cast %get3A_597 : vector<1x16xf32> to vector<16xf32>
        %add3A_599 = arith.addf %scan3A_580, %get3A_598 : vector<16xf32>
        %get3A_600 = arith.index_cast %scan3A_577 : i32 to index
        %get3A_601 = arith.constant 48 : index
        %get3A_602 = tpu.vector_load %arg14[%get3A_600, %get3A_601] {strides = array<i32>} : memref<88x128xf32, #tpu.memory_space<vmem>>, vector<1x16xf32>,
        %get3A_603 = vector.shape_cast %get3A_602 : vector<1x16xf32> to vector<16xf32>
        %add3A_604 = arith.addf %scan3A_581, %get3A_603 : vector<16xf32>
        %get3A_605 = arith.index_cast %scan3A_577 : i32 to index
        %get3A_606 = arith.constant 64 : index
        %get3A_607 = tpu.vector_load %arg14[%get3A_605, %get3A_606] {strides = array<i32>} : memref<88x128xf32, #tpu.memory_space<vmem>>, vector<1x16xf32>,
        %get3A_608 = vector.shape_cast %get3A_607 : vector<1x16xf32> to vector<16xf32>
        %add3A_609 = arith.addf %scan3A_582, %get3A_608 : vector<16xf32>
        %get3A_610 = arith.index_cast %scan3A_577 : i32 to index
        %get3A_611 = arith.constant 80 : index
        %get3A_612 = tpu.vector_load %arg14[%get3A_610, %get3A_611] {strides = array<i32>} : memref<88x128xf32, #tpu.memory_space<vmem>>, vector<1x16xf32>,
        %get3A_613 = vector.shape_cast %get3A_612 : vector<1x16xf32> to vector<16xf32>
        %add3A_614 = arith.addf %scan3A_583, %get3A_613 : vector<16xf32>
        %get3A_615 = arith.index_cast %scan3A_577 : i32 to index
        %get3A_616 = arith.constant 96 : index
        %get3A_617 = tpu.vector_load %arg14[%get3A_615, %get3A_616] {strides = array<i32>} : memref<88x128xf32, #tpu.memory_space<vmem>>, vector<1x16xf32>,
        %get3A_618 = vector.shape_cast %get3A_617 : vector<1x16xf32> to vector<16xf32>
        %add3A_619 = arith.addf %scan3A_584, %get3A_618 : vector<16xf32>
        %get3A_620 = arith.index_cast %scan3A_577 : i32 to index
        %get3A_621 = arith.constant 112 : index
        %get3A_622 = tpu.vector_load %arg14[%get3A_620, %get3A_621] {strides = array<i32>} : memref<88x128xf32, #tpu.memory_space<vmem>>, vector<1x16xf32>,
        %get3A_623 = vector.shape_cast %get3A_622 : vector<1x16xf32> to vector<16xf32>
        %add3A_624 = arith.addf %scan3A_585, %get3A_623 : vector<16xf32>
        %scan3A_625 = arith.constant 1 : i32
        %scan3A_626 = arith.addi %scan3A_577, %scan3A_625 : i32
        %get3A_627 = arith.index_cast %scan3A_626 : i32 to index
        %get3A_628 = arith.constant 0 : index
        %get3A_629 = tpu.vector_load %arg14[%get3A_627, %get3A_628] {strides = array<i32>} : memref<88x128xf32, #tpu.memory_space<vmem>>, vector<1x16xf32>,
        %get3A_630 = vector.shape_cast %get3A_629 : vector<1x16xf32> to vector<16xf32>
        %add3A_631 = arith.addf %add3A_589, %get3A_630 : vector<16xf32>
        %get3A_632 = arith.index_cast %scan3A_626 : i32 to index
        %get3A_633 = arith.constant 16 : index
        %get3A_634 = tpu.vector_load %arg14[%get3A_632, %get3A_633] {strides = array<i32>} : memref<88x128xf32, #tpu.memory_space<vmem>>, vector<1x16xf32>,
        %get3A_635 = vector.shape_cast %get3A_634 : vector<1x16xf32> to vector<16xf32>
        %add3A_636 = arith.addf %add3A_594, %get3A_635 : vector<16xf32>
        %get3A_637 = arith.index_cast %scan3A_626 : i32 to index
        %get3A_638 = arith.constant 32 : index
        %get3A_639 = tpu.vector_load %arg14[%get3A_637, %get3A_638] {strides = array<i32>} : memref<88x128xf32, #tpu.memory_space<vmem>>, vector<1x16xf32>,
        %get3A_640 = vector.shape_cast %get3A_639 : vector<1x16xf32> to vector<16xf32>
        %add3A_641 = arith.addf %add3A_599, %get3A_640 : vector<16xf32>
        %get3A_642 = arith.index_cast %scan3A_626 : i32 to index
        %get3A_643 = arith.constant 48 : index
        %get3A_644 = tpu.vector_load %arg14[%get3A_642, %get3A_643] {strides = array<i32>} : memref<88x128xf32, #tpu.memory_space<vmem>>, vector<1x16xf32>,
        %get3A_645 = vector.shape_cast %get3A_644 : vector<1x16xf32> to vector<16xf32>
        %add3A_646 = arith.addf %add3A_604, %get3A_645 : vector<16xf32>
        %get3A_647 = arith.index_cast %scan3A_626 : i32 to index
        %get3A_648 = arith.constant 64 : index
        %get3A_649 = tpu.vector_load %arg14[%get3A_647, %get3A_648] {strides = array<i32>} : memref<88x128xf32, #tpu.memory_space<vmem>>, vector<1x16xf32>,
        %get3A_650 = vector.shape_cast %get3A_649 : vector<1x16xf32> to vector<16xf32>
        %add3A_651 = arith.addf %add3A_609, %get3A_650 : vector<16xf32>
        %get3A_652 = arith.index_cast %scan3A_626 : i32 to index
        %get3A_653 = arith.constant 80 : index
        %get3A_654 = tpu.vector_load %arg14[%get3A_652, %get3A_653] {strides = array<i32>} : memref<88x128xf32, #tpu.memory_space<vmem>>, vector<1x16xf32>,
        %get3A_655 = vector.shape_cast %get3A_654 : vector<1x16xf32> to vector<16xf32>
        %add3A_656 = arith.addf %add3A_614, %get3A_655 : vector<16xf32>
        %get3A_657 = arith.index_cast %scan3A_626 : i32 to index
        %get3A_658 = arith.constant 96 : index
        %get3A_659 = tpu.vector_load %arg14[%get3A_657, %get3A_658] {strides = array<i32>} : memref<88x128xf32, #tpu.memory_space<vmem>>, vector<1x16xf32>,
        %get3A_660 = vector.shape_cast %get3A_659 : vector<1x16xf32> to vector<16xf32>
        %add3A_661 = arith.addf %add3A_619, %get3A_660 : vector<16xf32>
        %get3A_662 = arith.index_cast %scan3A_626 : i32 to index
        %get3A_663 = arith.constant 112 : index
        %get3A_664 = tpu.vector_load %arg14[%get3A_662, %get3A_663] {strides = array<i32>} : memref<88x128xf32, #tpu.memory_space<vmem>>, vector<1x16xf32>,
        %get3A_665 = vector.shape_cast %get3A_664 : vector<1x16xf32> to vector<16xf32>
        %add3A_666 = arith.addf %add3A_624, %get3A_665 : vector<16xf32>
        %scan3A_667 = arith.constant 2 : i32
        %scan3A_668 = arith.addi %scan3A_577, %scan3A_667 : i32
        %get3A_669 = arith.index_cast %scan3A_668 : i32 to index
        %get3A_670 = arith.constant 0 : index
        %get3A_671 = tpu.vector_load %arg14[%get3A_669, %get3A_670] {strides = array<i32>} : memref<88x128xf32, #tpu.memory_space<vmem>>, vector<1x16xf32>,
        %get3A_672 = vector.shape_cast %get3A_671 : vector<1x16xf32> to vector<16xf32>
        %add3A_673 = arith.addf %add3A_631, %get3A_672 : vector<16xf32>
        %get3A_674 = arith.index_cast %scan3A_668 : i32 to index
        %get3A_675 = arith.constant 16 : index
        %get3A_676 = tpu.vector_load %arg14[%get3A_674, %get3A_675] {strides = array<i32>} : memref<88x128xf32, #tpu.memory_space<vmem>>, vector<1x16xf32>,
        %get3A_677 = vector.shape_cast %get3A_676 : vector<1x16xf32> to vector<16xf32>
        %add3A_678 = arith.addf %add3A_636, %get3A_677 : vector<16xf32>
        %get3A_679 = arith.index_cast %scan3A_668 : i32 to index
        %get3A_680 = arith.constant 32 : index
        %get3A_681 = tpu.vector_load %arg14[%get3A_679, %get3A_680] {strides = array<i32>} : memref<88x128xf32, #tpu.memory_space<vmem>>, vector<1x16xf32>,
        %get3A_682 = vector.shape_cast %get3A_681 : vector<1x16xf32> to vector<16xf32>
        %add3A_683 = arith.addf %add3A_641, %get3A_682 : vector<16xf32>
        %get3A_684 = arith.index_cast %scan3A_668 : i32 to index
        %get3A_685 = arith.constant 48 : index
        %get3A_686 = tpu.vector_load %arg14[%get3A_684, %get3A_685] {strides = array<i32>} : memref<88x128xf32, #tpu.memory_space<vmem>>, vector<1x16xf32>,
        %get3A_687 = vector.shape_cast %get3A_686 : vector<1x16xf32> to vector<16xf32>
        %add3A_688 = arith.addf %add3A_646, %get3A_687 : vector<16xf32>
        %get3A_689 = arith.index_cast %scan3A_668 : i32 to index
        %get3A_690 = arith.constant 64 : index
        %get3A_691 = tpu.vector_load %arg14[%get3A_689, %get3A_690] {strides = array<i32>} : memref<88x128xf32, #tpu.memory_space<vmem>>, vector<1x16xf32>,
        %get3A_692 = vector.shape_cast %get3A_691 : vector<1x16xf32> to vector<16xf32>
        %add3A_693 = arith.addf %add3A_651, %get3A_692 : vector<16xf32>
        %get3A_694 = arith.index_cast %scan3A_668 : i32 to index
        %get3A_695 = arith.constant 80 : index
        %get3A_696 = tpu.vector_load %arg14[%get3A_694, %get3A_695] {strides = array<i32>} : memref<88x128xf32, #tpu.memory_space<vmem>>, vector<1x16xf32>,
        %get3A_697 = vector.shape_cast %get3A_696 : vector<1x16xf32> to vector<16xf32>
        %add3A_698 = arith.addf %add3A_656, %get3A_697 : vector<16xf32>
        %get3A_699 = arith.index_cast %scan3A_668 : i32 to index
        %get3A_700 = arith.constant 96 : index
        %get3A_701 = tpu.vector_load %arg14[%get3A_699, %get3A_700] {strides = array<i32>} : memref<88x128xf32, #tpu.memory_space<vmem>>, vector<1x16xf32>,
        %get3A_702 = vector.shape_cast %get3A_701 : vector<1x16xf32> to vector<16xf32>
        %add3A_703 = arith.addf %add3A_661, %get3A_702 : vector<16xf32>
        %get3A_704 = arith.index_cast %scan3A_668 : i32 to index
        %get3A_705 = arith.constant 112 : index
        %get3A_706 = tpu.vector_load %arg14[%get3A_704, %get3A_705] {strides = array<i32>} : memref<88x128xf32, #tpu.memory_space<vmem>>, vector<1x16xf32>,
        %get3A_707 = vector.shape_cast %get3A_706 : vector<1x16xf32> to vector<16xf32>
        %add3A_708 = arith.addf %add3A_666, %get3A_707 : vector<16xf32>
        %scan3A_709 = arith.constant 3 : i32
        %scan3A_710 = arith.addi %scan3A_577, %scan3A_709 : i32
        %get3A_711 = arith.index_cast %scan3A_710 : i32 to index
        %get3A_712 = arith.constant 0 : index
        %get3A_713 = tpu.vector_load %arg14[%get3A_711, %get3A_712] {strides = array<i32>} : memref<88x128xf32, #tpu.memory_space<vmem>>, vector<1x16xf32>,
        %get3A_714 = vector.shape_cast %get3A_713 : vector<1x16xf32> to vector<16xf32>
        %add3A_715 = arith.addf %add3A_673, %get3A_714 : vector<16xf32>
        %get3A_716 = arith.index_cast %scan3A_710 : i32 to index
        %get3A_717 = arith.constant 16 : index
        %get3A_718 = tpu.vector_load %arg14[%get3A_716, %get3A_717] {strides = array<i32>} : memref<88x128xf32, #tpu.memory_space<vmem>>, vector<1x16xf32>,
        %get3A_719 = vector.shape_cast %get3A_718 : vector<1x16xf32> to vector<16xf32>
        %add3A_720 = arith.addf %add3A_678, %get3A_719 : vector<16xf32>
        %get3A_721 = arith.index_cast %scan3A_710 : i32 to index
        %get3A_722 = arith.constant 32 : index
        %get3A_723 = tpu.vector_load %arg14[%get3A_721, %get3A_722] {strides = array<i32>} : memref<88x128xf32, #tpu.memory_space<vmem>>, vector<1x16xf32>,
        %get3A_724 = vector.shape_cast %get3A_723 : vector<1x16xf32> to vector<16xf32>
        %add3A_725 = arith.addf %add3A_683, %get3A_724 : vector<16xf32>
        %get3A_726 = arith.index_cast %scan3A_710 : i32 to index
        %get3A_727 = arith.constant 48 : index
        %get3A_728 = tpu.vector_load %arg14[%get3A_726, %get3A_727] {strides = array<i32>} : memref<88x128xf32, #tpu.memory_space<vmem>>, vector<1x16xf32>,
        %get3A_729 = vector.shape_cast %get3A_728 : vector<1x16xf32> to vector<16xf32>
        %add3A_730 = arith.addf %add3A_688, %get3A_729 : vector<16xf32>
        %get3A_731 = arith.index_cast %scan3A_710 : i32 to index
        %get3A_732 = arith.constant 64 : index
        %get3A_733 = tpu.vector_load %arg14[%get3A_731, %get3A_732] {strides = array<i32>} : memref<88x128xf32, #tpu.memory_space<vmem>>, vector<1x16xf32>,
        %get3A_734 = vector.shape_cast %get3A_733 : vector<1x16xf32> to vector<16xf32>
        %add3A_735 = arith.addf %add3A_693, %get3A_734 : vector<16xf32>
        %get3A_736 = arith.index_cast %scan3A_710 : i32 to index
        %get3A_737 = arith.constant 80 : index
        %get3A_738 = tpu.vector_load %arg14[%get3A_736, %get3A_737] {strides = array<i32>} : memref<88x128xf32, #tpu.memory_space<vmem>>, vector<1x16xf32>,
        %get3A_739 = vector.shape_cast %get3A_738 : vector<1x16xf32> to vector<16xf32>
        %add3A_740 = arith.addf %add3A_698, %get3A_739 : vector<16xf32>
        %get3A_741 = arith.index_cast %scan3A_710 : i32 to index
        %get3A_742 = arith.constant 96 : index
        %get3A_743 = tpu.vector_load %arg14[%get3A_741, %get3A_742] {strides = array<i32>} : memref<88x128xf32, #tpu.memory_space<vmem>>, vector<1x16xf32>,
        %get3A_744 = vector.shape_cast %get3A_743 : vector<1x16xf32> to vector<16xf32>
        %add3A_745 = arith.addf %add3A_703, %get3A_744 : vector<16xf32>
        %get3A_746 = arith.index_cast %scan3A_710 : i32 to index
        %get3A_747 = arith.constant 112 : index
        %get3A_748 = tpu.vector_load %arg14[%get3A_746, %get3A_747] {strides = array<i32>} : memref<88x128xf32, #tpu.memory_space<vmem>>, vector<1x16xf32>,
        %get3A_749 = vector.shape_cast %get3A_748 : vector<1x16xf32> to vector<16xf32>
        %add3A_750 = arith.addf %add3A_708, %get3A_749 : vector<16xf32>
        scf.yield %add3A_715, %add3A_720, %add3A_725, %add3A_730, %add3A_735, %add3A_740, %add3A_745, %add3A_750 : vector<16xf32>, vector<16xf32>, vector<16xf32>, vector<16xf32>, vector<16xf32>, vector<16xf32>, vector<16xf32>, vector<16xf32>
      }
      %scan3A_421 = arith.constant 88 : i32
      %swap3A_422 = arith.constant 128 : index
      %swap3A_423 = tpu.vector_load %arg18[%swap3A_422] {strides = array<i32>} : memref<512xf32, #tpu.memory_space<vmem>>, vector<16xf32>,
      %swap3A_424 = vector.shape_cast %swap3A_423 : vector<16xf32> to vector<16xf32>
      %swap3A_425 = vector.shape_cast %scan3A_420#0 : vector<16xf32> to vector<16xf32>
      tpu.vector_store %arg18[%swap3A_422], %swap3A_425 {strides = array<i32>} : memref<512xf32, #tpu.memory_space<vmem>>, vector<16xf32>,
      %swap3A_426 = arith.constant 144 : index
      %swap3A_427 = tpu.vector_load %arg18[%swap3A_426] {strides = array<i32>} : memref<512xf32, #tpu.memory_space<vmem>>, vector<16xf32>,
      %swap3A_428 = vector.shape_cast %swap3A_427 : vector<16xf32> to vector<16xf32>
      %swap3A_429 = vector.shape_cast %scan3A_420#1 : vector<16xf32> to vector<16xf32>
      tpu.vector_store %arg18[%swap3A_426], %swap3A_429 {strides = array<i32>} : memref<512xf32, #tpu.memory_space<vmem>>, vector<16xf32>,
      %swap3A_430 = arith.constant 160 : index
      %swap3A_431 = tpu.vector_load %arg18[%swap3A_430] {strides = array<i32>} : memref<512xf32, #tpu.memory_space<vmem>>, vector<16xf32>,
      %swap3A_432 = vector.shape_cast %swap3A_431 : vector<16xf32> to vector<16xf32>
      %swap3A_433 = vector.shape_cast %scan3A_420#2 : vector<16xf32> to vector<16xf32>
      tpu.vector_store %arg18[%swap3A_430], %swap3A_433 {strides = array<i32>} : memref<512xf32, #tpu.memory_space<vmem>>, vector<16xf32>,
      %swap3A_434 = arith.constant 176 : index
      %swap3A_435 = tpu.vector_load %arg18[%swap3A_434] {strides = array<i32>} : memref<512xf32, #tpu.memory_space<vmem>>, vector<16xf32>,
      %swap3A_436 = vector.shape_cast %swap3A_435 : vector<16xf32> to vector<16xf32>
      %swap3A_437 = vector.shape_cast %scan3A_420#3 : vector<16xf32> to vector<16xf32>
      tpu.vector_store %arg18[%swap3A_434], %swap3A_437 {strides = array<i32>} : memref<512xf32, #tpu.memory_space<vmem>>, vector<16xf32>,
      %swap3A_438 = arith.constant 192 : index
      %swap3A_439 = tpu.vector_load %arg18[%swap3A_438] {strides = array<i32>} : memref<512xf32, #tpu.memory_space<vmem>>, vector<16xf32>,
      %swap3A_440 = vector.shape_cast %swap3A_439 : vector<16xf32> to vector<16xf32>
      %swap3A_441 = vector.shape_cast %scan3A_420#4 : vector<16xf32> to vector<16xf32>
      tpu.vector_store %arg18[%swap3A_438], %swap3A_441 {strides = array<i32>} : memref<512xf32, #tpu.memory_space<vmem>>, vector<16xf32>,
      %swap3A_442 = arith.constant 208 : index
      %swap3A_443 = tpu.vector_load %arg18[%swap3A_442] {strides = array<i32>} : memref<512xf32, #tpu.memory_space<vmem>>, vector<16xf32>,
      %swap3A_444 = vector.shape_cast %swap3A_443 : vector<16xf32> to vector<16xf32>
      %swap3A_445 = vector.shape_cast %scan3A_420#5 : vector<16xf32> to vector<16xf32>
      tpu.vector_store %arg18[%swap3A_442], %swap3A_445 {strides = array<i32>} : memref<512xf32, #tpu.memory_space<vmem>>, vector<16xf32>,
      %swap3A_446 = arith.constant 224 : index
      %swap3A_447 = tpu.vector_load %arg18[%swap3A_446] {strides = array<i32>} : memref<512xf32, #tpu.memory_space<vmem>>, vector<16xf32>,
      %swap3A_448 = vector.shape_cast %swap3A_447 : vector<16xf32> to vector<16xf32>
      %swap3A_449 = vector.shape_cast %scan3A_420#6 : vector<16xf32> to vector<16xf32>
      tpu.vector_store %arg18[%swap3A_446], %swap3A_449 {strides = array<i32>} : memref<512xf32, #tpu.memory_space<vmem>>, vector<16xf32>,
      %swap3A_450 = arith.constant 240 : index
      %swap3A_451 = tpu.vector_load %arg18[%swap3A_450] {strides = array<i32>} : memref<512xf32, #tpu.memory_space<vmem>>, vector<16xf32>,
      %swap3A_452 = vector.shape_cast %swap3A_451 : vector<16xf32> to vector<16xf32>
      %swap3A_453 = vector.shape_cast %scan3A_420#7 : vector<16xf32> to vector<16xf32>
      tpu.vector_store %arg18[%swap3A_450], %swap3A_453 {strides = array<i32>} : memref<512xf32, #tpu.memory_space<vmem>>, vector<16xf32>,
      %dma_wait3A_454 = arith.constant 0 : i32
      %dma_wait3A_455 = tpu.memref_slice %arg8[%dma_wait3A_454] : memref<11264xi32, #tpu.memory_space<vmem>> -> memref<88xi32, #tpu.memory_space<vmem>>
      %dma_wait3A_456 = arith.constant 0 : i32
      %dma_wait3A_457 = arith.constant 0 : i32
      %dma_wait3A_458 = tpu.memref_slice %arg5[%dma_wait3A_456, %dma_wait3A_457] : memref<100000x128xf32, #tpu.memory_space<hbm>> -> memref<100000x128xf32, #tpu.memory_space<hbm>>
      tpu.wait_indirect_dma semaphore(%arg25 : memref<!tpu.dma_semaphore, #tpu.memory_space<semaphore_mem>>) src(%dma_wait3A_458 : memref<100000x128xf32, #tpu.memory_space<hbm>>) dst(%arg15 : memref<88x128xf32, #tpu.memory_space<vmem>>)
      %broadcast_in_dim3A_459 = arith.constant 0.000000e+00 : f32
      %broadcast_in_dim3A_460 = vector.broadcast %broadcast_in_dim3A_459 : f32 to vector<16xf32>
      %broadcast_in_dim3A_461 = arith.constant 0.000000e+00 : f32
      %broadcast_in_dim3A_462 = vector.broadcast %broadcast_in_dim3A_461 : f32 to vector<16xf32>
      %broadcast_in_dim3A_463 = arith.constant 0.000000e+00 : f32
      %broadcast_in_dim3A_464 = vector.broadcast %broadcast_in_dim3A_463 : f32 to vector<16xf32>
      %broadcast_in_dim3A_465 = arith.constant 0.000000e+00 : f32
      %broadcast_in_dim3A_466 = vector.broadcast %broadcast_in_dim3A_465 : f32 to vector<16xf32>
      %broadcast_in_dim3A_467 = arith.constant 0.000000e+00 : f32
      %broadcast_in_dim3A_468 = vector.broadcast %broadcast_in_dim3A_467 : f32 to vector<16xf32>
      %broadcast_in_dim3A_469 = arith.constant 0.000000e+00 : f32
      %broadcast_in_dim3A_470 = vector.broadcast %broadcast_in_dim3A_469 : f32 to vector<16xf32>
      %broadcast_in_dim3A_471 = arith.constant 0.000000e+00 : f32
      %broadcast_in_dim3A_472 = vector.broadcast %broadcast_in_dim3A_471 : f32 to vector<16xf32>
      %broadcast_in_dim3A_473 = arith.constant 0.000000e+00 : f32
      %broadcast_in_dim3A_474 = vector.broadcast %broadcast_in_dim3A_473 : f32 to vector<16xf32>
      %scan3A_475 = arith.constant 0 : i32
      %scan3A_476 = arith.constant 88 : i32
      %scan3A_477 = arith.addi %scan3A_475, %scan3A_476 : i32
      %scan3A_478 = arith.constant 4 : i32
      %scan3A_479:8 = scf.for %scan3A_577 = %scan3A_475 to %scan3A_477 step %scan3A_478 iter_args(%scan3A_578 = %broadcast_in_dim3A_460, %scan3A_579 = %broadcast_in_dim3A_462, %scan3A_580 = %broadcast_in_dim3A_464, %scan3A_581 = %broadcast_in_dim3A_466, %scan3A_582 = %broadcast_in_dim3A_468, %scan3A_583 = %broadcast_in_dim3A_470, %scan3A_584 = %broadcast_in_dim3A_472, %scan3A_585 = %broadcast_in_dim3A_474) -> (vector<16xf32>, vector<16xf32>, vector<16xf32>, vector<16xf32>, vector<16xf32>, vector<16xf32>, vector<16xf32>, vector<16xf32>)  : i32 {
        %get3A = arith.index_cast %scan3A_577 : i32 to index
        %get3A_586 = arith.constant 0 : index
        %get3A_587 = tpu.vector_load %arg15[%get3A, %get3A_586] {strides = array<i32>} : memref<88x128xf32, #tpu.memory_space<vmem>>, vector<1x16xf32>,
        %get3A_588 = vector.shape_cast %get3A_587 : vector<1x16xf32> to vector<16xf32>
        %add3A_589 = arith.addf %scan3A_578, %get3A_588 : vector<16xf32>
        %get3A_590 = arith.index_cast %scan3A_577 : i32 to index
        %get3A_591 = arith.constant 16 : index
        %get3A_592 = tpu.vector_load %arg15[%get3A_590, %get3A_591] {strides = array<i32>} : memref<88x128xf32, #tpu.memory_space<vmem>>, vector<1x16xf32>,
        %get3A_593 = vector.shape_cast %get3A_592 : vector<1x16xf32> to vector<16xf32>
        %add3A_594 = arith.addf %scan3A_579, %get3A_593 : vector<16xf32>
        %get3A_595 = arith.index_cast %scan3A_577 : i32 to index
        %get3A_596 = arith.constant 32 : index
        %get3A_597 = tpu.vector_load %arg15[%get3A_595, %get3A_596] {strides = array<i32>} : memref<88x128xf32, #tpu.memory_space<vmem>>, vector<1x16xf32>,
        %get3A_598 = vector.shape_cast %get3A_597 : vector<1x16xf32> to vector<16xf32>
        %add3A_599 = arith.addf %scan3A_580, %get3A_598 : vector<16xf32>
        %get3A_600 = arith.index_cast %scan3A_577 : i32 to index
        %get3A_601 = arith.constant 48 : index
        %get3A_602 = tpu.vector_load %arg15[%get3A_600, %get3A_601] {strides = array<i32>} : memref<88x128xf32, #tpu.memory_space<vmem>>, vector<1x16xf32>,
        %get3A_603 = vector.shape_cast %get3A_602 : vector<1x16xf32> to vector<16xf32>
        %add3A_604 = arith.addf %scan3A_581, %get3A_603 : vector<16xf32>
        %get3A_605 = arith.index_cast %scan3A_577 : i32 to index
        %get3A_606 = arith.constant 64 : index
        %get3A_607 = tpu.vector_load %arg15[%get3A_605, %get3A_606] {strides = array<i32>} : memref<88x128xf32, #tpu.memory_space<vmem>>, vector<1x16xf32>,
        %get3A_608 = vector.shape_cast %get3A_607 : vector<1x16xf32> to vector<16xf32>
        %add3A_609 = arith.addf %scan3A_582, %get3A_608 : vector<16xf32>
        %get3A_610 = arith.index_cast %scan3A_577 : i32 to index
        %get3A_611 = arith.constant 80 : index
        %get3A_612 = tpu.vector_load %arg15[%get3A_610, %get3A_611] {strides = array<i32>} : memref<88x128xf32, #tpu.memory_space<vmem>>, vector<1x16xf32>,
        %get3A_613 = vector.shape_cast %get3A_612 : vector<1x16xf32> to vector<16xf32>
        %add3A_614 = arith.addf %scan3A_583, %get3A_613 : vector<16xf32>
        %get3A_615 = arith.index_cast %scan3A_577 : i32 to index
        %get3A_616 = arith.constant 96 : index
        %get3A_617 = tpu.vector_load %arg15[%get3A_615, %get3A_616] {strides = array<i32>} : memref<88x128xf32, #tpu.memory_space<vmem>>, vector<1x16xf32>,
        %get3A_618 = vector.shape_cast %get3A_617 : vector<1x16xf32> to vector<16xf32>
        %add3A_619 = arith.addf %scan3A_584, %get3A_618 : vector<16xf32>
        %get3A_620 = arith.index_cast %scan3A_577 : i32 to index
        %get3A_621 = arith.constant 112 : index
        %get3A_622 = tpu.vector_load %arg15[%get3A_620, %get3A_621] {strides = array<i32>} : memref<88x128xf32, #tpu.memory_space<vmem>>, vector<1x16xf32>,
        %get3A_623 = vector.shape_cast %get3A_622 : vector<1x16xf32> to vector<16xf32>
        %add3A_624 = arith.addf %scan3A_585, %get3A_623 : vector<16xf32>
        %scan3A_625 = arith.constant 1 : i32
        %scan3A_626 = arith.addi %scan3A_577, %scan3A_625 : i32
        %get3A_627 = arith.index_cast %scan3A_626 : i32 to index
        %get3A_628 = arith.constant 0 : index
        %get3A_629 = tpu.vector_load %arg15[%get3A_627, %get3A_628] {strides = array<i32>} : memref<88x128xf32, #tpu.memory_space<vmem>>, vector<1x16xf32>,
        %get3A_630 = vector.shape_cast %get3A_629 : vector<1x16xf32> to vector<16xf32>
        %add3A_631 = arith.addf %add3A_589, %get3A_630 : vector<16xf32>
        %get3A_632 = arith.index_cast %scan3A_626 : i32 to index
        %get3A_633 = arith.constant 16 : index
        %get3A_634 = tpu.vector_load %arg15[%get3A_632, %get3A_633] {strides = array<i32>} : memref<88x128xf32, #tpu.memory_space<vmem>>, vector<1x16xf32>,
        %get3A_635 = vector.shape_cast %get3A_634 : vector<1x16xf32> to vector<16xf32>
        %add3A_636 = arith.addf %add3A_594, %get3A_635 : vector<16xf32>
        %get3A_637 = arith.index_cast %scan3A_626 : i32 to index
        %get3A_638 = arith.constant 32 : index
        %get3A_639 = tpu.vector_load %arg15[%get3A_637, %get3A_638] {strides = array<i32>} : memref<88x128xf32, #tpu.memory_space<vmem>>, vector<1x16xf32>,
        %get3A_640 = vector.shape_cast %get3A_639 : vector<1x16xf32> to vector<16xf32>
        %add3A_641 = arith.addf %add3A_599, %get3A_640 : vector<16xf32>
        %get3A_642 = arith.index_cast %scan3A_626 : i32 to index
        %get3A_643 = arith.constant 48 : index
        %get3A_644 = tpu.vector_load %arg15[%get3A_642, %get3A_643] {strides = array<i32>} : memref<88x128xf32, #tpu.memory_space<vmem>>, vector<1x16xf32>,
        %get3A_645 = vector.shape_cast %get3A_644 : vector<1x16xf32> to vector<16xf32>
        %add3A_646 = arith.addf %add3A_604, %get3A_645 : vector<16xf32>
        %get3A_647 = arith.index_cast %scan3A_626 : i32 to index
        %get3A_648 = arith.constant 64 : index
        %get3A_649 = tpu.vector_load %arg15[%get3A_647, %get3A_648] {strides = array<i32>} : memref<88x128xf32, #tpu.memory_space<vmem>>, vector<1x16xf32>,
        %get3A_650 = vector.shape_cast %get3A_649 : vector<1x16xf32> to vector<16xf32>
        %add3A_651 = arith.addf %add3A_609, %get3A_650 : vector<16xf32>
        %get3A_652 = arith.index_cast %scan3A_626 : i32 to index
        %get3A_653 = arith.constant 80 : index
        %get3A_654 = tpu.vector_load %arg15[%get3A_652, %get3A_653] {strides = array<i32>} : memref<88x128xf32, #tpu.memory_space<vmem>>, vector<1x16xf32>,
        %get3A_655 = vector.shape_cast %get3A_654 : vector<1x16xf32> to vector<16xf32>
        %add3A_656 = arith.addf %add3A_614, %get3A_655 : vector<16xf32>
        %get3A_657 = arith.index_cast %scan3A_626 : i32 to index
        %get3A_658 = arith.constant 96 : index
        %get3A_659 = tpu.vector_load %arg15[%get3A_657, %get3A_658] {strides = array<i32>} : memref<88x128xf32, #tpu.memory_space<vmem>>, vector<1x16xf32>,
        %get3A_660 = vector.shape_cast %get3A_659 : vector<1x16xf32> to vector<16xf32>
        %add3A_661 = arith.addf %add3A_619, %get3A_660 : vector<16xf32>
        %get3A_662 = arith.index_cast %scan3A_626 : i32 to index
        %get3A_663 = arith.constant 112 : index
        %get3A_664 = tpu.vector_load %arg15[%get3A_662, %get3A_663] {strides = array<i32>} : memref<88x128xf32, #tpu.memory_space<vmem>>, vector<1x16xf32>,
        %get3A_665 = vector.shape_cast %get3A_664 : vector<1x16xf32> to vector<16xf32>
        %add3A_666 = arith.addf %add3A_624, %get3A_665 : vector<16xf32>
        %scan3A_667 = arith.constant 2 : i32
        %scan3A_668 = arith.addi %scan3A_577, %scan3A_667 : i32
        %get3A_669 = arith.index_cast %scan3A_668 : i32 to index
        %get3A_670 = arith.constant 0 : index
        %get3A_671 = tpu.vector_load %arg15[%get3A_669, %get3A_670] {strides = array<i32>} : memref<88x128xf32, #tpu.memory_space<vmem>>, vector<1x16xf32>,
        %get3A_672 = vector.shape_cast %get3A_671 : vector<1x16xf32> to vector<16xf32>
        %add3A_673 = arith.addf %add3A_631, %get3A_672 : vector<16xf32>
        %get3A_674 = arith.index_cast %scan3A_668 : i32 to index
        %get3A_675 = arith.constant 16 : index
        %get3A_676 = tpu.vector_load %arg15[%get3A_674, %get3A_675] {strides = array<i32>} : memref<88x128xf32, #tpu.memory_space<vmem>>, vector<1x16xf32>,
        %get3A_677 = vector.shape_cast %get3A_676 : vector<1x16xf32> to vector<16xf32>
        %add3A_678 = arith.addf %add3A_636, %get3A_677 : vector<16xf32>
        %get3A_679 = arith.index_cast %scan3A_668 : i32 to index
        %get3A_680 = arith.constant 32 : index
        %get3A_681 = tpu.vector_load %arg15[%get3A_679, %get3A_680] {strides = array<i32>} : memref<88x128xf32, #tpu.memory_space<vmem>>, vector<1x16xf32>,
        %get3A_682 = vector.shape_cast %get3A_681 : vector<1x16xf32> to vector<16xf32>
        %add3A_683 = arith.addf %add3A_641, %get3A_682 : vector<16xf32>
        %get3A_684 = arith.index_cast %scan3A_668 : i32 to index
        %get3A_685 = arith.constant 48 : index
        %get3A_686 = tpu.vector_load %arg15[%get3A_684, %get3A_685] {strides = array<i32>} : memref<88x128xf32, #tpu.memory_space<vmem>>, vector<1x16xf32>,
        %get3A_687 = vector.shape_cast %get3A_686 : vector<1x16xf32> to vector<16xf32>
        %add3A_688 = arith.addf %add3A_646, %get3A_687 : vector<16xf32>
        %get3A_689 = arith.index_cast %scan3A_668 : i32 to index
        %get3A_690 = arith.constant 64 : index
        %get3A_691 = tpu.vector_load %arg15[%get3A_689, %get3A_690] {strides = array<i32>} : memref<88x128xf32, #tpu.memory_space<vmem>>, vector<1x16xf32>,
        %get3A_692 = vector.shape_cast %get3A_691 : vector<1x16xf32> to vector<16xf32>
        %add3A_693 = arith.addf %add3A_651, %get3A_692 : vector<16xf32>
        %get3A_694 = arith.index_cast %scan3A_668 : i32 to index
        %get3A_695 = arith.constant 80 : index
        %get3A_696 = tpu.vector_load %arg15[%get3A_694, %get3A_695] {strides = array<i32>} : memref<88x128xf32, #tpu.memory_space<vmem>>, vector<1x16xf32>,
        %get3A_697 = vector.shape_cast %get3A_696 : vector<1x16xf32> to vector<16xf32>
        %add3A_698 = arith.addf %add3A_656, %get3A_697 : vector<16xf32>
        %get3A_699 = arith.index_cast %scan3A_668 : i32 to index
        %get3A_700 = arith.constant 96 : index
        %get3A_701 = tpu.vector_load %arg15[%get3A_699, %get3A_700] {strides = array<i32>} : memref<88x128xf32, #tpu.memory_space<vmem>>, vector<1x16xf32>,
        %get3A_702 = vector.shape_cast %get3A_701 : vector<1x16xf32> to vector<16xf32>
        %add3A_703 = arith.addf %add3A_661, %get3A_702 : vector<16xf32>
        %get3A_704 = arith.index_cast %scan3A_668 : i32 to index
        %get3A_705 = arith.constant 112 : index
        %get3A_706 = tpu.vector_load %arg15[%get3A_704, %get3A_705] {strides = array<i32>} : memref<88x128xf32, #tpu.memory_space<vmem>>, vector<1x16xf32>,
        %get3A_707 = vector.shape_cast %get3A_706 : vector<1x16xf32> to vector<16xf32>
        %add3A_708 = arith.addf %add3A_666, %get3A_707 : vector<16xf32>
        %scan3A_709 = arith.constant 3 : i32
        %scan3A_710 = arith.addi %scan3A_577, %scan3A_709 : i32
        %get3A_711 = arith.index_cast %scan3A_710 : i32 to index
        %get3A_712 = arith.constant 0 : index
        %get3A_713 = tpu.vector_load %arg15[%get3A_711, %get3A_712] {strides = array<i32>} : memref<88x128xf32, #tpu.memory_space<vmem>>, vector<1x16xf32>,
        %get3A_714 = vector.shape_cast %get3A_713 : vector<1x16xf32> to vector<16xf32>
        %add3A_715 = arith.addf %add3A_673, %get3A_714 : vector<16xf32>
        %get3A_716 = arith.index_cast %scan3A_710 : i32 to index
        %get3A_717 = arith.constant 16 : index
        %get3A_718 = tpu.vector_load %arg15[%get3A_716, %get3A_717] {strides = array<i32>} : memref<88x128xf32, #tpu.memory_space<vmem>>, vector<1x16xf32>,
        %get3A_719 = vector.shape_cast %get3A_718 : vector<1x16xf32> to vector<16xf32>
        %add3A_720 = arith.addf %add3A_678, %get3A_719 : vector<16xf32>
        %get3A_721 = arith.index_cast %scan3A_710 : i32 to index
        %get3A_722 = arith.constant 32 : index
        %get3A_723 = tpu.vector_load %arg15[%get3A_721, %get3A_722] {strides = array<i32>} : memref<88x128xf32, #tpu.memory_space<vmem>>, vector<1x16xf32>,
        %get3A_724 = vector.shape_cast %get3A_723 : vector<1x16xf32> to vector<16xf32>
        %add3A_725 = arith.addf %add3A_683, %get3A_724 : vector<16xf32>
        %get3A_726 = arith.index_cast %scan3A_710 : i32 to index
        %get3A_727 = arith.constant 48 : index
        %get3A_728 = tpu.vector_load %arg15[%get3A_726, %get3A_727] {strides = array<i32>} : memref<88x128xf32, #tpu.memory_space<vmem>>, vector<1x16xf32>,
        %get3A_729 = vector.shape_cast %get3A_728 : vector<1x16xf32> to vector<16xf32>
        %add3A_730 = arith.addf %add3A_688, %get3A_729 : vector<16xf32>
        %get3A_731 = arith.index_cast %scan3A_710 : i32 to index
        %get3A_732 = arith.constant 64 : index
        %get3A_733 = tpu.vector_load %arg15[%get3A_731, %get3A_732] {strides = array<i32>} : memref<88x128xf32, #tpu.memory_space<vmem>>, vector<1x16xf32>,
        %get3A_734 = vector.shape_cast %get3A_733 : vector<1x16xf32> to vector<16xf32>
        %add3A_735 = arith.addf %add3A_693, %get3A_734 : vector<16xf32>
        %get3A_736 = arith.index_cast %scan3A_710 : i32 to index
        %get3A_737 = arith.constant 80 : index
        %get3A_738 = tpu.vector_load %arg15[%get3A_736, %get3A_737] {strides = array<i32>} : memref<88x128xf32, #tpu.memory_space<vmem>>, vector<1x16xf32>,
        %get3A_739 = vector.shape_cast %get3A_738 : vector<1x16xf32> to vector<16xf32>
        %add3A_740 = arith.addf %add3A_698, %get3A_739 : vector<16xf32>
        %get3A_741 = arith.index_cast %scan3A_710 : i32 to index
        %get3A_742 = arith.constant 96 : index
        %get3A_743 = tpu.vector_load %arg15[%get3A_741, %get3A_742] {strides = array<i32>} : memref<88x128xf32, #tpu.memory_space<vmem>>, vector<1x16xf32>,
        %get3A_744 = vector.shape_cast %get3A_743 : vector<1x16xf32> to vector<16xf32>
        %add3A_745 = arith.addf %add3A_703, %get3A_744 : vector<16xf32>
        %get3A_746 = arith.index_cast %scan3A_710 : i32 to index
        %get3A_747 = arith.constant 112 : index
        %get3A_748 = tpu.vector_load %arg15[%get3A_746, %get3A_747] {strides = array<i32>} : memref<88x128xf32, #tpu.memory_space<vmem>>, vector<1x16xf32>,
        %get3A_749 = vector.shape_cast %get3A_748 : vector<1x16xf32> to vector<16xf32>
        %add3A_750 = arith.addf %add3A_708, %get3A_749 : vector<16xf32>
        scf.yield %add3A_715, %add3A_720, %add3A_725, %add3A_730, %add3A_735, %add3A_740, %add3A_745, %add3A_750 : vector<16xf32>, vector<16xf32>, vector<16xf32>, vector<16xf32>, vector<16xf32>, vector<16xf32>, vector<16xf32>, vector<16xf32>
      }
      %scan3A_480 = arith.constant 88 : i32
      %swap3A_481 = arith.constant 256 : index
      %swap3A_482 = tpu.vector_load %arg18[%swap3A_481] {strides = array<i32>} : memref<512xf32, #tpu.memory_space<vmem>>, vector<16xf32>,
      %swap3A_483 = vector.shape_cast %swap3A_482 : vector<16xf32> to vector<16xf32>
      %swap3A_484 = vector.shape_cast %scan3A_479#0 : vector<16xf32> to vector<16xf32>
      tpu.vector_store %arg18[%swap3A_481], %swap3A_484 {strides = array<i32>} : memref<512xf32, #tpu.memory_space<vmem>>, vector<16xf32>,
      %swap3A_485 = arith.constant 272 : index
      %swap3A_486 = tpu.vector_load %arg18[%swap3A_485] {strides = array<i32>} : memref<512xf32, #tpu.memory_space<vmem>>, vector<16xf32>,
      %swap3A_487 = vector.shape_cast %swap3A_486 : vector<16xf32> to vector<16xf32>
      %swap3A_488 = vector.shape_cast %scan3A_479#1 : vector<16xf32> to vector<16xf32>
      tpu.vector_store %arg18[%swap3A_485], %swap3A_488 {strides = array<i32>} : memref<512xf32, #tpu.memory_space<vmem>>, vector<16xf32>,
      %swap3A_489 = arith.constant 288 : index
      %swap3A_490 = tpu.vector_load %arg18[%swap3A_489] {strides = array<i32>} : memref<512xf32, #tpu.memory_space<vmem>>, vector<16xf32>,
      %swap3A_491 = vector.shape_cast %swap3A_490 : vector<16xf32> to vector<16xf32>
      %swap3A_492 = vector.shape_cast %scan3A_479#2 : vector<16xf32> to vector<16xf32>
      tpu.vector_store %arg18[%swap3A_489], %swap3A_492 {strides = array<i32>} : memref<512xf32, #tpu.memory_space<vmem>>, vector<16xf32>,
      %swap3A_493 = arith.constant 304 : index
      %swap3A_494 = tpu.vector_load %arg18[%swap3A_493] {strides = array<i32>} : memref<512xf32, #tpu.memory_space<vmem>>, vector<16xf32>,
      %swap3A_495 = vector.shape_cast %swap3A_494 : vector<16xf32> to vector<16xf32>
      %swap3A_496 = vector.shape_cast %scan3A_479#3 : vector<16xf32> to vector<16xf32>
      tpu.vector_store %arg18[%swap3A_493], %swap3A_496 {strides = array<i32>} : memref<512xf32, #tpu.memory_space<vmem>>, vector<16xf32>,
      %swap3A_497 = arith.constant 320 : index
      %swap3A_498 = tpu.vector_load %arg18[%swap3A_497] {strides = array<i32>} : memref<512xf32, #tpu.memory_space<vmem>>, vector<16xf32>,
      %swap3A_499 = vector.shape_cast %swap3A_498 : vector<16xf32> to vector<16xf32>
      %swap3A_500 = vector.shape_cast %scan3A_479#4 : vector<16xf32> to vector<16xf32>
      tpu.vector_store %arg18[%swap3A_497], %swap3A_500 {strides = array<i32>} : memref<512xf32, #tpu.memory_space<vmem>>, vector<16xf32>,
      %swap3A_501 = arith.constant 336 : index
      %swap3A_502 = tpu.vector_load %arg18[%swap3A_501] {strides = array<i32>} : memref<512xf32, #tpu.memory_space<vmem>>, vector<16xf32>,
      %swap3A_503 = vector.shape_cast %swap3A_502 : vector<16xf32> to vector<16xf32>
      %swap3A_504 = vector.shape_cast %scan3A_479#5 : vector<16xf32> to vector<16xf32>
      tpu.vector_store %arg18[%swap3A_501], %swap3A_504 {strides = array<i32>} : memref<512xf32, #tpu.memory_space<vmem>>, vector<16xf32>,
      %swap3A_505 = arith.constant 352 : index
      %swap3A_506 = tpu.vector_load %arg18[%swap3A_505] {strides = array<i32>} : memref<512xf32, #tpu.memory_space<vmem>>, vector<16xf32>,
      %swap3A_507 = vector.shape_cast %swap3A_506 : vector<16xf32> to vector<16xf32>
      %swap3A_508 = vector.shape_cast %scan3A_479#6 : vector<16xf32> to vector<16xf32>
      tpu.vector_store %arg18[%swap3A_505], %swap3A_508 {strides = array<i32>} : memref<512xf32, #tpu.memory_space<vmem>>, vector<16xf32>,
      %swap3A_509 = arith.constant 368 : index
      %swap3A_510 = tpu.vector_load %arg18[%swap3A_509] {strides = array<i32>} : memref<512xf32, #tpu.memory_space<vmem>>, vector<16xf32>,
      %swap3A_511 = vector.shape_cast %swap3A_510 : vector<16xf32> to vector<16xf32>
      %swap3A_512 = vector.shape_cast %scan3A_479#7 : vector<16xf32> to vector<16xf32>
      tpu.vector_store %arg18[%swap3A_509], %swap3A_512 {strides = array<i32>} : memref<512xf32, #tpu.memory_space<vmem>>, vector<16xf32>,
      %dma_wait3A_513 = arith.constant 0 : i32
      %dma_wait3A_514 = tpu.memref_slice %arg8[%dma_wait3A_513] : memref<11264xi32, #tpu.memory_space<vmem>> -> memref<88xi32, #tpu.memory_space<vmem>>
      %dma_wait3A_515 = arith.constant 0 : i32
      %dma_wait3A_516 = arith.constant 0 : i32
      %dma_wait3A_517 = tpu.memref_slice %arg5[%dma_wait3A_515, %dma_wait3A_516] : memref<100000x128xf32, #tpu.memory_space<hbm>> -> memref<100000x128xf32, #tpu.memory_space<hbm>>
      tpu.wait_indirect_dma semaphore(%arg26 : memref<!tpu.dma_semaphore, #tpu.memory_space<semaphore_mem>>) src(%dma_wait3A_517 : memref<100000x128xf32, #tpu.memory_space<hbm>>) dst(%arg16 : memref<88x128xf32, #tpu.memory_space<vmem>>)
      %broadcast_in_dim3A_518 = arith.constant 0.000000e+00 : f32
      %broadcast_in_dim3A_519 = vector.broadcast %broadcast_in_dim3A_518 : f32 to vector<16xf32>
      %broadcast_in_dim3A_520 = arith.constant 0.000000e+00 : f32
      %broadcast_in_dim3A_521 = vector.broadcast %broadcast_in_dim3A_520 : f32 to vector<16xf32>
      %broadcast_in_dim3A_522 = arith.constant 0.000000e+00 : f32
      %broadcast_in_dim3A_523 = vector.broadcast %broadcast_in_dim3A_522 : f32 to vector<16xf32>
      %broadcast_in_dim3A_524 = arith.constant 0.000000e+00 : f32
      %broadcast_in_dim3A_525 = vector.broadcast %broadcast_in_dim3A_524 : f32 to vector<16xf32>
      %broadcast_in_dim3A_526 = arith.constant 0.000000e+00 : f32
      %broadcast_in_dim3A_527 = vector.broadcast %broadcast_in_dim3A_526 : f32 to vector<16xf32>
      %broadcast_in_dim3A_528 = arith.constant 0.000000e+00 : f32
      %broadcast_in_dim3A_529 = vector.broadcast %broadcast_in_dim3A_528 : f32 to vector<16xf32>
      %broadcast_in_dim3A_530 = arith.constant 0.000000e+00 : f32
      %broadcast_in_dim3A_531 = vector.broadcast %broadcast_in_dim3A_530 : f32 to vector<16xf32>
      %broadcast_in_dim3A_532 = arith.constant 0.000000e+00 : f32
      %broadcast_in_dim3A_533 = vector.broadcast %broadcast_in_dim3A_532 : f32 to vector<16xf32>
      %scan3A_534 = arith.constant 0 : i32
      %scan3A_535 = arith.constant 88 : i32
      %scan3A_536 = arith.addi %scan3A_534, %scan3A_535 : i32
      %scan3A_537 = arith.constant 4 : i32
      %scan3A_538:8 = scf.for %scan3A_577 = %scan3A_534 to %scan3A_536 step %scan3A_537 iter_args(%scan3A_578 = %broadcast_in_dim3A_519, %scan3A_579 = %broadcast_in_dim3A_521, %scan3A_580 = %broadcast_in_dim3A_523, %scan3A_581 = %broadcast_in_dim3A_525, %scan3A_582 = %broadcast_in_dim3A_527, %scan3A_583 = %broadcast_in_dim3A_529, %scan3A_584 = %broadcast_in_dim3A_531, %scan3A_585 = %broadcast_in_dim3A_533) -> (vector<16xf32>, vector<16xf32>, vector<16xf32>, vector<16xf32>, vector<16xf32>, vector<16xf32>, vector<16xf32>, vector<16xf32>)  : i32 {
        %get3A = arith.index_cast %scan3A_577 : i32 to index
        %get3A_586 = arith.constant 0 : index
        %get3A_587 = tpu.vector_load %arg16[%get3A, %get3A_586] {strides = array<i32>} : memref<88x128xf32, #tpu.memory_space<vmem>>, vector<1x16xf32>,
        %get3A_588 = vector.shape_cast %get3A_587 : vector<1x16xf32> to vector<16xf32>
        %add3A_589 = arith.addf %scan3A_578, %get3A_588 : vector<16xf32>
        %get3A_590 = arith.index_cast %scan3A_577 : i32 to index
        %get3A_591 = arith.constant 16 : index
        %get3A_592 = tpu.vector_load %arg16[%get3A_590, %get3A_591] {strides = array<i32>} : memref<88x128xf32, #tpu.memory_space<vmem>>, vector<1x16xf32>,
        %get3A_593 = vector.shape_cast %get3A_592 : vector<1x16xf32> to vector<16xf32>
        %add3A_594 = arith.addf %scan3A_579, %get3A_593 : vector<16xf32>
        %get3A_595 = arith.index_cast %scan3A_577 : i32 to index
        %get3A_596 = arith.constant 32 : index
        %get3A_597 = tpu.vector_load %arg16[%get3A_595, %get3A_596] {strides = array<i32>} : memref<88x128xf32, #tpu.memory_space<vmem>>, vector<1x16xf32>,
        %get3A_598 = vector.shape_cast %get3A_597 : vector<1x16xf32> to vector<16xf32>
        %add3A_599 = arith.addf %scan3A_580, %get3A_598 : vector<16xf32>
        %get3A_600 = arith.index_cast %scan3A_577 : i32 to index
        %get3A_601 = arith.constant 48 : index
        %get3A_602 = tpu.vector_load %arg16[%get3A_600, %get3A_601] {strides = array<i32>} : memref<88x128xf32, #tpu.memory_space<vmem>>, vector<1x16xf32>,
        %get3A_603 = vector.shape_cast %get3A_602 : vector<1x16xf32> to vector<16xf32>
        %add3A_604 = arith.addf %scan3A_581, %get3A_603 : vector<16xf32>
        %get3A_605 = arith.index_cast %scan3A_577 : i32 to index
        %get3A_606 = arith.constant 64 : index
        %get3A_607 = tpu.vector_load %arg16[%get3A_605, %get3A_606] {strides = array<i32>} : memref<88x128xf32, #tpu.memory_space<vmem>>, vector<1x16xf32>,
        %get3A_608 = vector.shape_cast %get3A_607 : vector<1x16xf32> to vector<16xf32>
        %add3A_609 = arith.addf %scan3A_582, %get3A_608 : vector<16xf32>
        %get3A_610 = arith.index_cast %scan3A_577 : i32 to index
        %get3A_611 = arith.constant 80 : index
        %get3A_612 = tpu.vector_load %arg16[%get3A_610, %get3A_611] {strides = array<i32>} : memref<88x128xf32, #tpu.memory_space<vmem>>, vector<1x16xf32>,
        %get3A_613 = vector.shape_cast %get3A_612 : vector<1x16xf32> to vector<16xf32>
        %add3A_614 = arith.addf %scan3A_583, %get3A_613 : vector<16xf32>
        %get3A_615 = arith.index_cast %scan3A_577 : i32 to index
        %get3A_616 = arith.constant 96 : index
        %get3A_617 = tpu.vector_load %arg16[%get3A_615, %get3A_616] {strides = array<i32>} : memref<88x128xf32, #tpu.memory_space<vmem>>, vector<1x16xf32>,
        %get3A_618 = vector.shape_cast %get3A_617 : vector<1x16xf32> to vector<16xf32>
        %add3A_619 = arith.addf %scan3A_584, %get3A_618 : vector<16xf32>
        %get3A_620 = arith.index_cast %scan3A_577 : i32 to index
        %get3A_621 = arith.constant 112 : index
        %get3A_622 = tpu.vector_load %arg16[%get3A_620, %get3A_621] {strides = array<i32>} : memref<88x128xf32, #tpu.memory_space<vmem>>, vector<1x16xf32>,
        %get3A_623 = vector.shape_cast %get3A_622 : vector<1x16xf32> to vector<16xf32>
        %add3A_624 = arith.addf %scan3A_585, %get3A_623 : vector<16xf32>
        %scan3A_625 = arith.constant 1 : i32
        %scan3A_626 = arith.addi %scan3A_577, %scan3A_625 : i32
        %get3A_627 = arith.index_cast %scan3A_626 : i32 to index
        %get3A_628 = arith.constant 0 : index
        %get3A_629 = tpu.vector_load %arg16[%get3A_627, %get3A_628] {strides = array<i32>} : memref<88x128xf32, #tpu.memory_space<vmem>>, vector<1x16xf32>,
        %get3A_630 = vector.shape_cast %get3A_629 : vector<1x16xf32> to vector<16xf32>
        %add3A_631 = arith.addf %add3A_589, %get3A_630 : vector<16xf32>
        %get3A_632 = arith.index_cast %scan3A_626 : i32 to index
        %get3A_633 = arith.constant 16 : index
        %get3A_634 = tpu.vector_load %arg16[%get3A_632, %get3A_633] {strides = array<i32>} : memref<88x128xf32, #tpu.memory_space<vmem>>, vector<1x16xf32>,
        %get3A_635 = vector.shape_cast %get3A_634 : vector<1x16xf32> to vector<16xf32>
        %add3A_636 = arith.addf %add3A_594, %get3A_635 : vector<16xf32>
        %get3A_637 = arith.index_cast %scan3A_626 : i32 to index
        %get3A_638 = arith.constant 32 : index
        %get3A_639 = tpu.vector_load %arg16[%get3A_637, %get3A_638] {strides = array<i32>} : memref<88x128xf32, #tpu.memory_space<vmem>>, vector<1x16xf32>,
        %get3A_640 = vector.shape_cast %get3A_639 : vector<1x16xf32> to vector<16xf32>
        %add3A_641 = arith.addf %add3A_599, %get3A_640 : vector<16xf32>
        %get3A_642 = arith.index_cast %scan3A_626 : i32 to index
        %get3A_643 = arith.constant 48 : index
        %get3A_644 = tpu.vector_load %arg16[%get3A_642, %get3A_643] {strides = array<i32>} : memref<88x128xf32, #tpu.memory_space<vmem>>, vector<1x16xf32>,
        %get3A_645 = vector.shape_cast %get3A_644 : vector<1x16xf32> to vector<16xf32>
        %add3A_646 = arith.addf %add3A_604, %get3A_645 : vector<16xf32>
        %get3A_647 = arith.index_cast %scan3A_626 : i32 to index
        %get3A_648 = arith.constant 64 : index
        %get3A_649 = tpu.vector_load %arg16[%get3A_647, %get3A_648] {strides = array<i32>} : memref<88x128xf32, #tpu.memory_space<vmem>>, vector<1x16xf32>,
        %get3A_650 = vector.shape_cast %get3A_649 : vector<1x16xf32> to vector<16xf32>
        %add3A_651 = arith.addf %add3A_609, %get3A_650 : vector<16xf32>
        %get3A_652 = arith.index_cast %scan3A_626 : i32 to index
        %get3A_653 = arith.constant 80 : index
        %get3A_654 = tpu.vector_load %arg16[%get3A_652, %get3A_653] {strides = array<i32>} : memref<88x128xf32, #tpu.memory_space<vmem>>, vector<1x16xf32>,
        %get3A_655 = vector.shape_cast %get3A_654 : vector<1x16xf32> to vector<16xf32>
        %add3A_656 = arith.addf %add3A_614, %get3A_655 : vector<16xf32>
        %get3A_657 = arith.index_cast %scan3A_626 : i32 to index
        %get3A_658 = arith.constant 96 : index
        %get3A_659 = tpu.vector_load %arg16[%get3A_657, %get3A_658] {strides = array<i32>} : memref<88x128xf32, #tpu.memory_space<vmem>>, vector<1x16xf32>,
        %get3A_660 = vector.shape_cast %get3A_659 : vector<1x16xf32> to vector<16xf32>
        %add3A_661 = arith.addf %add3A_619, %get3A_660 : vector<16xf32>
        %get3A_662 = arith.index_cast %scan3A_626 : i32 to index
        %get3A_663 = arith.constant 112 : index
        %get3A_664 = tpu.vector_load %arg16[%get3A_662, %get3A_663] {strides = array<i32>} : memref<88x128xf32, #tpu.memory_space<vmem>>, vector<1x16xf32>,
        %get3A_665 = vector.shape_cast %get3A_664 : vector<1x16xf32> to vector<16xf32>
        %add3A_666 = arith.addf %add3A_624, %get3A_665 : vector<16xf32>
        %scan3A_667 = arith.constant 2 : i32
        %scan3A_668 = arith.addi %scan3A_577, %scan3A_667 : i32
        %get3A_669 = arith.index_cast %scan3A_668 : i32 to index
        %get3A_670 = arith.constant 0 : index
        %get3A_671 = tpu.vector_load %arg16[%get3A_669, %get3A_670] {strides = array<i32>} : memref<88x128xf32, #tpu.memory_space<vmem>>, vector<1x16xf32>,
        %get3A_672 = vector.shape_cast %get3A_671 : vector<1x16xf32> to vector<16xf32>
        %add3A_673 = arith.addf %add3A_631, %get3A_672 : vector<16xf32>
        %get3A_674 = arith.index_cast %scan3A_668 : i32 to index
        %get3A_675 = arith.constant 16 : index
        %get3A_676 = tpu.vector_load %arg16[%get3A_674, %get3A_675] {strides = array<i32>} : memref<88x128xf32, #tpu.memory_space<vmem>>, vector<1x16xf32>,
        %get3A_677 = vector.shape_cast %get3A_676 : vector<1x16xf32> to vector<16xf32>
        %add3A_678 = arith.addf %add3A_636, %get3A_677 : vector<16xf32>
        %get3A_679 = arith.index_cast %scan3A_668 : i32 to index
        %get3A_680 = arith.constant 32 : index
        %get3A_681 = tpu.vector_load %arg16[%get3A_679, %get3A_680] {strides = array<i32>} : memref<88x128xf32, #tpu.memory_space<vmem>>, vector<1x16xf32>,
        %get3A_682 = vector.shape_cast %get3A_681 : vector<1x16xf32> to vector<16xf32>
        %add3A_683 = arith.addf %add3A_641, %get3A_682 : vector<16xf32>
        %get3A_684 = arith.index_cast %scan3A_668 : i32 to index
        %get3A_685 = arith.constant 48 : index
        %get3A_686 = tpu.vector_load %arg16[%get3A_684, %get3A_685] {strides = array<i32>} : memref<88x128xf32, #tpu.memory_space<vmem>>, vector<1x16xf32>,
        %get3A_687 = vector.shape_cast %get3A_686 : vector<1x16xf32> to vector<16xf32>
        %add3A_688 = arith.addf %add3A_646, %get3A_687 : vector<16xf32>
        %get3A_689 = arith.index_cast %scan3A_668 : i32 to index
        %get3A_690 = arith.constant 64 : index
        %get3A_691 = tpu.vector_load %arg16[%get3A_689, %get3A_690] {strides = array<i32>} : memref<88x128xf32, #tpu.memory_space<vmem>>, vector<1x16xf32>,
        %get3A_692 = vector.shape_cast %get3A_691 : vector<1x16xf32> to vector<16xf32>
        %add3A_693 = arith.addf %add3A_651, %get3A_692 : vector<16xf32>
        %get3A_694 = arith.index_cast %scan3A_668 : i32 to index
        %get3A_695 = arith.constant 80 : index
        %get3A_696 = tpu.vector_load %arg16[%get3A_694, %get3A_695] {strides = array<i32>} : memref<88x128xf32, #tpu.memory_space<vmem>>, vector<1x16xf32>,
        %get3A_697 = vector.shape_cast %get3A_696 : vector<1x16xf32> to vector<16xf32>
        %add3A_698 = arith.addf %add3A_656, %get3A_697 : vector<16xf32>
        %get3A_699 = arith.index_cast %scan3A_668 : i32 to index
        %get3A_700 = arith.constant 96 : index
        %get3A_701 = tpu.vector_load %arg16[%get3A_699, %get3A_700] {strides = array<i32>} : memref<88x128xf32, #tpu.memory_space<vmem>>, vector<1x16xf32>,
        %get3A_702 = vector.shape_cast %get3A_701 : vector<1x16xf32> to vector<16xf32>
        %add3A_703 = arith.addf %add3A_661, %get3A_702 : vector<16xf32>
        %get3A_704 = arith.index_cast %scan3A_668 : i32 to index
        %get3A_705 = arith.constant 112 : index
        %get3A_706 = tpu.vector_load %arg16[%get3A_704, %get3A_705] {strides = array<i32>} : memref<88x128xf32, #tpu.memory_space<vmem>>, vector<1x16xf32>,
        %get3A_707 = vector.shape_cast %get3A_706 : vector<1x16xf32> to vector<16xf32>
        %add3A_708 = arith.addf %add3A_666, %get3A_707 : vector<16xf32>
        %scan3A_709 = arith.constant 3 : i32
        %scan3A_710 = arith.addi %scan3A_577, %scan3A_709 : i32
        %get3A_711 = arith.index_cast %scan3A_710 : i32 to index
        %get3A_712 = arith.constant 0 : index
        %get3A_713 = tpu.vector_load %arg16[%get3A_711, %get3A_712] {strides = array<i32>} : memref<88x128xf32, #tpu.memory_space<vmem>>, vector<1x16xf32>,
        %get3A_714 = vector.shape_cast %get3A_713 : vector<1x16xf32> to vector<16xf32>
        %add3A_715 = arith.addf %add3A_673, %get3A_714 : vector<16xf32>
        %get3A_716 = arith.index_cast %scan3A_710 : i32 to index
        %get3A_717 = arith.constant 16 : index
        %get3A_718 = tpu.vector_load %arg16[%get3A_716, %get3A_717] {strides = array<i32>} : memref<88x128xf32, #tpu.memory_space<vmem>>, vector<1x16xf32>,
        %get3A_719 = vector.shape_cast %get3A_718 : vector<1x16xf32> to vector<16xf32>
        %add3A_720 = arith.addf %add3A_678, %get3A_719 : vector<16xf32>
        %get3A_721 = arith.index_cast %scan3A_710 : i32 to index
        %get3A_722 = arith.constant 32 : index
        %get3A_723 = tpu.vector_load %arg16[%get3A_721, %get3A_722] {strides = array<i32>} : memref<88x128xf32, #tpu.memory_space<vmem>>, vector<1x16xf32>,
        %get3A_724 = vector.shape_cast %get3A_723 : vector<1x16xf32> to vector<16xf32>
        %add3A_725 = arith.addf %add3A_683, %get3A_724 : vector<16xf32>
        %get3A_726 = arith.index_cast %scan3A_710 : i32 to index
        %get3A_727 = arith.constant 48 : index
        %get3A_728 = tpu.vector_load %arg16[%get3A_726, %get3A_727] {strides = array<i32>} : memref<88x128xf32, #tpu.memory_space<vmem>>, vector<1x16xf32>,
        %get3A_729 = vector.shape_cast %get3A_728 : vector<1x16xf32> to vector<16xf32>
        %add3A_730 = arith.addf %add3A_688, %get3A_729 : vector<16xf32>
        %get3A_731 = arith.index_cast %scan3A_710 : i32 to index
        %get3A_732 = arith.constant 64 : index
        %get3A_733 = tpu.vector_load %arg16[%get3A_731, %get3A_732] {strides = array<i32>} : memref<88x128xf32, #tpu.memory_space<vmem>>, vector<1x16xf32>,
        %get3A_734 = vector.shape_cast %get3A_733 : vector<1x16xf32> to vector<16xf32>
        %add3A_735 = arith.addf %add3A_693, %get3A_734 : vector<16xf32>
        %get3A_736 = arith.index_cast %scan3A_710 : i32 to index
        %get3A_737 = arith.constant 80 : index
        %get3A_738 = tpu.vector_load %arg16[%get3A_736, %get3A_737] {strides = array<i32>} : memref<88x128xf32, #tpu.memory_space<vmem>>, vector<1x16xf32>,
        %get3A_739 = vector.shape_cast %get3A_738 : vector<1x16xf32> to vector<16xf32>
        %add3A_740 = arith.addf %add3A_698, %get3A_739 : vector<16xf32>
        %get3A_741 = arith.index_cast %scan3A_710 : i32 to index
        %get3A_742 = arith.constant 96 : index
        %get3A_743 = tpu.vector_load %arg16[%get3A_741, %get3A_742] {strides = array<i32>} : memref<88x128xf32, #tpu.memory_space<vmem>>, vector<1x16xf32>,
        %get3A_744 = vector.shape_cast %get3A_743 : vector<1x16xf32> to vector<16xf32>
        %add3A_745 = arith.addf %add3A_703, %get3A_744 : vector<16xf32>
        %get3A_746 = arith.index_cast %scan3A_710 : i32 to index
        %get3A_747 = arith.constant 112 : index
        %get3A_748 = tpu.vector_load %arg16[%get3A_746, %get3A_747] {strides = array<i32>} : memref<88x128xf32, #tpu.memory_space<vmem>>, vector<1x16xf32>,
        %get3A_749 = vector.shape_cast %get3A_748 : vector<1x16xf32> to vector<16xf32>
        %add3A_750 = arith.addf %add3A_708, %get3A_749 : vector<16xf32>
        scf.yield %add3A_715, %add3A_720, %add3A_725, %add3A_730, %add3A_735, %add3A_740, %add3A_745, %add3A_750 : vector<16xf32>, vector<16xf32>, vector<16xf32>, vector<16xf32>, vector<16xf32>, vector<16xf32>, vector<16xf32>, vector<16xf32>
      }
      %scan3A_539 = arith.constant 88 : i32
      %swap3A_540 = arith.constant 384 : index
      %swap3A_541 = tpu.vector_load %arg18[%swap3A_540] {strides = array<i32>} : memref<512xf32, #tpu.memory_space<vmem>>, vector<16xf32>,
      %swap3A_542 = vector.shape_cast %swap3A_541 : vector<16xf32> to vector<16xf32>
      %swap3A_543 = vector.shape_cast %scan3A_538#0 : vector<16xf32> to vector<16xf32>
      tpu.vector_store %arg18[%swap3A_540], %swap3A_543 {strides = array<i32>} : memref<512xf32, #tpu.memory_space<vmem>>, vector<16xf32>,
      %swap3A_544 = arith.constant 400 : index
      %swap3A_545 = tpu.vector_load %arg18[%swap3A_544] {strides = array<i32>} : memref<512xf32, #tpu.memory_space<vmem>>, vector<16xf32>,
      %swap3A_546 = vector.shape_cast %swap3A_545 : vector<16xf32> to vector<16xf32>
      %swap3A_547 = vector.shape_cast %scan3A_538#1 : vector<16xf32> to vector<16xf32>
      tpu.vector_store %arg18[%swap3A_544], %swap3A_547 {strides = array<i32>} : memref<512xf32, #tpu.memory_space<vmem>>, vector<16xf32>,
      %swap3A_548 = arith.constant 416 : index
      %swap3A_549 = tpu.vector_load %arg18[%swap3A_548] {strides = array<i32>} : memref<512xf32, #tpu.memory_space<vmem>>, vector<16xf32>,
      %swap3A_550 = vector.shape_cast %swap3A_549 : vector<16xf32> to vector<16xf32>
      %swap3A_551 = vector.shape_cast %scan3A_538#2 : vector<16xf32> to vector<16xf32>
      tpu.vector_store %arg18[%swap3A_548], %swap3A_551 {strides = array<i32>} : memref<512xf32, #tpu.memory_space<vmem>>, vector<16xf32>,
      %swap3A_552 = arith.constant 432 : index
      %swap3A_553 = tpu.vector_load %arg18[%swap3A_552] {strides = array<i32>} : memref<512xf32, #tpu.memory_space<vmem>>, vector<16xf32>,
      %swap3A_554 = vector.shape_cast %swap3A_553 : vector<16xf32> to vector<16xf32>
      %swap3A_555 = vector.shape_cast %scan3A_538#3 : vector<16xf32> to vector<16xf32>
      tpu.vector_store %arg18[%swap3A_552], %swap3A_555 {strides = array<i32>} : memref<512xf32, #tpu.memory_space<vmem>>, vector<16xf32>,
      %swap3A_556 = arith.constant 448 : index
      %swap3A_557 = tpu.vector_load %arg18[%swap3A_556] {strides = array<i32>} : memref<512xf32, #tpu.memory_space<vmem>>, vector<16xf32>,
      %swap3A_558 = vector.shape_cast %swap3A_557 : vector<16xf32> to vector<16xf32>
      %swap3A_559 = vector.shape_cast %scan3A_538#4 : vector<16xf32> to vector<16xf32>
      tpu.vector_store %arg18[%swap3A_556], %swap3A_559 {strides = array<i32>} : memref<512xf32, #tpu.memory_space<vmem>>, vector<16xf32>,
      %swap3A_560 = arith.constant 464 : index
      %swap3A_561 = tpu.vector_load %arg18[%swap3A_560] {strides = array<i32>} : memref<512xf32, #tpu.memory_space<vmem>>, vector<16xf32>,
      %swap3A_562 = vector.shape_cast %swap3A_561 : vector<16xf32> to vector<16xf32>
      %swap3A_563 = vector.shape_cast %scan3A_538#5 : vector<16xf32> to vector<16xf32>
      tpu.vector_store %arg18[%swap3A_560], %swap3A_563 {strides = array<i32>} : memref<512xf32, #tpu.memory_space<vmem>>, vector<16xf32>,
      %swap3A_564 = arith.constant 480 : index
      %swap3A_565 = tpu.vector_load %arg18[%swap3A_564] {strides = array<i32>} : memref<512xf32, #tpu.memory_space<vmem>>, vector<16xf32>,
      %swap3A_566 = vector.shape_cast %swap3A_565 : vector<16xf32> to vector<16xf32>
      %swap3A_567 = vector.shape_cast %scan3A_538#6 : vector<16xf32> to vector<16xf32>
      tpu.vector_store %arg18[%swap3A_564], %swap3A_567 {strides = array<i32>} : memref<512xf32, #tpu.memory_space<vmem>>, vector<16xf32>,
      %swap3A_568 = arith.constant 496 : index
      %swap3A_569 = tpu.vector_load %arg18[%swap3A_568] {strides = array<i32>} : memref<512xf32, #tpu.memory_space<vmem>>, vector<16xf32>,
      %swap3A_570 = vector.shape_cast %swap3A_569 : vector<16xf32> to vector<16xf32>
      %swap3A_571 = vector.shape_cast %scan3A_538#7 : vector<16xf32> to vector<16xf32>
      tpu.vector_store %arg18[%swap3A_568], %swap3A_571 {strides = array<i32>} : memref<512xf32, #tpu.memory_space<vmem>>, vector<16xf32>,
      %mul3A_572 = arith.constant 4 : i32
      %mul3A_573 = arith.muli %add3A_335, %mul3A_572 : i32
      %add3A_574 = arith.addi %mul3A_2, %mul3A_573 : i32
      %mul3A_575 = arith.constant 128 : i32
      %mul3A_576 = arith.muli %add3A_574, %mul3A_575 : i32
      "tpu.region"() ({
        %run_scoped3A = tpu.sem_alloc : memref<!tpu.dma_semaphore, #tpu.memory_space<semaphore_mem>>
        %dma_start3A_577 = tpu.memref_slice %arg6[%mul3A_576] : memref<524288xf32, #tpu.memory_space<hbm>> -> memref<512xf32, #tpu.memory_space<hbm>>
        %dma_start3A_578 = tpu.memref_slice %arg6[%mul3A_576] : memref<524288xf32, #tpu.memory_space<hbm>> -> memref<512xf32, #tpu.memory_space<hbm>>
        tpu.enqueue_dma source(%arg18 : memref<512xf32, #tpu.memory_space<vmem>>) target(%dma_start3A_578 : memref<512xf32, #tpu.memory_space<hbm>>) target_semaphore(%run_scoped3A : memref<!tpu.dma_semaphore, #tpu.memory_space<semaphore_mem>>)
        %dma_wait3A_579 = tpu.memref_slice %arg6[%mul3A_576] : memref<524288xf32, #tpu.memory_space<hbm>> -> memref<512xf32, #tpu.memory_space<hbm>>
        %dma_wait3A_580 = tpu.memref_slice %arg6[%mul3A_576] : memref<524288xf32, #tpu.memory_space<hbm>> -> memref<512xf32, #tpu.memory_space<hbm>>
        tpu.wait_dma2 semaphore(%run_scoped3A : memref<!tpu.dma_semaphore, #tpu.memory_space<semaphore_mem>>) src(%arg18 : memref<512xf32, #tpu.memory_space<vmem>>) dst(%dma_wait3A_580 : memref<512xf32, #tpu.memory_space<hbm>>)
        tpu.yield
      }) : () -> ()
    }
    %scan3A_39 = arith.constant 16 : i32
    "tpu.trace_stop"() : () -> ()
    return
  }
}

module attributes {stable_mosaic.version = 14 : i64} {
  func.func @body(%arg0: i32, %arg1: memref<4096x128xf32, #tpu.memory_space<vmem>>, %arg2: memref<8x128xf32, #tpu.memory_space<vmem>>, %arg3: memref<4096x1xf32, #tpu.memory_space<vmem>>, %arg4: memref<4096x1xf32, #tpu.memory_space<vmem>>, %arg5: memref<128x128xf32, #tpu.memory_space<vmem>>, %arg6: memref<1x128xf32, #tpu.memory_space<vmem>>, %arg7: memref<4096x128xf32, #tpu.memory_space<vmem>>) attributes {dimension_semantics = [#tpu.dimension_semantics<arbitrary>], iteration_bounds = array<i64: 1>, scalar_prefetch = 0 : i64, scratch_operands = 0 : i64, tpu.core_type = #tpu.core_type<tc>, window_params = [{pipeline_mode = #tpu.pipeline_mode<synchronous>, transform_indices = @transform_0, window_bounds = array<i64: 4096, 128>}, {transform_indices = @transform_1, window_bounds = array<i64: 8, 128>}, {pipeline_mode = #tpu.pipeline_mode<synchronous>, transform_indices = @transform_2, window_bounds = array<i64: 4096, 1>}, {pipeline_mode = #tpu.pipeline_mode<synchronous>, transform_indices = @transform_3, window_bounds = array<i64: 4096, 1>}, {pipeline_mode = #tpu.pipeline_mode<synchronous>, transform_indices = @transform_4, window_bounds = array<i64: 128, 128>}, {pipeline_mode = #tpu.pipeline_mode<synchronous>, transform_indices = @transform_5, window_bounds = array<i64: 1, 128>}, {pipeline_mode = #tpu.pipeline_mode<synchronous>, transform_indices = @transform_6, window_bounds = array<i64: 4096, 128>}]} {
    %get3A = arith.constant 0 : index
    %get3A_0 = arith.constant 0 : index
    %get3A_1 = vector.load %arg1[%get3A, %get3A_0] : memref<4096x128xf32, #tpu.memory_space<vmem>>, vector<4096x128xf32>
    %get3A_2 = arith.constant 0 : index
    %get3A_3 = arith.constant 0 : index
    %get3A_4 = vector.load %arg3[%get3A_2, %get3A_3] : memref<4096x1xf32, #tpu.memory_space<vmem>>, vector<4096x1xf32>
    %get3A_5 = arith.constant 0 : index
    %get3A_6 = arith.constant 0 : index
    %get3A_7 = vector.load %arg2[%get3A_5, %get3A_6] : memref<8x128xf32, #tpu.memory_space<vmem>>, vector<1x128xf32>
    %mul3A = vector.broadcast %get3A_4 : vector<4096x1xf32> to vector<4096x128xf32>
    %mul3A_8 = vector.broadcast %get3A_7 : vector<1x128xf32> to vector<4096x128xf32>
    %mul3A_9 = arith.mulf %mul3A, %mul3A_8 : vector<4096x128xf32>
    %sub3A = arith.subf %get3A_1, %mul3A_9 : vector<4096x128xf32>
    %get3A_10 = arith.constant 0 : index
    %get3A_11 = arith.constant 0 : index
    %get3A_12 = vector.load %arg4[%get3A_10, %get3A_11] : memref<4096x1xf32, #tpu.memory_space<vmem>>, vector<4096x1xf32>
    %mul3A_13 = vector.broadcast %get3A_12 : vector<4096x1xf32> to vector<4096x128xf32>
    %mul3A_14 = arith.mulf %sub3A, %mul3A_13 : vector<4096x128xf32>
    %get3A_15 = arith.constant 0 : index
    %get3A_16 = arith.constant 0 : index
    %get3A_17 = vector.load %arg5[%get3A_15, %get3A_16] : memref<128x128xf32, #tpu.memory_space<vmem>>, vector<128x128xf32>
    %dot_general3A = arith.constant dense<0.000000e+00> : vector<4096x128xf32>
    %dot_general3A_18 = tpu.matmul %mul3A_14, %get3A_17, %dot_general3A {dimension_numbers = #tpu.dot_dimension_numbers<[1], [1], [0], [0], [0, 0, 1, 0], [], []>, precision = #tpu.contract_precision<fp32>, transpose_lhs_hint = false} : vector<4096x128xf32>, vector<128x128xf32>, vector<4096x128xf32> -> vector<4096x128xf32>
    %get3A_19 = arith.constant 0 : index
    %get3A_20 = arith.constant 0 : index
    %get3A_21 = vector.load %arg6[%get3A_19, %get3A_20] : memref<1x128xf32, #tpu.memory_space<vmem>>, vector<1x128xf32>
    %add3A = vector.broadcast %get3A_21 : vector<1x128xf32> to vector<4096x128xf32>
    %add3A_22 = arith.addf %dot_general3A_18, %add3A : vector<4096x128xf32>
    %swap3A = arith.constant 0 : index
    %swap3A_23 = arith.constant 0 : index
    %swap3A_24 = vector.load %arg7[%swap3A, %swap3A_23] : memref<4096x128xf32, #tpu.memory_space<vmem>>, vector<4096x128xf32>
    tpu.vector_store %arg7[%swap3A, %swap3A_23], %add3A_22 {strides = array<i32>} : memref<4096x128xf32, #tpu.memory_space<vmem>>, vector<4096x128xf32>,
    return
  }
  func.func @transform_0(%arg0: i32) -> (i32, i32) {
    %c0_i32 = arith.constant 0 : i32
    %c0_i32_0 = arith.constant 0 : i32
    %c0_i32_1 = arith.constant 0 : i32
    return %c0_i32, %c0_i32_0 : i32, i32
  }
  func.func @transform_1(%arg0: i32) -> (i32, i32) {
    %c0_i32 = arith.constant 0 : i32
    %c0_i32_0 = arith.constant 0 : i32
    %c0_i32_1 = arith.constant 0 : i32
    return %c0_i32, %c0_i32_0 : i32, i32
  }
  func.func @transform_2(%arg0: i32) -> (i32, i32) {
    %c0_i32 = arith.constant 0 : i32
    %c0_i32_0 = arith.constant 0 : i32
    %c0_i32_1 = arith.constant 0 : i32
    return %c0_i32, %c0_i32_0 : i32, i32
  }
  func.func @transform_3(%arg0: i32) -> (i32, i32) {
    %c0_i32 = arith.constant 0 : i32
    %c0_i32_0 = arith.constant 0 : i32
    %c0_i32_1 = arith.constant 0 : i32
    return %c0_i32, %c0_i32_0 : i32, i32
  }
  func.func @transform_4(%arg0: i32) -> (i32, i32) {
    %c0_i32 = arith.constant 0 : i32
    %c0_i32_0 = arith.constant 0 : i32
    %c0_i32_1 = arith.constant 0 : i32
    return %c0_i32, %c0_i32_0 : i32, i32
  }
  func.func @transform_5(%arg0: i32) -> (i32, i32) {
    %c0_i32 = arith.constant 0 : i32
    %c0_i32_0 = arith.constant 0 : i32
    %c0_i32_1 = arith.constant 0 : i32
    return %c0_i32, %c0_i32_0 : i32, i32
  }
  func.func @transform_6(%arg0: i32) -> (i32, i32) {
    %c0_i32 = arith.constant 0 : i32
    %c0_i32_0 = arith.constant 0 : i32
    %c0_i32_1 = arith.constant 0 : i32
    return %c0_i32, %c0_i32_0 : i32, i32
  }
}

</mosaic_0001>

<sc_bundles>
// kernel: kernel.4.cloned.1.call-start
scs
__scs_entry_jumppad:
0x0: {  	(pc) =	sbr.rel $0x88, $3  }
0x1: {  	(tag) =	ssettag $0x0;
	lr =	simm.s32 $0x1  }
0x2: {  	[smem:$0x3F9D] =	sst lr;
	_ =	strace $0xD0000000  }
0x3: {  	_ = 	snop  }
0x4: {  	_ = 	snop  }
0x5: {  	_ = 	snop  }
0x6: {  	_ = 	snop  }
0x7: {  	_ = 	snop  }
__scs_overlays_trampoline_lowered:
0x8: {  	[smem:$0x3FAC] =	sst s0  }
0x9: {  	[smem:$0x3FAD] =	sst s1  }
0xa: {  	[smem:$0x3FAE] =	sst s2  }
0xb: {  	[smem:$0x3FAF] =	sst s3  }
0xc: {  	[smem:$0x3FB0] =	sst s4  }
0xd: {  	[smem:$0x3FB1] =	sst s5  }
0xe: {  	[smem:$0x3FB2] =	sst s6  }
0xf: {  	[smem:$0x3FB3] =	sst s7  }
0x10: {  	[smem:$0x3FB4] =	sst s8  }
0x11: {  	[smem:$0x3FB5] =	sst s9;
	s0 =	simm.s32 @!p0 $0x0  }
0x12: {  	s1 =	sld [smem:$0x3F9B];
	s0 =	simm.s32 @p0 $0x1  }
0x13: {  	[smem:$0x3FB6] =	sst s0;
	s0 =	simm.s32 @!p1 $0x0  }
0x14: {  	s2 =	sld [smem:$0x3F9A];
	s0 =	simm.s32 @p1 $0x1  }
0x15: {  	[smem:$0x3FB7] =	sst s0;
	s0 =	simm.s32 @!p2 $0x0  }
0x16: {  	s3 =	sld [smem:$0x3FDB];
	s0 =	simm.s32 @p2 $0x1  }
0x17: {  	s4 =	simm.s32 $0x1BF5;
	[smem:$0x3FB9] =	sst s0  }
0x18: {  	s0 =	sld [smem:$0x3F9C];
	_ =	swait.ge [sflag:s4], $0x0  }
0x19: {  	s7 =	sld [smem:$0x3F9D]  }
0x1a: {  	s8 =	sadd.s32 $0xFFFFE003, lr  }
0x1b: {  	s9 =	sadd.s32 $0xFFFFFEF7, lr;
	s5 =	simm.s32 $0xFFFFFFFF;
	p2 =	slt.u32 s8, $0xFFFFF086  }
0x1c: {  	p1 =	slt.u32 s9, $0xF7A;
	s5 =	simm.s32 @!p2 $0x0  }
0x1d: {  	s5 =	simm.s32 @p1 $0x1;
	p0 =	seq.s32 s7, s2  }
0x1e: {  	s7 =	smul.u32 @!p0 $0xF7A, s2;
	p2 =	seq.s32 @!p0 s5, $0x0  }
0x1f: {  	s9 =	smul.u32 $0xF7A, s1;
	s8 =	simm.s32 @!p0 $0x1BF5;
	p2 =	por !p2, p0  }
0x20: {  	[sflag:s8] =	ssyncset.s32 @!p0 $0xFFFFF086;
	s6 =	sadd.s32 @!p0 s3, s7;
	s7 =	simm.s32 @!p0 $0x108  }
0x21: {  	s3 =	sadd.s32 s3, s9;
	s6 =	sadd.s32 @!p0 $0x88, s6;
	s7 =	simm.s32 @p2 $0x1082  }
0x22: {  	[simem:s7], [sflag:s8] =	dma.local @!p0 [hbm:s6], $0xF7A  }
0x23: {  	s9 =	sor.u32 $0xD0000000, s2;
	s6 =	simm.s32 $0x108;
	_ =	swait.ge @!p0 [sflag:s8], $0x0  }
0x24: {  	s3 =	sadd.s32 $0x88, s3;
	s6 =	simm.s32 @!p1 $0x1082;
	[sflag:s4] =	ssyncset.s32 $0xFFFFF086  }
0x25: {  	[simem:s6], [sflag:s4] =	dma.local [hbm:s3], $0xF7A  }
0x26: {  	[smem:$0x3F9D] =	sst s1;
	(tag) =	ssettag s2;
	_ =	strace s9  }
0x27: {  	s1 =	sld [smem:$0x3FAD]  }
0x28: {  	s2 =	sld [smem:$0x3FAE]  }
0x29: {  	s4 =	sld [smem:$0x3FB0]  }
0x2a: {  	p0 =	seq.s32 s5, $0x0;
	s5 =	sld [smem:$0x3FB1]  }
0x2b: {  	s6 =	sld [smem:$0x3FB2]  }
0x2c: {  	s7 =	sld [smem:$0x3FB3]  }
0x2d: {  	s3 =	simm.s32 $0x108;
	s8 =	sld [smem:$0x3FB4]  }
0x2e: {  	s3 =	simm.s32 @!p0 $0x1082;
	s9 =	sld [smem:$0x3FB5]  }
0x2f: {  	lr =	sadd.s32 s0, s3;
	s0 =	sld [smem:$0x3FAC]  }
0x30: {  	s3 =	sld [smem:$0x3FAF]  }
0x31: {  	[smem:$0x3FB8] =	sst s10  }
0x32: {  	s10 =	sld [smem:$0x3FB6];
	_ =	sdelay $0x3  }
0x33: {  	p0 =	seq.s32 s10, $0x1;
	s10 =	sld [smem:$0x3FB8];
	_ =	sdelay $0x3  }
0x34: {  	[smem:$0x3FB8] =	sst s10  }
0x35: {  	s10 =	sld [smem:$0x3FB7];
	_ =	sdelay $0x3  }
0x36: {  	p1 =	seq.s32 s10, $0x1;
	s10 =	sld [smem:$0x3FB8];
	_ =	sdelay $0x3  }
0x37: {  	[smem:$0x3FB8] =	sst s10  }
0x38: {  	s10 =	sld [smem:$0x3FB9]  }
0x39: {  	_ = 	snop;
	(pc) =	sbr.ind lr, $3  }
0x3a: {  	_ = 	snop  }
0x3b: {  	_ = 	snop  }
0x3c: {  	p2 =	seq.s32 s10, $0x1;
	s10 =	sld [smem:$0x3FB8]  }
0x3d: {  	_ =	shalt  }
0x3e: {  	_ =	shalt  }
0x3f: {  	_ =	shalt  }
0x40: {  	_ =	shalt  }
0x41: {  	_ =	shalt  }
0x42: {  	_ =	shalt  }
0x43: {  	_ =	shalt  }
0x44: {  	_ =	shalt  }
0x45: {  	_ =	shalt  }
0x46: {  	_ =	shalt  }
0x47: {  	_ =	shalt  }
0x48: {  	_ =	shalt  }
0x49: {  	_ =	shalt  }
0x4a: {  	_ =	shalt  }
0x4b: {  	_ =	shalt  }
0x4c: {  	_ =	shalt  }
0x4d: {  	_ =	shalt  }
0x4e: {  	_ =	shalt  }
0x4f: {  	_ =	shalt  }
0x50: {  	_ =	shalt  }
0x51: {  	_ =	shalt  }
0x52: {  	_ =	shalt  }
0x53: {  	_ =	shalt  }
0x54: {  	_ =	shalt  }
0x55: {  	_ =	shalt  }
0x56: {  	_ =	shalt  }
0x57: {  	_ =	shalt  }
0x58: {  	_ =	shalt  }
0x59: {  	_ =	shalt  }
0x5a: {  	_ =	shalt  }
0x5b: {  	_ =	shalt  }
0x5c: {  	_ =	shalt  }
0x5d: {  	_ =	shalt  }
0x5e: {  	_ =	shalt  }
0x5f: {  	_ =	shalt  }
0x60: {  	_ =	shalt  }
0x61: {  	_ =	shalt  }
0x62: {  	_ =	shalt  }
0x63: {  	_ =	shalt  }
0x64: {  	_ =	shalt  }
0x65: {  	_ =	shalt  }
0x66: {  	_ =	shalt  }
0x67: {  	_ =	shalt  }
0x68: {  	_ =	shalt  }
0x69: {  	_ =	shalt  }
0x6a: {  	_ =	shalt  }
0x6b: {  	_ =	shalt  }
0x6c: {  	_ =	shalt  }
0x6d: {  	_ =	shalt  }
0x6e: {  	_ =	shalt  }
0x6f: {  	_ =	shalt  }
0x70: {  	_ =	shalt  }
0x71: {  	_ =	shalt  }
0x72: {  	_ =	shalt  }
0x73: {  	_ =	shalt  }
0x74: {  	_ =	shalt  }
0x75: {  	_ =	shalt  }
0x76: {  	_ =	shalt  }
0x77: {  	_ =	shalt  }
0x78: {  	_ =	shalt  }
0x79: {  	_ =	shalt  }
0x7a: {  	_ =	shalt  }
0x7b: {  	_ =	shalt  }
0x7c: {  	_ =	shalt  }
0x7d: {  	_ =	shalt  }
0x7e: {  	_ =	shalt  }
0x7f: {  	_ =	shalt  }
0x80: {  	_ =	shalt  }
0x81: {  	_ =	shalt  }
0x82: {  	_ =	shalt  }
0x83: {  	_ =	shalt  }
0x84: {  	_ =	shalt  }
0x85: {  	_ =	shalt  }
0x86: {  	_ =	shalt  }
0x87: {  	_ =	shalt  }
.Lfunc_end0:
.L_simem_size_0:
called_computation_lowered:
.L_overlay_start_0:
0x88: {  	s2 =	sld [smem:$0x3FD9]  }
0x89: {  	s3 =	sld [smem:$0x3FFE];
	_ =	sdelay $0x1  }
0x8a: {  	s1 =	srdreg.scid  }
0x8b: {  	s0 =	sand.u32 $0x1, s1  }
0x8c: {  	s17 =	sshll.u32 s0, $0xA;
	s2 =	sadd.s32 s3, s2  }
0x8d: {  	s2 =	sadd.s32 s2, s17  }
0x8e: {  	[smem:$0x3FC4] =	sst s2  }
0x8f: {  	_ = 	snop  }
0x90: {  	s2 =	sld [smem:$0x3FC8]  }
0x91: {  	s18 =	sld [smem:$0x3FD0];
	(tm) =	ssettm $0x1  }
0x92: {  	s4 =	sld [smem:$0x3FFB];
	_ =	sdelay $0x3  }
0x93: {  	_ =	strace s4  }
0x94: {  	s4 =	sld [smem:$0x3FFC];
	_ =	sdelay $0x3  }
0x95: {  	_ =	strace s4  }
0x96: {  	s4 =	sld [smem:$0x3FFD];
	_ =	sdelay $0x3  }
0x97: {  	_ =	strace s4  }
0x98: {  	_ =	strace $0x8FFFFFFF  }
0x99: {  	s19 =	sld [smem:$0x3FDB];
	_ =	sdelay $0x1  }
0x9a: {  	s5 =	simm.s32 $_scs_section_size  }
0x9b: {  	s6 =	simm.s32 $_size__tile_overlayer_lowered;
	s7 =	simm.s32 $_tile_overlayer_lowered  }
0x9c: {  	s22 =	simm.s32 $0x1BFF;
	s21 =	sshll.u32 s7, $0x1;
	s4 =	sadd.s32 s5, s19  }
0x9d: {  	s8 =	simm.s32 $0x0;
	s20 =	sshll.u32 s6, $0x1;
	s6 =	sadd.s32 s21, s4  }
0x9e: {  	[timem:s8], [sflag:s22] =	dma.local [hbm:s6], s20  }
0x9f: {  	_ =	swait.ge [sflag:s22], s20  }
0xa0: {  	s5 =	ssub.s32 $0x0, s20;
	[sflag:s22] =	ssyncset.done $0x0  }
0xa1: {  	[sflag:s22] =	ssyncadd.s32 s5;
	_ =	sdelay $0x1  }
0xa2: {  	s23 =	simm.s32 $0x1B8B  }
0xa3: {  	_ =	swait.ge [sflag:s23], $0x1  }
0xa4: {  	[sflag:s23] =	ssyncset.done $0x0  }
0xa5: {  	s25 =	simm.s32 $0x1B8E;
	s24 =	sld [smem:$0x3FFE];
	[sflag:s23] =	ssyncadd.s32 $0xFFFFFFFF  }
0xa6: {  	s26 =	simm.s32 $execute0_lowered;
	[smem:$0x3FD2] =	sst s25  }
0xa7: {  	s6 =	sshll.u32 s26, $0x1;
	_ =	strace $0x80000046;
	[dreg:$0x1] =	wrdreg $0xFFFFFFFF  }
0xa8: {  	s28 =	simm.s32 $_size_execute0_lowered;
	s4 =	sadd.s32 s4, s6;
	[dreg:$0x0] =	wrdreg $0x0  }
0xa9: {  	s6 =	sshll.u32 s28, $0x1;
	[dreg:$0x2] =	wrdreg s4  }
0xaa: {  	[dreg:$0x3] =	wrdreg s6  }
0xab: {  	[dreg:$0x4] =	wrdreg $0xC0  }
0xac: {  	_ =	task [dreg:s8], $0x5FFFF  }
0xad: {  	[dreg:$0x1] =	wrdreg $0xFFFFFFFF  }
0xae: {  	[dreg:$0x0] =	wrdreg $0x60  }
0xaf: {  	[dreg:$0x2] =	wrdreg s24  }
0xb0: {  	[dreg:$0x3] =	wrdreg s2  }
0xb1: {  	[dreg:$0x4] =	wrdreg s18  }
0xb2: {  	[dreg:$0x5] =	wrdreg $0x9  }
0xb3: {  	_ =	task.clear_ibuf [dreg:s8], $0x6FFFF;
	_ =	strace $0x90000046  }
0xb4: {  	s29 =	simm.s32 $0x9;
	_ =	strace $0x8000004D  }
0xb5: {  	_ =	swait.ge [sflag:s29], $0x1  }
0xb6: {  	[sflag:s29] =	ssyncadd.s32 $0xFFFFFFFF  }
0xb7: {  	_ =	strace $0x9000004D  }
0xb8: {  	_ =	sfence  }
0xb9: {  	s30 =	sld [smem:$0x0];
	_ =	sdelay $0x2  }
0xba: {  	s31 =	sshll.u32 s1, $0xD;
	s1 =	sshrl.u32 s1, $0x2  }
0xbb: {  	s3 =	sand.u32 $0x4000, s31;
	s1 =	sadd.s32 s1, s30  }
0xbc: {  	s0 =	sor.u32 s3, s0;
	s1 =	sshll.u32 s1, $0x11  }
0xbd: {  	s0 =	sor.u32 s1, s0  }
0xbe: {  	s0 =	sadd.s32 $0x8F2B, s0  }
0xbf: {  	[sflag:s0] =	ssyncadd.remote.s32 $0x1  }
0xc0: {  	_ =	sfence.sel $0xFFFF  }
0xc1: {  	[dreg:$0x0] =	wrdreg $0xFFFFFFFF;
	(pc) =	sbr.abs _section_cstart, $3  }
0xc2: {  	[dreg:$0x1] =	wrdreg $0xFFFFFFFF  }
0xc3: {  	_ =	task.clear_ibuf [dreg:s8], $0x2FFFF;
	_ =	strace $0x9FFFFFFF  }
0xc4: {  	(tm) =	ssettm $0x7FFFFFFF  }
0xc5: {  	_ =	shalt  }
tec
execute0_lowered:
.L_overlay_start_1:
0x0: {  	(tag) =	ssettag $0x1  }
0x1: {  	s0 =	rddreg [dreg:$0x0]  }
0x2: {  	s2 =	rddreg [dreg:$0x1]  }
0x3: {  	s1 =	srdreg.scid;
	s3 =	stileid.u32  }
0x4: {  	s7 =	rddreg [dreg:$0x2];
	s9 =	simm.s32 $0x9;
	s10 =	simm.s32 $0x2C00  }
0x5: {  	s11 =	simm.s32 $0x1;
	s12 =	simm.s32 $0x58;
	s20 =	simm.s32 $0x10800  }
0x6: {  	s21 =	simm.s32 $0x13400;
	s22 =	simm.s32 $0x16000;
	s23 =	simm.s32 $0x18C00  }
0x7: {  	s24 =	simm.s32 $0x2;
	s25 =	simm.s32 $0x3;
	s28 =	simm.s32 $0x1B800  }
0x8: {  	s29 =	simm.s32 $0x5;
	s30 =	simm.s32 $0x6;
	s31 =	simm.s32 $0x7  }
0x9: {  	s1 =	sand.u32 $0x1, s1;
	s4 =	sshll.u32 s3, $0x1;
	s3 =	simm.s32 $0x0  }
0xa: {  	s13 =	simm.s32 $0x0;
	s5 =	sor.u32 s1, s4;
	[smem:$0x7FF] =	sst s3  }
0xb: {  	s1 =	ssub.s32 $0x2, s1;
	s4 =	sadd.s32 $0x1200, s0;
	s6 =	smul.u32 $0x580, s5  }
0xc: {  	_ =	strace $0x80000047;
	s8 =	sshrl.u32 s1, $0x1;
	s26 =	sshll.u32 s5, $0xB  }
0xd: {  	s1 =	ssub.s32 s1, s8;
	s7 =	sadd.s32 s7, s26;
	s26 =	simm.s32 $0x4  }
0xe: {  	s0 =	sadd.s32 s6, s0;
	s8 =	smax.u32 s1, $0x1;
	s1 =	simm.s32 $0x8  }
0xf: {  	s5 =	sadd.s32 $0x1A200, s0;
	s6 =	sadd.s32 $0x25200, s0;
	s0 =	simm.s32 $0x1BA00  }
.LBB2_1:
0x10: {  	_ =	strace $0x80000048  }
0x11: {  	[tilespmem:s3], [sflag:$0x9] =	stream.linear.gather [hbm4b:s5+s3], $0x2C00, $0x200038;
	[tilespmem:$0x1BC00] =	vst v63  }
0x12: {  	_ =	swait.ge [sflag:s9], $0x2C00  }
0x13: {  	[sflag:s9] =	ssyncset.done $0x0  }
0x14: {  	[sflag:s9] =	ssyncadd.s32 $0xFFFFD400  }
0x15: {  	_ =	strace $0x90000048  }
0x16: {  	_ =	strace $0x80000049  }
0x17: {  	[tilespmem:s10], [sflag:$0x1] =	stream.indirect.gather [hbm4b:s4+s10], $0x1, s3, s10, $0x2000b8;
	[tilespmem:$0x1BC00] =	vst v63  }
0x18: {  	_ =	swait.ge [sflag:s11], $0x2C00  }
0x19: {  	[sflag:s11] =	ssyncset.done $0x0  }
0x1a: {  	[sflag:s11] =	ssyncadd.s32 $0xFFFFD400  }
0x1b: {  	_ =	strace $0x90000049  }
0x1c: {  	_ =	strace $0x8000004A  }
0x1d: {  	[tilespmem:s3], [sflag:$0x9] =	stream.linear.gather [hbm4b:s6+s3], $0x2C00, $0x200038;
	[tilespmem:$0x1BC00] =	vst v63  }
0x1e: {  	_ =	swait.ge [sflag:s9], $0x2C00  }
0x1f: {  	[sflag:s9] =	ssyncset.done $0x0  }
0x20: {  	[sflag:s9] =	ssyncadd.s32 $0xFFFFD400  }
0x21: {  	_ =	strace $0x9000004A  }
0x22: {  	s14 =	simm.s32 $0x0;
	_ =	strace $0x8000004B  }
0x23: {  	s15 =	simm.s32 $0x40;
	v0 =	vld [tilespmem:s14+$0x0]  }
.LBB2_2:
0x24: {  	p0 =	sne.s32 s15, $0xAFC0;
	v1 =	vld [tilespmem:s14+$0x2C00];
	_ =	sdelay $0x2  }
.Ltmp0:
0x25: {  	(pc) =	sbr.rel @p0 .LBB2_2-.Ltmp0, $4  }
0x26: {  	_ = 	snop  }
0x27: {  	v1 =	vmul.u32 v1, v0  }
0x28: {  	s16 =	sshra.s32 s15, $0x2  }
0x29: {  	s15 =	sadd.s32 $0x40, s15;
	v0 =	vld [tilespmem:s16+$0x0];
	[tilespmem:s14+$0x2C00] =	vst v1;
	s14 =	smov.u32 s16  }
0x2a: {  	v1 =	vld [tilespmem:s14+$0x2C00];
	_ =	sdelay $0x4  }
0x2b: {  	v0 =	vmul.u32 v1, v0;
	_ =	sdelay $0x1  }
0x2c: {  	[tilespmem:s14+$0x2C00] =	vst v0  }
0x2d: {  	_ =	strace $0x9000004B  }
0x2e: {  	s18 =	simm.s32 $0x5800;
	_ =	strace $0x8000004C  }
0x2f: {  	[tilespmem:s18], [sflag:$0x1] =	stream.indirect.gather [hbm4b:s2+s12], $0x80, s10, s12, $0x2000b8;
	[tilespmem:$0x1BC00] =	vst v63  }
0x30: {  	s19 =	simm.s32 $0x2C58;
	s15 =	simm.s32 $0x8400  }
0x31: {  	[tilespmem:s15], [sflag:$0x2] =	stream.indirect.gather [hbm4b:s2+s12], $0x80, s19, s12, $0x2000b8;
	[tilespmem:$0x1BC00] =	vst v63  }
0x32: {  	s16 =	simm.s32 $0x2CB0;
	s17 =	simm.s32 $0xB000  }
0x33: {  	[tilespmem:s17], [sflag:$0x3] =	stream.indirect.gather [hbm4b:s2+s12], $0x80, s16, s12, $0x2000b8;
	[tilespmem:$0x1BC00] =	vst v63  }
0x34: {  	s14 =	simm.s32 $0x0;
	s18 =	simm.s32 $0x2D08;
	s19 =	simm.s32 $0xDC00  }
0x35: {  	[tilespmem:s19], [sflag:$0x4] =	stream.indirect.gather [hbm4b:s2+s12], $0x80, s18, s12, $0x2000b8;
	[tilespmem:$0x1BC00] =	vst v63  }
.LBB2_4:
0x36: {  	s15 =	sshllo.u32 s14, $0x1  }
0x37: {  	s16 =	smul.u32 $0x580, s15;
	_ =	sdelay $0x1  }
0x38: {  	s16 =	sshra.s32 s16, $0x2  }
0x39: {  	s17 =	sadd.s32 $0x2C00, s16  }
0x3a: {  	[tilespmem:s20], [sflag:$0x5] =	stream.indirect.gather [hbm4b:s2+s12], $0x80, s17, s12, $0x2000b8;
	[tilespmem:$0x1BC00] =	vst v63  }
0x3b: {  	s19 =	sadd.s32 $0x2C58, s16  }
0x3c: {  	[tilespmem:s21], [sflag:$0x6] =	stream.indirect.gather [hbm4b:s2+s12], $0x80, s19, s12, $0x2000b8;
	[tilespmem:$0x1BC00] =	vst v63  }
0x3d: {  	s18 =	sadd.s32 $0x2CB0, s16  }
0x3e: {  	[tilespmem:s22], [sflag:$0x7] =	stream.indirect.gather [hbm4b:s2+s12], $0x80, s18, s12, $0x2000b8;
	[tilespmem:$0x1BC00] =	vst v63  }
0x3f: {  	s16 =	sadd.s32 $0x2D08, s16  }
0x40: {  	[tilespmem:s23], [sflag:$0x8] =	stream.indirect.gather [hbm4b:s2+s12], $0x80, s16, s12, $0x2000b8;
	[tilespmem:$0x1BC00] =	vst v63  }
0x41: {  	_ =	swait.ge [sflag:s11], $0x2C00  }
0x42: {  	[sflag:s11] =	ssyncset.done $0x0  }
0x43: {  	s19 =	simm.s32 $0x5900;
	[sflag:s11] =	ssyncadd.s32 $0xFFFFD400  }
0x44: {  	v4 =	vld [tilespmem:s19+$0x80]  }
0x45: {  	v5 =	vld [tilespmem:s19+$0x90]  }
0x46: {  	v11 =	vld [tilespmem:s19+$0xA0]  }
0x47: {  	v12 =	vld [tilespmem:s19+$0xB0]  }
0x48: {  	v0 =	vld [tilespmem:s19+$0xC0]  }
0x49: {  	v1 =	vld [tilespmem:s19+$0xD0]  }
0x4a: {  	v6 =	vld [tilespmem:s19+$0x0]  }
0x4b: {  	v7 =	vld [tilespmem:s19+$0x10]  }
0x4c: {  	v9 =	vld [tilespmem:s19+$0x20]  }
0x4d: {  	v10 =	vld [tilespmem:s19+$0x30]  }
0x4e: {  	v3 =	vld [tilespmem:s19+$0x40]  }
0x4f: {  	v2 =	vld [tilespmem:s19+$0x50]  }
0x50: {  	v8 =	vld [tilespmem:s19+$0xFFFFFF80]  }
0x51: {  	v13 =	vld [tilespmem:s19+$0xFFFFFF90]  }
0x52: {  	v14 =	vld [tilespmem:s19+$0xFFFFFF00]  }
0x53: {  	v15 =	vld [tilespmem:s19+$0xFFFFFF10]  }
0x54: {  	v16 =	vld [tilespmem:s19+$0xFFFFFF20]  }
0x55: {  	v17 =	vld [tilespmem:s19+$0xFFFFFF30]  }
0x56: {  	v18 =	vld [tilespmem:s19+$0xFFFFFFA0]  }
0x57: {  	v19 =	vld [tilespmem:s19+$0xFFFFFFB0]  }
0x58: {  	v20 =	vimm.f32 $0.0e+00;
	v21 =	vld [tilespmem:s19+$0xFFFFFFC0]  }
0x59: {  	v22 =	vld [tilespmem:s19+$0xFFFFFFD0];
	v14 =	vadd.f32 v14, v20;
	v15 =	vadd.f32 v15, v20  }
0x5a: {  	v23 =	vld [tilespmem:s19+$0xFFFFFF40];
	v16 =	vadd.f32 v16, v20;
	v17 =	vadd.f32 v17, v20  }
0x5b: {  	v24 =	vld [tilespmem:s19+$0xFFFFFF50];
	v8 =	vadd.f32 v8, v14;
	v13 =	vadd.f32 v13, v15  }
0x5c: {  	v14 =	vld [tilespmem:s19+$0xFFFFFF60];
	v15 =	vadd.f32 v18, v16;
	v16 =	vadd.f32 v19, v17  }
0x5d: {  	v17 =	vld [tilespmem:s19+$0xFFFFFF70];
	v6 =	vadd.f32 v6, v8;
	v13 =	vadd.f32 v7, v13  }
0x5e: {  	v8 =	vld [tilespmem:s19+$0xFFFFFFE0];
	v15 =	vadd.f32 v9, v15;
	v16 =	vadd.f32 v10, v16  }
0x5f: {  	v10 =	vld [tilespmem:s19+$0xFFFFFFF0];
	v7 =	vadd.f32 v4, v6;
	v6 =	vadd.f32 v5, v13  }
0x60: {  	v9 =	vld [tilespmem:s19+$0x60];
	v5 =	vadd.f32 v11, v15;
	v4 =	vadd.f32 v12, v16  }
0x61: {  	v13 =	vadd.f32 v23, v20;
	v16 =	vadd.f32 v24, v20;
	v12 =	vld [tilespmem:s19+$0x70]  }
0x62: {  	v11 =	vld [tilespmem:s19+$0xE0];
	v15 =	vadd.f32 v14, v20;
	v14 =	vadd.f32 v17, v20  }
0x63: {  	s17 =	simm.s32 $0x5B00;
	s16 =	simm.s32 $0x0;
	v17 =	vadd.f32 v21, v13;
	v16 =	vadd.f32 v22, v16;
	v13 =	vld [tilespmem:s19+$0xF0]  }
.LBB2_5:
0x64: {  	v18 =	vld [tilespmem:s17+$0x80];
	v8 =	vadd.f32 v8, v15;
	v10 =	vadd.f32 v10, v14  }
0x65: {  	v14 =	vld [tilespmem:s17+$0x90];
	v3 =	vadd.f32 v3, v17;
	v2 =	vadd.f32 v2, v16  }
0x66: {  	v15 =	vld [tilespmem:s17+$0xA0];
	v8 =	vadd.f32 v9, v8;
	v9 =	vadd.f32 v12, v10  }
0x67: {  	v12 =	vld [tilespmem:s17+$0xB0];
	v16 =	vadd.f32 v0, v3;
	v17 =	vadd.f32 v1, v2  }
0x68: {  	v0 =	vld [tilespmem:s17+$0xC0];
	v11 =	vadd.f32 v11, v8;
	v13 =	vadd.f32 v13, v9  }
0x69: {  	v1 =	vld [tilespmem:s17+$0xD0]  }
0x6a: {  	v8 =	vld [tilespmem:s17+$0x0]  }
0x6b: {  	v9 =	vld [tilespmem:s17+$0x10]  }
0x6c: {  	v10 =	vld [tilespmem:s17+$0x20]  }
0x6d: {  	v19 =	vld [tilespmem:s17+$0x30]  }
0x6e: {  	v3 =	vld [tilespmem:s17+$0x40]  }
0x6f: {  	v2 =	vld [tilespmem:s17+$0x50]  }
0x70: {  	v20 =	vld [tilespmem:s17+$0xFFFFFF80]  }
0x71: {  	v21 =	vld [tilespmem:s17+$0xFFFFFF90]  }
0x72: {  	v22 =	vld [tilespmem:s17+$0xFFFFFF00]  }
0x73: {  	v23 =	vld [tilespmem:s17+$0xFFFFFF10]  }
0x74: {  	v24 =	vld [tilespmem:s17+$0xFFFFFF20]  }
0x75: {  	v25 =	vld [tilespmem:s17+$0xFFFFFF30]  }
0x76: {  	v26 =	vld [tilespmem:s17+$0xFFFFFFA0]  }
0x77: {  	v27 =	vld [tilespmem:s17+$0xFFFFFFB0]  }
0x78: {  	v28 =	vld [tilespmem:s17+$0xFFFFFFC0]  }
0x79: {  	v7 =	vadd.f32 v22, v7;
	v6 =	vadd.f32 v23, v6;
	v22 =	vld [tilespmem:s17+$0xFFFFFFD0]  }
0x7a: {  	v5 =	vadd.f32 v24, v5;
	v4 =	vadd.f32 v25, v4;
	v23 =	vld [tilespmem:s17+$0xFFFFFF40]  }
0x7b: {  	v7 =	vadd.f32 v20, v7;
	v6 =	vadd.f32 v21, v6;
	v24 =	vld [tilespmem:s17+$0xFFFFFF50]  }
0x7c: {  	v5 =	vadd.f32 v26, v5;
	v20 =	vld [tilespmem:s17+$0xFFFFFF60];
	v4 =	vadd.f32 v27, v4  }
0x7d: {  	s16 =	sadd.s32 $0x4, s16;
	v7 =	vadd.f32 v8, v7;
	v6 =	vadd.f32 v9, v6;
	v21 =	vld [tilespmem:s17+$0xFFFFFF70]  }
0x7e: {  	p0 =	slt.u32 s16, $0x54;
	v5 =	vadd.f32 v10, v5;
	v8 =	vld [tilespmem:s17+$0xFFFFFFE0];
	v4 =	vadd.f32 v19, v4  }
.Ltmp1:
0x7f: {  	v7 =	vadd.f32 v18, v7;
	v6 =	vadd.f32 v14, v6;
	v10 =	vld [tilespmem:s17+$0xFFFFFFF0];
	(pc) =	sbr.rel @p0 .LBB2_5-.Ltmp1, $4  }
0x80: {  	v5 =	vadd.f32 v15, v5;
	v9 =	vld [tilespmem:s17+$0x60];
	v4 =	vadd.f32 v12, v4  }
0x81: {  	v16 =	vadd.f32 v23, v16;
	v18 =	vadd.f32 v24, v17;
	v12 =	vld [tilespmem:s17+$0x70]  }
0x82: {  	v15 =	vadd.f32 v20, v11;
	v14 =	vadd.f32 v21, v13;
	v11 =	vld [tilespmem:s17+$0xE0]  }
0x83: {  	v17 =	vadd.f32 v28, v16;
	v16 =	vadd.f32 v22, v18;
	v13 =	vld [tilespmem:s17+$0xF0];
	s17 =	sadd.s32 $0x200, s17  }
0x84: {  	_ = 	snop  }
0x85: {  	v8 =	vadd.f32 v8, v15;
	[tilespmem:$0x1B800] =	vst v7;
	v3 =	vadd.f32 v3, v17  }
0x86: {  	v7 =	vadd.f32 v10, v14;
	[tilespmem:$0x1B810] =	vst v6;
	v2 =	vadd.f32 v2, v16  }
0x87: {  	[tilespmem:$0x1B820] =	vst v5;
	v6 =	vadd.f32 v9, v8;
	v0 =	vadd.f32 v0, v3  }
0x88: {  	[tilespmem:$0x1B830] =	vst v4;
	v3 =	vadd.f32 v12, v7;
	v1 =	vadd.f32 v1, v2  }
0x89: {  	v2 =	vadd.f32 v11, v6;
	[tilespmem:$0x1B840] =	vst v0  }
0x8a: {  	v0 =	vadd.f32 v13, v3;
	[tilespmem:$0x1B850] =	vst v1  }
0x8b: {  	[tilespmem:$0x1B860] =	vst v2  }
0x8c: {  	[tilespmem:$0x1B870] =	vst v0  }
0x8d: {  	_ =	swait.ge [sflag:s24], $0x2C00  }
0x8e: {  	[sflag:s24] =	ssyncset.done $0x0  }
0x8f: {  	s17 =	simm.s32 $0x8500;
	[sflag:s24] =	ssyncadd.s32 $0xFFFFD400  }
0x90: {  	v4 =	vld [tilespmem:s17+$0x80]  }
0x91: {  	v5 =	vld [tilespmem:s17+$0x90]  }
0x92: {  	v11 =	vld [tilespmem:s17+$0xA0]  }
0x93: {  	v12 =	vld [tilespmem:s17+$0xB0]  }
0x94: {  	v0 =	vld [tilespmem:s17+$0xC0]  }
0x95: {  	v1 =	vld [tilespmem:s17+$0xD0]  }
0x96: {  	v6 =	vld [tilespmem:s17+$0x0]  }
0x97: {  	v7 =	vld [tilespmem:s17+$0x10]  }
0x98: {  	v9 =	vld [tilespmem:s17+$0x20]  }
0x99: {  	v10 =	vld [tilespmem:s17+$0x30]  }
0x9a: {  	v3 =	vld [tilespmem:s17+$0x40]  }
0x9b: {  	v2 =	vld [tilespmem:s17+$0x50]  }
0x9c: {  	v8 =	vld [tilespmem:s17+$0xFFFFFF80]  }
0x9d: {  	v13 =	vld [tilespmem:s17+$0xFFFFFF90]  }
0x9e: {  	v14 =	vld [tilespmem:s17+$0xFFFFFF00]  }
0x9f: {  	v15 =	vld [tilespmem:s17+$0xFFFFFF10]  }
0xa0: {  	v16 =	vld [tilespmem:s17+$0xFFFFFF20]  }
0xa1: {  	v17 =	vld [tilespmem:s17+$0xFFFFFF30]  }
0xa2: {  	v18 =	vld [tilespmem:s17+$0xFFFFFFA0]  }
0xa3: {  	v19 =	vld [tilespmem:s17+$0xFFFFFFB0]  }
0xa4: {  	v20 =	vimm.f32 $0.0e+00;
	v21 =	vld [tilespmem:s17+$0xFFFFFFC0]  }
0xa5: {  	v22 =	vld [tilespmem:s17+$0xFFFFFFD0];
	v14 =	vadd.f32 v14, v20;
	v15 =	vadd.f32 v15, v20  }
0xa6: {  	v23 =	vld [tilespmem:s17+$0xFFFFFF40];
	v16 =	vadd.f32 v16, v20;
	v17 =	vadd.f32 v17, v20  }
0xa7: {  	v24 =	vld [tilespmem:s17+$0xFFFFFF50];
	v8 =	vadd.f32 v8, v14;
	v13 =	vadd.f32 v13, v15  }
0xa8: {  	v14 =	vld [tilespmem:s17+$0xFFFFFF60];
	v15 =	vadd.f32 v18, v16;
	v16 =	vadd.f32 v19, v17  }
0xa9: {  	v17 =	vld [tilespmem:s17+$0xFFFFFF70];
	v6 =	vadd.f32 v6, v8;
	v13 =	vadd.f32 v7, v13  }
0xaa: {  	v8 =	vld [tilespmem:s17+$0xFFFFFFE0];
	v15 =	vadd.f32 v9, v15;
	v16 =	vadd.f32 v10, v16  }
0xab: {  	v10 =	vld [tilespmem:s17+$0xFFFFFFF0];
	v7 =	vadd.f32 v4, v6;
	v6 =	vadd.f32 v5, v13  }
0xac: {  	v9 =	vld [tilespmem:s17+$0x60];
	v5 =	vadd.f32 v11, v15;
	v4 =	vadd.f32 v12, v16  }
0xad: {  	v13 =	vadd.f32 v23, v20;
	v16 =	vadd.f32 v24, v20;
	v12 =	vld [tilespmem:s17+$0x70]  }
0xae: {  	v11 =	vld [tilespmem:s17+$0xE0];
	v15 =	vadd.f32 v14, v20;
	v14 =	vadd.f32 v17, v20  }
0xaf: {  	s16 =	simm.s32 $0x0;
	v17 =	vadd.f32 v21, v13;
	v16 =	vadd.f32 v22, v16;
	v13 =	vld [tilespmem:s17+$0xF0];
	s17 =	simm.s32 $0x8700  }
.LBB2_7:
0xb0: {  	v18 =	vld [tilespmem:s17+$0x80];
	v8 =	vadd.f32 v8, v15;
	v10 =	vadd.f32 v10, v14  }
0xb1: {  	v14 =	vld [tilespmem:s17+$0x90];
	v3 =	vadd.f32 v3, v17;
	v2 =	vadd.f32 v2, v16  }
0xb2: {  	v15 =	vld [tilespmem:s17+$0xA0];
	v8 =	vadd.f32 v9, v8;
	v9 =	vadd.f32 v12, v10  }
0xb3: {  	v12 =	vld [tilespmem:s17+$0xB0];
	v16 =	vadd.f32 v0, v3;
	v17 =	vadd.f32 v1, v2  }
0xb4: {  	v0 =	vld [tilespmem:s17+$0xC0];
	v11 =	vadd.f32 v11, v8;
	v13 =	vadd.f32 v13, v9  }
0xb5: {  	v1 =	vld [tilespmem:s17+$0xD0]  }
0xb6: {  	v8 =	vld [tilespmem:s17+$0x0]  }
0xb7: {  	v9 =	vld [tilespmem:s17+$0x10]  }
0xb8: {  	v10 =	vld [tilespmem:s17+$0x20]  }
0xb9: {  	v19 =	vld [tilespmem:s17+$0x30]  }
0xba: {  	v3 =	vld [tilespmem:s17+$0x40]  }
0xbb: {  	v2 =	vld [tilespmem:s17+$0x50]  }
0xbc: {  	v20 =	vld [tilespmem:s17+$0xFFFFFF80]  }
0xbd: {  	v21 =	vld [tilespmem:s17+$0xFFFFFF90]  }
0xbe: {  	v22 =	vld [tilespmem:s17+$0xFFFFFF00]  }
0xbf: {  	v23 =	vld [tilespmem:s17+$0xFFFFFF10]  }
0xc0: {  	v24 =	vld [tilespmem:s17+$0xFFFFFF20]  }
0xc1: {  	v25 =	vld [tilespmem:s17+$0xFFFFFF30]  }
0xc2: {  	v26 =	vld [tilespmem:s17+$0xFFFFFFA0]  }
0xc3: {  	v27 =	vld [tilespmem:s17+$0xFFFFFFB0]  }
0xc4: {  	v28 =	vld [tilespmem:s17+$0xFFFFFFC0]  }
0xc5: {  	v7 =	vadd.f32 v22, v7;
	v6 =	vadd.f32 v23, v6;
	v22 =	vld [tilespmem:s17+$0xFFFFFFD0]  }
0xc6: {  	v5 =	vadd.f32 v24, v5;
	v4 =	vadd.f32 v25, v4;
	v23 =	vld [tilespmem:s17+$0xFFFFFF40]  }
0xc7: {  	v7 =	vadd.f32 v20, v7;
	v6 =	vadd.f32 v21, v6;
	v24 =	vld [tilespmem:s17+$0xFFFFFF50]  }
0xc8: {  	v5 =	vadd.f32 v26, v5;
	v20 =	vld [tilespmem:s17+$0xFFFFFF60];
	v4 =	vadd.f32 v27, v4  }
0xc9: {  	s16 =	sadd.s32 $0x4, s16;
	v7 =	vadd.f32 v8, v7;
	v6 =	vadd.f32 v9, v6;
	v21 =	vld [tilespmem:s17+$0xFFFFFF70]  }
0xca: {  	p0 =	slt.u32 s16, $0x54;
	v5 =	vadd.f32 v10, v5;
	v8 =	vld [tilespmem:s17+$0xFFFFFFE0];
	v4 =	vadd.f32 v19, v4  }
.Ltmp2:
0xcb: {  	v7 =	vadd.f32 v18, v7;
	v6 =	vadd.f32 v14, v6;
	v10 =	vld [tilespmem:s17+$0xFFFFFFF0];
	(pc) =	sbr.rel @p0 .LBB2_7-.Ltmp2, $4  }
0xcc: {  	v5 =	vadd.f32 v15, v5;
	v9 =	vld [tilespmem:s17+$0x60];
	v4 =	vadd.f32 v12, v4  }
0xcd: {  	v16 =	vadd.f32 v23, v16;
	v18 =	vadd.f32 v24, v17;
	v12 =	vld [tilespmem:s17+$0x70]  }
0xce: {  	v15 =	vadd.f32 v20, v11;
	v14 =	vadd.f32 v21, v13;
	v11 =	vld [tilespmem:s17+$0xE0]  }
0xcf: {  	v17 =	vadd.f32 v28, v16;
	v16 =	vadd.f32 v22, v18;
	v13 =	vld [tilespmem:s17+$0xF0];
	s17 =	sadd.s32 $0x200, s17  }
0xd0: {  	_ = 	snop  }
0xd1: {  	v8 =	vadd.f32 v8, v15;
	[tilespmem:$0x1B880] =	vst v7;
	v3 =	vadd.f32 v3, v17  }
0xd2: {  	v7 =	vadd.f32 v10, v14;
	[tilespmem:$0x1B890] =	vst v6;
	v2 =	vadd.f32 v2, v16  }
0xd3: {  	[tilespmem:$0x1B8A0] =	vst v5;
	v6 =	vadd.f32 v9, v8;
	v0 =	vadd.f32 v0, v3  }
0xd4: {  	[tilespmem:$0x1B8B0] =	vst v4;
	v3 =	vadd.f32 v12, v7;
	v1 =	vadd.f32 v1, v2  }
0xd5: {  	v2 =	vadd.f32 v11, v6;
	[tilespmem:$0x1B8C0] =	vst v0  }
0xd6: {  	v0 =	vadd.f32 v13, v3;
	[tilespmem:$0x1B8D0] =	vst v1  }
0xd7: {  	[tilespmem:$0x1B8E0] =	vst v2  }
0xd8: {  	[tilespmem:$0x1B8F0] =	vst v0  }
0xd9: {  	_ =	swait.ge [sflag:s25], $0x2C00  }
0xda: {  	[sflag:s25] =	ssyncset.done $0x0  }
0xdb: {  	s17 =	simm.s32 $0xB100;
	[sflag:s25] =	ssyncadd.s32 $0xFFFFD400  }
0xdc: {  	v4 =	vld [tilespmem:s17+$0x80]  }
0xdd: {  	v5 =	vld [tilespmem:s17+$0x90]  }
0xde: {  	v11 =	vld [tilespmem:s17+$0xA0]  }
0xdf: {  	v12 =	vld [tilespmem:s17+$0xB0]  }
0xe0: {  	v0 =	vld [tilespmem:s17+$0xC0]  }
0xe1: {  	v1 =	vld [tilespmem:s17+$0xD0]  }
0xe2: {  	v6 =	vld [tilespmem:s17+$0x0]  }
0xe3: {  	v7 =	vld [tilespmem:s17+$0x10]  }
0xe4: {  	v9 =	vld [tilespmem:s17+$0x20]  }
0xe5: {  	v10 =	vld [tilespmem:s17+$0x30]  }
0xe6: {  	v3 =	vld [tilespmem:s17+$0x40]  }
0xe7: {  	v2 =	vld [tilespmem:s17+$0x50]  }
0xe8: {  	v8 =	vld [tilespmem:s17+$0xFFFFFF80]  }
0xe9: {  	v13 =	vld [tilespmem:s17+$0xFFFFFF90]  }
0xea: {  	v14 =	vld [tilespmem:s17+$0xFFFFFF00]  }
0xeb: {  	v15 =	vld [tilespmem:s17+$0xFFFFFF10]  }
0xec: {  	v16 =	vld [tilespmem:s17+$0xFFFFFF20]  }
0xed: {  	v17 =	vld [tilespmem:s17+$0xFFFFFF30]  }
0xee: {  	v18 =	vld [tilespmem:s17+$0xFFFFFFA0]  }
0xef: {  	v19 =	vld [tilespmem:s17+$0xFFFFFFB0]  }
0xf0: {  	v20 =	vimm.f32 $0.0e+00;
	v21 =	vld [tilespmem:s17+$0xFFFFFFC0]  }
0xf1: {  	v22 =	vld [tilespmem:s17+$0xFFFFFFD0];
	v14 =	vadd.f32 v14, v20;
	v15 =	vadd.f32 v15, v20  }
0xf2: {  	v23 =	vld [tilespmem:s17+$0xFFFFFF40];
	v16 =	vadd.f32 v16, v20;
	v17 =	vadd.f32 v17, v20  }
0xf3: {  	v24 =	vld [tilespmem:s17+$0xFFFFFF50];
	v8 =	vadd.f32 v8, v14;
	v13 =	vadd.f32 v13, v15  }
0xf4: {  	v14 =	vld [tilespmem:s17+$0xFFFFFF60];
	v15 =	vadd.f32 v18, v16;
	v16 =	vadd.f32 v19, v17  }
0xf5: {  	v17 =	vld [tilespmem:s17+$0xFFFFFF70];
	v6 =	vadd.f32 v6, v8;
	v13 =	vadd.f32 v7, v13  }
0xf6: {  	v8 =	vld [tilespmem:s17+$0xFFFFFFE0];
	v15 =	vadd.f32 v9, v15;
	v16 =	vadd.f32 v10, v16  }
0xf7: {  	v10 =	vld [tilespmem:s17+$0xFFFFFFF0];
	v7 =	vadd.f32 v4, v6;
	v6 =	vadd.f32 v5, v13  }
0xf8: {  	v9 =	vld [tilespmem:s17+$0x60];
	v5 =	vadd.f32 v11, v15;
	v4 =	vadd.f32 v12, v16  }
0xf9: {  	v13 =	vadd.f32 v23, v20;
	v16 =	vadd.f32 v24, v20;
	v12 =	vld [tilespmem:s17+$0x70]  }
0xfa: {  	v11 =	vld [tilespmem:s17+$0xE0];
	v15 =	vadd.f32 v14, v20;
	v14 =	vadd.f32 v17, v20  }
0xfb: {  	s16 =	simm.s32 $0x0;
	v17 =	vadd.f32 v21, v13;
	v16 =	vadd.f32 v22, v16;
	v13 =	vld [tilespmem:s17+$0xF0];
	s17 =	simm.s32 $0xB300  }
.LBB2_9:
0xfc: {  	v18 =	vld [tilespmem:s17+$0x80];
	v8 =	vadd.f32 v8, v15;
	v10 =	vadd.f32 v10, v14  }
0xfd: {  	v14 =	vld [tilespmem:s17+$0x90];
	v3 =	vadd.f32 v3, v17;
	v2 =	vadd.f32 v2, v16  }
0xfe: {  	v15 =	vld [tilespmem:s17+$0xA0];
	v8 =	vadd.f32 v9, v8;
	v9 =	vadd.f32 v12, v10  }
0xff: {  	v12 =	vld [tilespmem:s17+$0xB0];
	v16 =	vadd.f32 v0, v3;
	v17 =	vadd.f32 v1, v2  }
0x100: {  	v0 =	vld [tilespmem:s17+$0xC0];
	v11 =	vadd.f32 v11, v8;
	v13 =	vadd.f32 v13, v9  }
0x101: {  	v1 =	vld [tilespmem:s17+$0xD0]  }
0x102: {  	v8 =	vld [tilespmem:s17+$0x0]  }
0x103: {  	v9 =	vld [tilespmem:s17+$0x10]  }
0x104: {  	v10 =	vld [tilespmem:s17+$0x20]  }
0x105: {  	v19 =	vld [tilespmem:s17+$0x30]  }
0x106: {  	v3 =	vld [tilespmem:s17+$0x40]  }
0x107: {  	v2 =	vld [tilespmem:s17+$0x50]  }
0x108: {  	v20 =	vld [tilespmem:s17+$0xFFFFFF80]  }
0x109: {  	v21 =	vld [tilespmem:s17+$0xFFFFFF90]  }
0x10a: {  	v22 =	vld [tilespmem:s17+$0xFFFFFF00]  }
0x10b: {  	v23 =	vld [tilespmem:s17+$0xFFFFFF10]  }
0x10c: {  	v24 =	vld [tilespmem:s17+$0xFFFFFF20]  }
0x10d: {  	v25 =	vld [tilespmem:s17+$0xFFFFFF30]  }
0x10e: {  	v26 =	vld [tilespmem:s17+$0xFFFFFFA0]  }
0x10f: {  	v27 =	vld [tilespmem:s17+$0xFFFFFFB0]  }
0x110: {  	v28 =	vld [tilespmem:s17+$0xFFFFFFC0]  }
0x111: {  	v7 =	vadd.f32 v22, v7;
	v6 =	vadd.f32 v23, v6;
	v22 =	vld [tilespmem:s17+$0xFFFFFFD0]  }
0x112: {  	v5 =	vadd.f32 v24, v5;
	v4 =	vadd.f32 v25, v4;
	v23 =	vld [tilespmem:s17+$0xFFFFFF40]  }
0x113: {  	v7 =	vadd.f32 v20, v7;
	v6 =	vadd.f32 v21, v6;
	v24 =	vld [tilespmem:s17+$0xFFFFFF50]  }
0x114: {  	v5 =	vadd.f32 v26, v5;
	v20 =	vld [tilespmem:s17+$0xFFFFFF60];
	v4 =	vadd.f32 v27, v4  }
0x115: {  	s16 =	sadd.s32 $0x4, s16;
	v7 =	vadd.f32 v8, v7;
	v6 =	vadd.f32 v9, v6;
	v21 =	vld [tilespmem:s17+$0xFFFFFF70]  }
0x116: {  	p0 =	slt.u32 s16, $0x54;
	v5 =	vadd.f32 v10, v5;
	v8 =	vld [tilespmem:s17+$0xFFFFFFE0];
	v4 =	vadd.f32 v19, v4  }
.Ltmp3:
0x117: {  	v7 =	vadd.f32 v18, v7;
	v6 =	vadd.f32 v14, v6;
	v10 =	vld [tilespmem:s17+$0xFFFFFFF0];
	(pc) =	sbr.rel @p0 .LBB2_9-.Ltmp3, $4  }
0x118: {  	v5 =	vadd.f32 v15, v5;
	v9 =	vld [tilespmem:s17+$0x60];
	v4 =	vadd.f32 v12, v4  }
0x119: {  	v16 =	vadd.f32 v23, v16;
	v18 =	vadd.f32 v24, v17;
	v12 =	vld [tilespmem:s17+$0x70]  }
0x11a: {  	v15 =	vadd.f32 v20, v11;
	v14 =	vadd.f32 v21, v13;
	v11 =	vld [tilespmem:s17+$0xE0]  }
0x11b: {  	v17 =	vadd.f32 v28, v16;
	v16 =	vadd.f32 v22, v18;
	v13 =	vld [tilespmem:s17+$0xF0];
	s17 =	sadd.s32 $0x200, s17  }
0x11c: {  	_ = 	snop  }
0x11d: {  	v8 =	vadd.f32 v8, v15;
	[tilespmem:$0x1B900] =	vst v7;
	v3 =	vadd.f32 v3, v17  }
0x11e: {  	v7 =	vadd.f32 v10, v14;
	[tilespmem:$0x1B910] =	vst v6;
	v2 =	vadd.f32 v2, v16  }
0x11f: {  	[tilespmem:$0x1B920] =	vst v5;
	v6 =	vadd.f32 v9, v8;
	v0 =	vadd.f32 v0, v3  }
0x120: {  	[tilespmem:$0x1B930] =	vst v4;
	v3 =	vadd.f32 v12, v7;
	v1 =	vadd.f32 v1, v2  }
0x121: {  	v2 =	vadd.f32 v11, v6;
	[tilespmem:$0x1B940] =	vst v0  }
0x122: {  	v0 =	vadd.f32 v13, v3;
	[tilespmem:$0x1B950] =	vst v1  }
0x123: {  	[tilespmem:$0x1B960] =	vst v2  }
0x124: {  	[tilespmem:$0x1B970] =	vst v0  }
0x125: {  	_ =	swait.ge [sflag:s26], $0x2C00  }
0x126: {  	[sflag:s26] =	ssyncset.done $0x0  }
0x127: {  	s17 =	simm.s32 $0xDD00;
	[sflag:s26] =	ssyncadd.s32 $0xFFFFD400  }
0x128: {  	v4 =	vld [tilespmem:s17+$0x80]  }
0x129: {  	v5 =	vld [tilespmem:s17+$0x90]  }
0x12a: {  	v11 =	vld [tilespmem:s17+$0xA0]  }
0x12b: {  	v12 =	vld [tilespmem:s17+$0xB0]  }
0x12c: {  	v0 =	vld [tilespmem:s17+$0xC0]  }
0x12d: {  	v1 =	vld [tilespmem:s17+$0xD0]  }
0x12e: {  	v6 =	vld [tilespmem:s17+$0x0]  }
0x12f: {  	v7 =	vld [tilespmem:s17+$0x10]  }
0x130: {  	v9 =	vld [tilespmem:s17+$0x20]  }
0x131: {  	v10 =	vld [tilespmem:s17+$0x30]  }
0x132: {  	v3 =	vld [tilespmem:s17+$0x40]  }
0x133: {  	v2 =	vld [tilespmem:s17+$0x50]  }
0x134: {  	v8 =	vld [tilespmem:s17+$0xFFFFFF80]  }
0x135: {  	v13 =	vld [tilespmem:s17+$0xFFFFFF90]  }
0x136: {  	v14 =	vld [tilespmem:s17+$0xFFFFFF00]  }
0x137: {  	v15 =	vld [tilespmem:s17+$0xFFFFFF10]  }
0x138: {  	v16 =	vld [tilespmem:s17+$0xFFFFFF20]  }
0x139: {  	v17 =	vld [tilespmem:s17+$0xFFFFFF30]  }
0x13a: {  	v18 =	vld [tilespmem:s17+$0xFFFFFFA0]  }
0x13b: {  	v19 =	vld [tilespmem:s17+$0xFFFFFFB0]  }
0x13c: {  	v20 =	vimm.f32 $0.0e+00;
	v21 =	vld [tilespmem:s17+$0xFFFFFFC0]  }
0x13d: {  	v22 =	vld [tilespmem:s17+$0xFFFFFFD0];
	v14 =	vadd.f32 v14, v20;
	v15 =	vadd.f32 v15, v20  }
0x13e: {  	v23 =	vld [tilespmem:s17+$0xFFFFFF40];
	v16 =	vadd.f32 v16, v20;
	v17 =	vadd.f32 v17, v20  }
0x13f: {  	v24 =	vld [tilespmem:s17+$0xFFFFFF50];
	v8 =	vadd.f32 v8, v14;
	v13 =	vadd.f32 v13, v15  }
0x140: {  	v14 =	vld [tilespmem:s17+$0xFFFFFF60];
	v15 =	vadd.f32 v18, v16;
	v16 =	vadd.f32 v19, v17  }
0x141: {  	v17 =	vld [tilespmem:s17+$0xFFFFFF70];
	v6 =	vadd.f32 v6, v8;
	v13 =	vadd.f32 v7, v13  }
0x142: {  	v8 =	vld [tilespmem:s17+$0xFFFFFFE0];
	v15 =	vadd.f32 v9, v15;
	v16 =	vadd.f32 v10, v16  }
0x143: {  	v10 =	vld [tilespmem:s17+$0xFFFFFFF0];
	v7 =	vadd.f32 v4, v6;
	v6 =	vadd.f32 v5, v13  }
0x144: {  	v9 =	vld [tilespmem:s17+$0x60];
	v5 =	vadd.f32 v11, v15;
	v4 =	vadd.f32 v12, v16  }
0x145: {  	v13 =	vadd.f32 v23, v20;
	v16 =	vadd.f32 v24, v20;
	v12 =	vld [tilespmem:s17+$0x70]  }
0x146: {  	v11 =	vld [tilespmem:s17+$0xE0];
	v15 =	vadd.f32 v14, v20;
	v14 =	vadd.f32 v17, v20  }
0x147: {  	s16 =	simm.s32 $0x0;
	v17 =	vadd.f32 v21, v13;
	v16 =	vadd.f32 v22, v16;
	v13 =	vld [tilespmem:s17+$0xF0];
	s17 =	simm.s32 $0xDF00  }
.LBB2_11:
0x148: {  	v18 =	vld [tilespmem:s17+$0x80];
	v8 =	vadd.f32 v8, v15;
	v10 =	vadd.f32 v10, v14  }
0x149: {  	v14 =	vld [tilespmem:s17+$0x90];
	v3 =	vadd.f32 v3, v17;
	v2 =	vadd.f32 v2, v16  }
0x14a: {  	v15 =	vld [tilespmem:s17+$0xA0];
	v8 =	vadd.f32 v9, v8;
	v9 =	vadd.f32 v12, v10  }
0x14b: {  	v12 =	vld [tilespmem:s17+$0xB0];
	v16 =	vadd.f32 v0, v3;
	v17 =	vadd.f32 v1, v2  }
0x14c: {  	v0 =	vld [tilespmem:s17+$0xC0];
	v11 =	vadd.f32 v11, v8;
	v13 =	vadd.f32 v13, v9  }
0x14d: {  	v1 =	vld [tilespmem:s17+$0xD0]  }
0x14e: {  	v8 =	vld [tilespmem:s17+$0x0]  }
0x14f: {  	v9 =	vld [tilespmem:s17+$0x10]  }
0x150: {  	v10 =	vld [tilespmem:s17+$0x20]  }
0x151: {  	v19 =	vld [tilespmem:s17+$0x30]  }
0x152: {  	v3 =	vld [tilespmem:s17+$0x40]  }
0x153: {  	v2 =	vld [tilespmem:s17+$0x50]  }
0x154: {  	v20 =	vld [tilespmem:s17+$0xFFFFFF80]  }
0x155: {  	v21 =	vld [tilespmem:s17+$0xFFFFFF90]  }
0x156: {  	v22 =	vld [tilespmem:s17+$0xFFFFFF00]  }
0x157: {  	v23 =	vld [tilespmem:s17+$0xFFFFFF10]  }
0x158: {  	v24 =	vld [tilespmem:s17+$0xFFFFFF20]  }
0x159: {  	v25 =	vld [tilespmem:s17+$0xFFFFFF30]  }
0x15a: {  	v26 =	vld [tilespmem:s17+$0xFFFFFFA0]  }
0x15b: {  	v27 =	vld [tilespmem:s17+$0xFFFFFFB0]  }
0x15c: {  	v28 =	vld [tilespmem:s17+$0xFFFFFFC0]  }
0x15d: {  	v7 =	vadd.f32 v22, v7;
	v6 =	vadd.f32 v23, v6;
	v22 =	vld [tilespmem:s17+$0xFFFFFFD0]  }
0x15e: {  	v5 =	vadd.f32 v24, v5;
	v4 =	vadd.f32 v25, v4;
	v23 =	vld [tilespmem:s17+$0xFFFFFF40]  }
0x15f: {  	v7 =	vadd.f32 v20, v7;
	v6 =	vadd.f32 v21, v6;
	v24 =	vld [tilespmem:s17+$0xFFFFFF50]  }
0x160: {  	v5 =	vadd.f32 v26, v5;
	v20 =	vld [tilespmem:s17+$0xFFFFFF60];
	v4 =	vadd.f32 v27, v4  }
0x161: {  	s16 =	sadd.s32 $0x4, s16;
	v7 =	vadd.f32 v8, v7;
	v6 =	vadd.f32 v9, v6;
	v21 =	vld [tilespmem:s17+$0xFFFFFF70]  }
0x162: {  	p0 =	slt.u32 s16, $0x54;
	v5 =	vadd.f32 v10, v5;
	v8 =	vld [tilespmem:s17+$0xFFFFFFE0];
	v4 =	vadd.f32 v19, v4  }
.Ltmp4:
0x163: {  	v7 =	vadd.f32 v18, v7;
	v6 =	vadd.f32 v14, v6;
	v10 =	vld [tilespmem:s17+$0xFFFFFFF0];
	(pc) =	sbr.rel @p0 .LBB2_11-.Ltmp4, $4  }
0x164: {  	v5 =	vadd.f32 v15, v5;
	v9 =	vld [tilespmem:s17+$0x60];
	v4 =	vadd.f32 v12, v4  }
0x165: {  	v16 =	vadd.f32 v23, v16;
	v18 =	vadd.f32 v24, v17;
	v12 =	vld [tilespmem:s17+$0x70]  }
0x166: {  	v15 =	vadd.f32 v20, v11;
	v14 =	vadd.f32 v21, v13;
	v11 =	vld [tilespmem:s17+$0xE0]  }
0x167: {  	v17 =	vadd.f32 v28, v16;
	v16 =	vadd.f32 v22, v18;
	v13 =	vld [tilespmem:s17+$0xF0];
	s17 =	sadd.s32 $0x200, s17  }
0x168: {  	_ = 	snop  }
0x169: {  	v8 =	vadd.f32 v8, v15;
	[tilespmem:$0x1B980] =	vst v7;
	v3 =	vadd.f32 v3, v17  }
0x16a: {  	v7 =	vadd.f32 v10, v14;
	[tilespmem:$0x1B990] =	vst v6;
	v2 =	vadd.f32 v2, v16  }
0x16b: {  	[tilespmem:$0x1B9A0] =	vst v5;
	v6 =	vadd.f32 v9, v8;
	v0 =	vadd.f32 v0, v3  }
0x16c: {  	[tilespmem:$0x1B9B0] =	vst v4;
	v3 =	vadd.f32 v12, v7;
	v1 =	vadd.f32 v1, v2  }
0x16d: {  	v2 =	vadd.f32 v11, v6;
	[tilespmem:$0x1B9C0] =	vst v0  }
0x16e: {  	v0 =	vadd.f32 v13, v3;
	[tilespmem:$0x1B9D0] =	vst v1  }
0x16f: {  	s16 =	sshll.u32 s14, $0x7;
	[tilespmem:$0x1B9E0] =	vst v2  }
0x170: {  	p0 =	seq.s32 s14, $0xF;
	s16 =	sadd.s32 s16, s7;
	[tilespmem:$0x1B9F0] =	vst v0  }
0x171: {  	[hbm4b:s16+s3] =	stream.linear.scatter [tilespmem:s28], [sflag:$0x9], $0x200, $0x200038;
	[tilespmem:$0x1BC00] =	vst v63  }
0x172: {  	s16 =	smul.u32 @!p0 $0xB00, s14  }
0x173: {  	_ =	swait.ge [sflag:s9], $0x200  }
0x174: {  	s18 =	simm.s32 @!p0 $0x58;
	[sflag:s9] =	ssyncset.done $0x0;
	s16 =	sshra.s32 @!p0 s16, $0x2  }
0x175: {  	s19 =	simm.s32 @!p0 $0x5800;
	[sflag:s9] =	ssyncadd.s32 $0xFFFFFE00;
	s17 =	sadd.s32 @!p0 $0x2EC0, s16  }
0x176: {  	[tilespmem:s19], [sflag:$0x1] =	stream.indirect.gather @!p0 [hbm4b:s2+s18], $0x80, s17, s18, $0x2000b8;
	[tilespmem:$0x1BC00] =	vst v63  }
0x177: {  	s17 =	sadd.s32 @!p0 $0x2F18, s16;
	s19 =	simm.s32 @!p0 $0x8400  }
0x178: {  	[tilespmem:s19], [sflag:$0x2] =	stream.indirect.gather @!p0 [hbm4b:s2+s18], $0x80, s17, s18, $0x2000b8;
	[tilespmem:$0x1BC00] =	vst v63  }
0x179: {  	s17 =	sadd.s32 @!p0 $0x2F70, s16;
	s19 =	simm.s32 @!p0 $0xB000  }
0x17a: {  	[tilespmem:s19], [sflag:$0x3] =	stream.indirect.gather @!p0 [hbm4b:s2+s18], $0x80, s17, s18, $0x2000b8;
	[tilespmem:$0x1BC00] =	vst v63  }
0x17b: {  	s16 =	sadd.s32 @!p0 $0x2FC8, s16;
	s17 =	simm.s32 @!p0 $0xDC00  }
0x17c: {  	[tilespmem:s17], [sflag:$0x4] =	stream.indirect.gather @!p0 [hbm4b:s2+s18], $0x80, s16, s18, $0x2000b8;
	[tilespmem:$0x1BC00] =	vst v63  }
0x17d: {  	_ =	swait.ge [sflag:s29], $0x2C00  }
0x17e: {  	[sflag:s29] =	ssyncset.done $0x0  }
0x17f: {  	s19 =	simm.s32 $0x10900;
	[sflag:s29] =	ssyncadd.s32 $0xFFFFD400  }
0x180: {  	v4 =	vld [tilespmem:s19+$0x80]  }
0x181: {  	v5 =	vld [tilespmem:s19+$0x90]  }
0x182: {  	v11 =	vld [tilespmem:s19+$0xA0]  }
0x183: {  	v12 =	vld [tilespmem:s19+$0xB0]  }
0x184: {  	v0 =	vld [tilespmem:s19+$0xC0]  }
0x185: {  	v1 =	vld [tilespmem:s19+$0xD0]  }
0x186: {  	v6 =	vld [tilespmem:s19+$0x0]  }
0x187: {  	v7 =	vld [tilespmem:s19+$0x10]  }
0x188: {  	v9 =	vld [tilespmem:s19+$0x20]  }
0x189: {  	v10 =	vld [tilespmem:s19+$0x30]  }
0x18a: {  	v3 =	vld [tilespmem:s19+$0x40]  }
0x18b: {  	v2 =	vld [tilespmem:s19+$0x50]  }
0x18c: {  	v8 =	vld [tilespmem:s19+$0xFFFFFF80]  }
0x18d: {  	v13 =	vld [tilespmem:s19+$0xFFFFFF90]  }
0x18e: {  	v14 =	vld [tilespmem:s19+$0xFFFFFF00]  }
0x18f: {  	v15 =	vld [tilespmem:s19+$0xFFFFFF10]  }
0x190: {  	v16 =	vld [tilespmem:s19+$0xFFFFFF20]  }
0x191: {  	v17 =	vld [tilespmem:s19+$0xFFFFFF30]  }
0x192: {  	v18 =	vld [tilespmem:s19+$0xFFFFFFA0]  }
0x193: {  	v19 =	vld [tilespmem:s19+$0xFFFFFFB0]  }
0x194: {  	v20 =	vimm.f32 $0.0e+00;
	v21 =	vld [tilespmem:s19+$0xFFFFFFC0]  }
0x195: {  	v22 =	vld [tilespmem:s19+$0xFFFFFFD0];
	v14 =	vadd.f32 v14, v20;
	v15 =	vadd.f32 v15, v20  }
0x196: {  	v23 =	vld [tilespmem:s19+$0xFFFFFF40];
	v16 =	vadd.f32 v16, v20;
	v17 =	vadd.f32 v17, v20  }
0x197: {  	v24 =	vld [tilespmem:s19+$0xFFFFFF50];
	v8 =	vadd.f32 v8, v14;
	v13 =	vadd.f32 v13, v15  }
0x198: {  	v14 =	vld [tilespmem:s19+$0xFFFFFF60];
	v15 =	vadd.f32 v18, v16;
	v16 =	vadd.f32 v19, v17  }
0x199: {  	v17 =	vld [tilespmem:s19+$0xFFFFFF70];
	v6 =	vadd.f32 v6, v8;
	v13 =	vadd.f32 v7, v13  }
0x19a: {  	v8 =	vld [tilespmem:s19+$0xFFFFFFE0];
	v15 =	vadd.f32 v9, v15;
	v16 =	vadd.f32 v10, v16  }
0x19b: {  	v10 =	vld [tilespmem:s19+$0xFFFFFFF0];
	v7 =	vadd.f32 v4, v6;
	v6 =	vadd.f32 v5, v13  }
0x19c: {  	v9 =	vld [tilespmem:s19+$0x60];
	v5 =	vadd.f32 v11, v15;
	v4 =	vadd.f32 v12, v16  }
0x19d: {  	v13 =	vadd.f32 v23, v20;
	v16 =	vadd.f32 v24, v20;
	v12 =	vld [tilespmem:s19+$0x70]  }
0x19e: {  	v11 =	vld [tilespmem:s19+$0xE0];
	v15 =	vadd.f32 v14, v20;
	v14 =	vadd.f32 v17, v20  }
0x19f: {  	s15 =	sshll.u32 s15, $0x6;
	s16 =	simm.s32 $0x0;
	s17 =	simm.s32 $0x10B00;
	v17 =	vadd.f32 v21, v13;
	v16 =	vadd.f32 v22, v16;
	v13 =	vld [tilespmem:s19+$0xF0]  }
.LBB2_13:
0x1a0: {  	v18 =	vld [tilespmem:s17+$0x80];
	v8 =	vadd.f32 v8, v15;
	v10 =	vadd.f32 v10, v14  }
0x1a1: {  	v14 =	vld [tilespmem:s17+$0x90];
	v3 =	vadd.f32 v3, v17;
	v2 =	vadd.f32 v2, v16  }
0x1a2: {  	v15 =	vld [tilespmem:s17+$0xA0];
	v8 =	vadd.f32 v9, v8;
	v9 =	vadd.f32 v12, v10  }
0x1a3: {  	v12 =	vld [tilespmem:s17+$0xB0];
	v16 =	vadd.f32 v0, v3;
	v17 =	vadd.f32 v1, v2  }
0x1a4: {  	v0 =	vld [tilespmem:s17+$0xC0];
	v11 =	vadd.f32 v11, v8;
	v13 =	vadd.f32 v13, v9  }
0x1a5: {  	v1 =	vld [tilespmem:s17+$0xD0]  }
0x1a6: {  	v8 =	vld [tilespmem:s17+$0x0]  }
0x1a7: {  	v9 =	vld [tilespmem:s17+$0x10]  }
0x1a8: {  	v10 =	vld [tilespmem:s17+$0x20]  }
0x1a9: {  	v19 =	vld [tilespmem:s17+$0x30]  }
0x1aa: {  	v3 =	vld [tilespmem:s17+$0x40]  }
0x1ab: {  	v2 =	vld [tilespmem:s17+$0x50]  }
0x1ac: {  	v20 =	vld [tilespmem:s17+$0xFFFFFF80]  }
0x1ad: {  	v21 =	vld [tilespmem:s17+$0xFFFFFF90]  }
0x1ae: {  	v22 =	vld [tilespmem:s17+$0xFFFFFF00]  }
0x1af: {  	v23 =	vld [tilespmem:s17+$0xFFFFFF10]  }
0x1b0: {  	v24 =	vld [tilespmem:s17+$0xFFFFFF20]  }
0x1b1: {  	v25 =	vld [tilespmem:s17+$0xFFFFFF30]  }
0x1b2: {  	v26 =	vld [tilespmem:s17+$0xFFFFFFA0]  }
0x1b3: {  	v27 =	vld [tilespmem:s17+$0xFFFFFFB0]  }
0x1b4: {  	v28 =	vld [tilespmem:s17+$0xFFFFFFC0]  }
0x1b5: {  	v7 =	vadd.f32 v22, v7;
	v6 =	vadd.f32 v23, v6;
	v22 =	vld [tilespmem:s17+$0xFFFFFFD0]  }
0x1b6: {  	v5 =	vadd.f32 v24, v5;
	v4 =	vadd.f32 v25, v4;
	v23 =	vld [tilespmem:s17+$0xFFFFFF40]  }
0x1b7: {  	v7 =	vadd.f32 v20, v7;
	v6 =	vadd.f32 v21, v6;
	v24 =	vld [tilespmem:s17+$0xFFFFFF50]  }
0x1b8: {  	v5 =	vadd.f32 v26, v5;
	v20 =	vld [tilespmem:s17+$0xFFFFFF60];
	v4 =	vadd.f32 v27, v4  }
0x1b9: {  	s16 =	sadd.s32 $0x4, s16;
	v7 =	vadd.f32 v8, v7;
	v6 =	vadd.f32 v9, v6;
	v21 =	vld [tilespmem:s17+$0xFFFFFF70]  }
0x1ba: {  	p0 =	slt.u32 s16, $0x54;
	v5 =	vadd.f32 v10, v5;
	v8 =	vld [tilespmem:s17+$0xFFFFFFE0];
	v4 =	vadd.f32 v19, v4  }
.Ltmp5:
0x1bb: {  	v7 =	vadd.f32 v18, v7;
	v6 =	vadd.f32 v14, v6;
	v10 =	vld [tilespmem:s17+$0xFFFFFFF0];
	(pc) =	sbr.rel @p0 .LBB2_13-.Ltmp5, $4  }
0x1bc: {  	v5 =	vadd.f32 v15, v5;
	v9 =	vld [tilespmem:s17+$0x60];
	v4 =	vadd.f32 v12, v4  }
0x1bd: {  	v16 =	vadd.f32 v23, v16;
	v18 =	vadd.f32 v24, v17;
	v12 =	vld [tilespmem:s17+$0x70]  }
0x1be: {  	v15 =	vadd.f32 v20, v11;
	v14 =	vadd.f32 v21, v13;
	v11 =	vld [tilespmem:s17+$0xE0]  }
0x1bf: {  	v17 =	vadd.f32 v28, v16;
	v16 =	vadd.f32 v22, v18;
	v13 =	vld [tilespmem:s17+$0xF0];
	s17 =	sadd.s32 $0x200, s17  }
0x1c0: {  	_ = 	snop  }
0x1c1: {  	v8 =	vadd.f32 v8, v15;
	[tilespmem:$0x1BA00] =	vst v7;
	v3 =	vadd.f32 v3, v17  }
0x1c2: {  	v7 =	vadd.f32 v10, v14;
	[tilespmem:$0x1BA10] =	vst v6;
	v2 =	vadd.f32 v2, v16  }
0x1c3: {  	[tilespmem:$0x1BA20] =	vst v5;
	v6 =	vadd.f32 v9, v8;
	v0 =	vadd.f32 v0, v3  }
0x1c4: {  	[tilespmem:$0x1BA30] =	vst v4;
	v3 =	vadd.f32 v12, v7;
	v1 =	vadd.f32 v1, v2  }
0x1c5: {  	v2 =	vadd.f32 v11, v6;
	[tilespmem:$0x1BA40] =	vst v0  }
0x1c6: {  	v0 =	vadd.f32 v13, v3;
	[tilespmem:$0x1BA50] =	vst v1  }
0x1c7: {  	[tilespmem:$0x1BA60] =	vst v2  }
0x1c8: {  	[tilespmem:$0x1BA70] =	vst v0  }
0x1c9: {  	_ =	swait.ge [sflag:s30], $0x2C00  }
0x1ca: {  	[sflag:s30] =	ssyncset.done $0x0  }
0x1cb: {  	s17 =	simm.s32 $0x13500;
	[sflag:s30] =	ssyncadd.s32 $0xFFFFD400  }
0x1cc: {  	v4 =	vld [tilespmem:s17+$0x80]  }
0x1cd: {  	v5 =	vld [tilespmem:s17+$0x90]  }
0x1ce: {  	v11 =	vld [tilespmem:s17+$0xA0]  }
0x1cf: {  	v12 =	vld [tilespmem:s17+$0xB0]  }
0x1d0: {  	v0 =	vld [tilespmem:s17+$0xC0]  }
0x1d1: {  	v1 =	vld [tilespmem:s17+$0xD0]  }
0x1d2: {  	v6 =	vld [tilespmem:s17+$0x0]  }
0x1d3: {  	v7 =	vld [tilespmem:s17+$0x10]  }
0x1d4: {  	v9 =	vld [tilespmem:s17+$0x20]  }
0x1d5: {  	v10 =	vld [tilespmem:s17+$0x30]  }
0x1d6: {  	v3 =	vld [tilespmem:s17+$0x40]  }
0x1d7: {  	v2 =	vld [tilespmem:s17+$0x50]  }
0x1d8: {  	v8 =	vld [tilespmem:s17+$0xFFFFFF80]  }
0x1d9: {  	v13 =	vld [tilespmem:s17+$0xFFFFFF90]  }
0x1da: {  	v14 =	vld [tilespmem:s17+$0xFFFFFF00]  }
0x1db: {  	v15 =	vld [tilespmem:s17+$0xFFFFFF10]  }
0x1dc: {  	v16 =	vld [tilespmem:s17+$0xFFFFFF20]  }
0x1dd: {  	v17 =	vld [tilespmem:s17+$0xFFFFFF30]  }
0x1de: {  	v18 =	vld [tilespmem:s17+$0xFFFFFFA0]  }
0x1df: {  	v19 =	vld [tilespmem:s17+$0xFFFFFFB0]  }
0x1e0: {  	v20 =	vimm.f32 $0.0e+00;
	v21 =	vld [tilespmem:s17+$0xFFFFFFC0]  }
0x1e1: {  	v22 =	vld [tilespmem:s17+$0xFFFFFFD0];
	v14 =	vadd.f32 v14, v20;
	v15 =	vadd.f32 v15, v20  }
0x1e2: {  	v23 =	vld [tilespmem:s17+$0xFFFFFF40];
	v16 =	vadd.f32 v16, v20;
	v17 =	vadd.f32 v17, v20  }
0x1e3: {  	v24 =	vld [tilespmem:s17+$0xFFFFFF50];
	v8 =	vadd.f32 v8, v14;
	v13 =	vadd.f32 v13, v15  }
0x1e4: {  	v14 =	vld [tilespmem:s17+$0xFFFFFF60];
	v15 =	vadd.f32 v18, v16;
	v16 =	vadd.f32 v19, v17  }
0x1e5: {  	v17 =	vld [tilespmem:s17+$0xFFFFFF70];
	v6 =	vadd.f32 v6, v8;
	v13 =	vadd.f32 v7, v13  }
0x1e6: {  	v8 =	vld [tilespmem:s17+$0xFFFFFFE0];
	v15 =	vadd.f32 v9, v15;
	v16 =	vadd.f32 v10, v16  }
0x1e7: {  	v10 =	vld [tilespmem:s17+$0xFFFFFFF0];
	v7 =	vadd.f32 v4, v6;
	v6 =	vadd.f32 v5, v13  }
0x1e8: {  	v9 =	vld [tilespmem:s17+$0x60];
	v5 =	vadd.f32 v11, v15;
	v4 =	vadd.f32 v12, v16  }
0x1e9: {  	v13 =	vadd.f32 v23, v20;
	v16 =	vadd.f32 v24, v20;
	v12 =	vld [tilespmem:s17+$0x70]  }
0x1ea: {  	v11 =	vld [tilespmem:s17+$0xE0];
	v15 =	vadd.f32 v14, v20;
	v14 =	vadd.f32 v17, v20  }
0x1eb: {  	s16 =	simm.s32 $0x0;
	v17 =	vadd.f32 v21, v13;
	v16 =	vadd.f32 v22, v16;
	v13 =	vld [tilespmem:s17+$0xF0];
	s17 =	simm.s32 $0x13700  }
.LBB2_15:
0x1ec: {  	v18 =	vld [tilespmem:s17+$0x80];
	v8 =	vadd.f32 v8, v15;
	v10 =	vadd.f32 v10, v14  }
0x1ed: {  	v14 =	vld [tilespmem:s17+$0x90];
	v3 =	vadd.f32 v3, v17;
	v2 =	vadd.f32 v2, v16  }
0x1ee: {  	v15 =	vld [tilespmem:s17+$0xA0];
	v8 =	vadd.f32 v9, v8;
	v9 =	vadd.f32 v12, v10  }
0x1ef: {  	v12 =	vld [tilespmem:s17+$0xB0];
	v16 =	vadd.f32 v0, v3;
	v17 =	vadd.f32 v1, v2  }
0x1f0: {  	v0 =	vld [tilespmem:s17+$0xC0];
	v11 =	vadd.f32 v11, v8;
	v13 =	vadd.f32 v13, v9  }
0x1f1: {  	v1 =	vld [tilespmem:s17+$0xD0]  }
0x1f2: {  	v8 =	vld [tilespmem:s17+$0x0]  }
0x1f3: {  	v9 =	vld [tilespmem:s17+$0x10]  }
0x1f4: {  	v10 =	vld [tilespmem:s17+$0x20]  }
0x1f5: {  	v19 =	vld [tilespmem:s17+$0x30]  }
0x1f6: {  	v3 =	vld [tilespmem:s17+$0x40]  }
0x1f7: {  	v2 =	vld [tilespmem:s17+$0x50]  }
0x1f8: {  	v20 =	vld [tilespmem:s17+$0xFFFFFF80]  }
0x1f9: {  	v21 =	vld [tilespmem:s17+$0xFFFFFF90]  }
0x1fa: {  	v22 =	vld [tilespmem:s17+$0xFFFFFF00]  }
0x1fb: {  	v23 =	vld [tilespmem:s17+$0xFFFFFF10]  }
0x1fc: {  	v24 =	vld [tilespmem:s17+$0xFFFFFF20]  }
0x1fd: {  	v25 =	vld [tilespmem:s17+$0xFFFFFF30]  }
0x1fe: {  	v26 =	vld [tilespmem:s17+$0xFFFFFFA0]  }
0x1ff: {  	v27 =	vld [tilespmem:s17+$0xFFFFFFB0]  }
0x200: {  	v28 =	vld [tilespmem:s17+$0xFFFFFFC0]  }
0x201: {  	v7 =	vadd.f32 v22, v7;
	v6 =	vadd.f32 v23, v6;
	v22 =	vld [tilespmem:s17+$0xFFFFFFD0]  }
0x202: {  	v5 =	vadd.f32 v24, v5;
	v4 =	vadd.f32 v25, v4;
	v23 =	vld [tilespmem:s17+$0xFFFFFF40]  }
0x203: {  	v7 =	vadd.f32 v20, v7;
	v6 =	vadd.f32 v21, v6;
	v24 =	vld [tilespmem:s17+$0xFFFFFF50]  }
0x204: {  	v5 =	vadd.f32 v26, v5;
	v20 =	vld [tilespmem:s17+$0xFFFFFF60];
	v4 =	vadd.f32 v27, v4  }
0x205: {  	s16 =	sadd.s32 $0x4, s16;
	v7 =	vadd.f32 v8, v7;
	v6 =	vadd.f32 v9, v6;
	v21 =	vld [tilespmem:s17+$0xFFFFFF70]  }
0x206: {  	p0 =	slt.u32 s16, $0x54;
	v5 =	vadd.f32 v10, v5;
	v8 =	vld [tilespmem:s17+$0xFFFFFFE0];
	v4 =	vadd.f32 v19, v4  }
.Ltmp6:
0x207: {  	v7 =	vadd.f32 v18, v7;
	v6 =	vadd.f32 v14, v6;
	v10 =	vld [tilespmem:s17+$0xFFFFFFF0];
	(pc) =	sbr.rel @p0 .LBB2_15-.Ltmp6, $4  }
0x208: {  	v5 =	vadd.f32 v15, v5;
	v9 =	vld [tilespmem:s17+$0x60];
	v4 =	vadd.f32 v12, v4  }
0x209: {  	v16 =	vadd.f32 v23, v16;
	v18 =	vadd.f32 v24, v17;
	v12 =	vld [tilespmem:s17+$0x70]  }
0x20a: {  	v15 =	vadd.f32 v20, v11;
	v14 =	vadd.f32 v21, v13;
	v11 =	vld [tilespmem:s17+$0xE0]  }
0x20b: {  	v17 =	vadd.f32 v28, v16;
	v16 =	vadd.f32 v22, v18;
	v13 =	vld [tilespmem:s17+$0xF0];
	s17 =	sadd.s32 $0x200, s17  }
0x20c: {  	_ = 	snop  }
0x20d: {  	v8 =	vadd.f32 v8, v15;
	[tilespmem:$0x1BA80] =	vst v7;
	v3 =	vadd.f32 v3, v17  }
0x20e: {  	v7 =	vadd.f32 v10, v14;
	[tilespmem:$0x1BA90] =	vst v6;
	v2 =	vadd.f32 v2, v16  }
0x20f: {  	[tilespmem:$0x1BAA0] =	vst v5;
	v6 =	vadd.f32 v9, v8;
	v0 =	vadd.f32 v0, v3  }
0x210: {  	[tilespmem:$0x1BAB0] =	vst v4;
	v3 =	vadd.f32 v12, v7;
	v1 =	vadd.f32 v1, v2  }
0x211: {  	v2 =	vadd.f32 v11, v6;
	[tilespmem:$0x1BAC0] =	vst v0  }
0x212: {  	v0 =	vadd.f32 v13, v3;
	[tilespmem:$0x1BAD0] =	vst v1  }
0x213: {  	[tilespmem:$0x1BAE0] =	vst v2  }
0x214: {  	[tilespmem:$0x1BAF0] =	vst v0  }
0x215: {  	_ =	swait.ge [sflag:s31], $0x2C00  }
0x216: {  	[sflag:s31] =	ssyncset.done $0x0  }
0x217: {  	s17 =	simm.s32 $0x16100;
	[sflag:s31] =	ssyncadd.s32 $0xFFFFD400  }
0x218: {  	v4 =	vld [tilespmem:s17+$0x80]  }
0x219: {  	v5 =	vld [tilespmem:s17+$0x90]  }
0x21a: {  	v11 =	vld [tilespmem:s17+$0xA0]  }
0x21b: {  	v12 =	vld [tilespmem:s17+$0xB0]  }
0x21c: {  	v0 =	vld [tilespmem:s17+$0xC0]  }
0x21d: {  	v1 =	vld [tilespmem:s17+$0xD0]  }
0x21e: {  	v6 =	vld [tilespmem:s17+$0x0]  }
0x21f: {  	v7 =	vld [tilespmem:s17+$0x10]  }
0x220: {  	v9 =	vld [tilespmem:s17+$0x20]  }
0x221: {  	v10 =	vld [tilespmem:s17+$0x30]  }
0x222: {  	v3 =	vld [tilespmem:s17+$0x40]  }
0x223: {  	v2 =	vld [tilespmem:s17+$0x50]  }
0x224: {  	v8 =	vld [tilespmem:s17+$0xFFFFFF80]  }
0x225: {  	v13 =	vld [tilespmem:s17+$0xFFFFFF90]  }
0x226: {  	v14 =	vld [tilespmem:s17+$0xFFFFFF00]  }
0x227: {  	v15 =	vld [tilespmem:s17+$0xFFFFFF10]  }
0x228: {  	v16 =	vld [tilespmem:s17+$0xFFFFFF20]  }
0x229: {  	v17 =	vld [tilespmem:s17+$0xFFFFFF30]  }
0x22a: {  	v18 =	vld [tilespmem:s17+$0xFFFFFFA0]  }
0x22b: {  	v19 =	vld [tilespmem:s17+$0xFFFFFFB0]  }
0x22c: {  	v20 =	vimm.f32 $0.0e+00;
	v21 =	vld [tilespmem:s17+$0xFFFFFFC0]  }
0x22d: {  	v22 =	vld [tilespmem:s17+$0xFFFFFFD0];
	v14 =	vadd.f32 v14, v20;
	v15 =	vadd.f32 v15, v20  }
0x22e: {  	v23 =	vld [tilespmem:s17+$0xFFFFFF40];
	v16 =	vadd.f32 v16, v20;
	v17 =	vadd.f32 v17, v20  }
0x22f: {  	v24 =	vld [tilespmem:s17+$0xFFFFFF50];
	v8 =	vadd.f32 v8, v14;
	v13 =	vadd.f32 v13, v15  }
0x230: {  	v14 =	vld [tilespmem:s17+$0xFFFFFF60];
	v15 =	vadd.f32 v18, v16;
	v16 =	vadd.f32 v19, v17  }
0x231: {  	v17 =	vld [tilespmem:s17+$0xFFFFFF70];
	v6 =	vadd.f32 v6, v8;
	v13 =	vadd.f32 v7, v13  }
0x232: {  	v8 =	vld [tilespmem:s17+$0xFFFFFFE0];
	v15 =	vadd.f32 v9, v15;
	v16 =	vadd.f32 v10, v16  }
0x233: {  	v10 =	vld [tilespmem:s17+$0xFFFFFFF0];
	v7 =	vadd.f32 v4, v6;
	v6 =	vadd.f32 v5, v13  }
0x234: {  	v9 =	vld [tilespmem:s17+$0x60];
	v5 =	vadd.f32 v11, v15;
	v4 =	vadd.f32 v12, v16  }
0x235: {  	v13 =	vadd.f32 v23, v20;
	v16 =	vadd.f32 v24, v20;
	v12 =	vld [tilespmem:s17+$0x70]  }
0x236: {  	v11 =	vld [tilespmem:s17+$0xE0];
	v15 =	vadd.f32 v14, v20;
	v14 =	vadd.f32 v17, v20  }
0x237: {  	s16 =	simm.s32 $0x0;
	v17 =	vadd.f32 v21, v13;
	v16 =	vadd.f32 v22, v16;
	v13 =	vld [tilespmem:s17+$0xF0];
	s17 =	simm.s32 $0x16300  }
.LBB2_17:
0x238: {  	v18 =	vld [tilespmem:s17+$0x80];
	v8 =	vadd.f32 v8, v15;
	v10 =	vadd.f32 v10, v14  }
0x239: {  	v14 =	vld [tilespmem:s17+$0x90];
	v3 =	vadd.f32 v3, v17;
	v2 =	vadd.f32 v2, v16  }
0x23a: {  	v15 =	vld [tilespmem:s17+$0xA0];
	v8 =	vadd.f32 v9, v8;
	v9 =	vadd.f32 v12, v10  }
0x23b: {  	v12 =	vld [tilespmem:s17+$0xB0];
	v16 =	vadd.f32 v0, v3;
	v17 =	vadd.f32 v1, v2  }
0x23c: {  	v0 =	vld [tilespmem:s17+$0xC0];
	v11 =	vadd.f32 v11, v8;
	v13 =	vadd.f32 v13, v9  }
0x23d: {  	v1 =	vld [tilespmem:s17+$0xD0]  }
0x23e: {  	v8 =	vld [tilespmem:s17+$0x0]  }
0x23f: {  	v9 =	vld [tilespmem:s17+$0x10]  }
0x240: {  	v10 =	vld [tilespmem:s17+$0x20]  }
0x241: {  	v19 =	vld [tilespmem:s17+$0x30]  }
0x242: {  	v3 =	vld [tilespmem:s17+$0x40]  }
0x243: {  	v2 =	vld [tilespmem:s17+$0x50]  }
0x244: {  	v20 =	vld [tilespmem:s17+$0xFFFFFF80]  }
0x245: {  	v21 =	vld [tilespmem:s17+$0xFFFFFF90]  }
0x246: {  	v22 =	vld [tilespmem:s17+$0xFFFFFF00]  }
0x247: {  	v23 =	vld [tilespmem:s17+$0xFFFFFF10]  }
0x248: {  	v24 =	vld [tilespmem:s17+$0xFFFFFF20]  }
0x249: {  	v25 =	vld [tilespmem:s17+$0xFFFFFF30]  }
0x24a: {  	v26 =	vld [tilespmem:s17+$0xFFFFFFA0]  }
0x24b: {  	v27 =	vld [tilespmem:s17+$0xFFFFFFB0]  }
0x24c: {  	v28 =	vld [tilespmem:s17+$0xFFFFFFC0]  }
0x24d: {  	v7 =	vadd.f32 v22, v7;
	v6 =	vadd.f32 v23, v6;
	v22 =	vld [tilespmem:s17+$0xFFFFFFD0]  }
0x24e: {  	v5 =	vadd.f32 v24, v5;
	v4 =	vadd.f32 v25, v4;
	v23 =	vld [tilespmem:s17+$0xFFFFFF40]  }
0x24f: {  	v7 =	vadd.f32 v20, v7;
	v6 =	vadd.f32 v21, v6;
	v24 =	vld [tilespmem:s17+$0xFFFFFF50]  }
0x250: {  	v5 =	vadd.f32 v26, v5;
	v20 =	vld [tilespmem:s17+$0xFFFFFF60];
	v4 =	vadd.f32 v27, v4  }
0x251: {  	s16 =	sadd.s32 $0x4, s16;
	v7 =	vadd.f32 v8, v7;
	v6 =	vadd.f32 v9, v6;
	v21 =	vld [tilespmem:s17+$0xFFFFFF70]  }
0x252: {  	p0 =	slt.u32 s16, $0x54;
	v5 =	vadd.f32 v10, v5;
	v8 =	vld [tilespmem:s17+$0xFFFFFFE0];
	v4 =	vadd.f32 v19, v4  }
.Ltmp7:
0x253: {  	v7 =	vadd.f32 v18, v7;
	v6 =	vadd.f32 v14, v6;
	v10 =	vld [tilespmem:s17+$0xFFFFFFF0];
	(pc) =	sbr.rel @p0 .LBB2_17-.Ltmp7, $4  }
0x254: {  	v5 =	vadd.f32 v15, v5;
	v9 =	vld [tilespmem:s17+$0x60];
	v4 =	vadd.f32 v12, v4  }
0x255: {  	v16 =	vadd.f32 v23, v16;
	v18 =	vadd.f32 v24, v17;
	v12 =	vld [tilespmem:s17+$0x70]  }
0x256: {  	v15 =	vadd.f32 v20, v11;
	v14 =	vadd.f32 v21, v13;
	v11 =	vld [tilespmem:s17+$0xE0]  }
0x257: {  	v17 =	vadd.f32 v28, v16;
	v16 =	vadd.f32 v22, v18;
	v13 =	vld [tilespmem:s17+$0xF0];
	s17 =	sadd.s32 $0x200, s17  }
0x258: {  	_ = 	snop  }
0x259: {  	v8 =	vadd.f32 v8, v15;
	[tilespmem:$0x1BB00] =	vst v7;
	v3 =	vadd.f32 v3, v17  }
0x25a: {  	v7 =	vadd.f32 v10, v14;
	[tilespmem:$0x1BB10] =	vst v6;
	v2 =	vadd.f32 v2, v16  }
0x25b: {  	[tilespmem:$0x1BB20] =	vst v5;
	v6 =	vadd.f32 v9, v8;
	v0 =	vadd.f32 v0, v3  }
0x25c: {  	[tilespmem:$0x1BB30] =	vst v4;
	v3 =	vadd.f32 v12, v7;
	v1 =	vadd.f32 v1, v2  }
0x25d: {  	v2 =	vadd.f32 v11, v6;
	[tilespmem:$0x1BB40] =	vst v0  }
0x25e: {  	v0 =	vadd.f32 v13, v3;
	[tilespmem:$0x1BB50] =	vst v1  }
0x25f: {  	[tilespmem:$0x1BB60] =	vst v2  }
0x260: {  	[tilespmem:$0x1BB70] =	vst v0  }
0x261: {  	_ =	swait.ge [sflag:s1], $0x2C00  }
0x262: {  	[sflag:s1] =	ssyncset.done $0x0  }
0x263: {  	s17 =	simm.s32 $0x18D00;
	[sflag:s1] =	ssyncadd.s32 $0xFFFFD400  }
0x264: {  	v4 =	vld [tilespmem:s17+$0x80]  }
0x265: {  	v5 =	vld [tilespmem:s17+$0x90]  }
0x266: {  	v11 =	vld [tilespmem:s17+$0xA0]  }
0x267: {  	v12 =	vld [tilespmem:s17+$0xB0]  }
0x268: {  	v0 =	vld [tilespmem:s17+$0xC0]  }
0x269: {  	v1 =	vld [tilespmem:s17+$0xD0]  }
0x26a: {  	v6 =	vld [tilespmem:s17+$0x0]  }
0x26b: {  	v7 =	vld [tilespmem:s17+$0x10]  }
0x26c: {  	v9 =	vld [tilespmem:s17+$0x20]  }
0x26d: {  	v10 =	vld [tilespmem:s17+$0x30]  }
0x26e: {  	v3 =	vld [tilespmem:s17+$0x40]  }
0x26f: {  	v2 =	vld [tilespmem:s17+$0x50]  }
0x270: {  	v8 =	vld [tilespmem:s17+$0xFFFFFF80]  }
0x271: {  	v13 =	vld [tilespmem:s17+$0xFFFFFF90]  }
0x272: {  	v14 =	vld [tilespmem:s17+$0xFFFFFF00]  }
0x273: {  	v15 =	vld [tilespmem:s17+$0xFFFFFF10]  }
0x274: {  	v16 =	vld [tilespmem:s17+$0xFFFFFF20]  }
0x275: {  	v17 =	vld [tilespmem:s17+$0xFFFFFF30]  }
0x276: {  	v18 =	vld [tilespmem:s17+$0xFFFFFFA0]  }
0x277: {  	v19 =	vld [tilespmem:s17+$0xFFFFFFB0]  }
0x278: {  	v20 =	vimm.f32 $0.0e+00;
	v21 =	vld [tilespmem:s17+$0xFFFFFFC0]  }
0x279: {  	v22 =	vld [tilespmem:s17+$0xFFFFFFD0];
	v14 =	vadd.f32 v14, v20;
	v15 =	vadd.f32 v15, v20  }
0x27a: {  	v23 =	vld [tilespmem:s17+$0xFFFFFF40];
	v16 =	vadd.f32 v16, v20;
	v17 =	vadd.f32 v17, v20  }
0x27b: {  	v24 =	vld [tilespmem:s17+$0xFFFFFF50];
	v8 =	vadd.f32 v8, v14;
	v13 =	vadd.f32 v13, v15  }
0x27c: {  	v14 =	vld [tilespmem:s17+$0xFFFFFF60];
	v15 =	vadd.f32 v18, v16;
	v16 =	vadd.f32 v19, v17  }
0x27d: {  	v17 =	vld [tilespmem:s17+$0xFFFFFF70];
	v6 =	vadd.f32 v6, v8;
	v13 =	vadd.f32 v7, v13  }
0x27e: {  	v8 =	vld [tilespmem:s17+$0xFFFFFFE0];
	v15 =	vadd.f32 v9, v15;
	v16 =	vadd.f32 v10, v16  }
0x27f: {  	v10 =	vld [tilespmem:s17+$0xFFFFFFF0];
	v7 =	vadd.f32 v4, v6;
	v6 =	vadd.f32 v5, v13  }
0x280: {  	v9 =	vld [tilespmem:s17+$0x60];
	v5 =	vadd.f32 v11, v15;
	v4 =	vadd.f32 v12, v16  }
0x281: {  	v13 =	vadd.f32 v23, v20;
	v16 =	vadd.f32 v24, v20;
	v12 =	vld [tilespmem:s17+$0x70]  }
0x282: {  	v11 =	vld [tilespmem:s17+$0xE0];
	v15 =	vadd.f32 v14, v20;
	v14 =	vadd.f32 v17, v20  }
0x283: {  	s16 =	simm.s32 $0x0;
	v17 =	vadd.f32 v21, v13;
	v16 =	vadd.f32 v22, v16;
	v13 =	vld [tilespmem:s17+$0xF0];
	s17 =	simm.s32 $0x18F00  }
.LBB2_19:
0x284: {  	v18 =	vld [tilespmem:s17+$0x80];
	v8 =	vadd.f32 v8, v15;
	v10 =	vadd.f32 v10, v14  }
0x285: {  	v14 =	vld [tilespmem:s17+$0x90];
	v3 =	vadd.f32 v3, v17;
	v2 =	vadd.f32 v2, v16  }
0x286: {  	v15 =	vld [tilespmem:s17+$0xA0];
	v8 =	vadd.f32 v9, v8;
	v9 =	vadd.f32 v12, v10  }
0x287: {  	v12 =	vld [tilespmem:s17+$0xB0];
	v16 =	vadd.f32 v0, v3;
	v17 =	vadd.f32 v1, v2  }
0x288: {  	v0 =	vld [tilespmem:s17+$0xC0];
	v11 =	vadd.f32 v11, v8;
	v13 =	vadd.f32 v13, v9  }
0x289: {  	v1 =	vld [tilespmem:s17+$0xD0]  }
0x28a: {  	v8 =	vld [tilespmem:s17+$0x0]  }
0x28b: {  	v9 =	vld [tilespmem:s17+$0x10]  }
0x28c: {  	v10 =	vld [tilespmem:s17+$0x20]  }
0x28d: {  	v19 =	vld [tilespmem:s17+$0x30]  }
0x28e: {  	v3 =	vld [tilespmem:s17+$0x40]  }
0x28f: {  	v2 =	vld [tilespmem:s17+$0x50]  }
0x290: {  	v20 =	vld [tilespmem:s17+$0xFFFFFF80]  }
0x291: {  	v21 =	vld [tilespmem:s17+$0xFFFFFF90]  }
0x292: {  	v22 =	vld [tilespmem:s17+$0xFFFFFF00]  }
0x293: {  	v23 =	vld [tilespmem:s17+$0xFFFFFF10]  }
0x294: {  	v24 =	vld [tilespmem:s17+$0xFFFFFF20]  }
0x295: {  	v25 =	vld [tilespmem:s17+$0xFFFFFF30]  }
0x296: {  	v26 =	vld [tilespmem:s17+$0xFFFFFFA0]  }
0x297: {  	v27 =	vld [tilespmem:s17+$0xFFFFFFB0]  }
0x298: {  	v28 =	vld [tilespmem:s17+$0xFFFFFFC0]  }
0x299: {  	v7 =	vadd.f32 v22, v7;
	v6 =	vadd.f32 v23, v6;
	v22 =	vld [tilespmem:s17+$0xFFFFFFD0]  }
0x29a: {  	v5 =	vadd.f32 v24, v5;
	v4 =	vadd.f32 v25, v4;
	v23 =	vld [tilespmem:s17+$0xFFFFFF40]  }
0x29b: {  	v7 =	vadd.f32 v20, v7;
	v6 =	vadd.f32 v21, v6;
	v24 =	vld [tilespmem:s17+$0xFFFFFF50]  }
0x29c: {  	v5 =	vadd.f32 v26, v5;
	v20 =	vld [tilespmem:s17+$0xFFFFFF60];
	v4 =	vadd.f32 v27, v4  }
0x29d: {  	s16 =	sadd.s32 $0x4, s16;
	v7 =	vadd.f32 v8, v7;
	v6 =	vadd.f32 v9, v6;
	v21 =	vld [tilespmem:s17+$0xFFFFFF70]  }
0x29e: {  	p0 =	slt.u32 s16, $0x54;
	v5 =	vadd.f32 v10, v5;
	v8 =	vld [tilespmem:s17+$0xFFFFFFE0];
	v4 =	vadd.f32 v19, v4  }
.Ltmp8:
0x29f: {  	v7 =	vadd.f32 v18, v7;
	v6 =	vadd.f32 v14, v6;
	v10 =	vld [tilespmem:s17+$0xFFFFFFF0];
	(pc) =	sbr.rel @p0 .LBB2_19-.Ltmp8, $4  }
0x2a0: {  	v5 =	vadd.f32 v15, v5;
	v9 =	vld [tilespmem:s17+$0x60];
	v4 =	vadd.f32 v12, v4  }
0x2a1: {  	v16 =	vadd.f32 v23, v16;
	v18 =	vadd.f32 v24, v17;
	v12 =	vld [tilespmem:s17+$0x70]  }
0x2a2: {  	v15 =	vadd.f32 v20, v11;
	v14 =	vadd.f32 v21, v13;
	v11 =	vld [tilespmem:s17+$0xE0]  }
0x2a3: {  	v17 =	vadd.f32 v28, v16;
	v16 =	vadd.f32 v22, v18;
	v13 =	vld [tilespmem:s17+$0xF0];
	s17 =	sadd.s32 $0x200, s17  }
0x2a4: {  	_ = 	snop  }
0x2a5: {  	v8 =	vadd.f32 v8, v15;
	[tilespmem:$0x1BB80] =	vst v7;
	v3 =	vadd.f32 v3, v17  }
0x2a6: {  	v59 =	vadd.f32 v10, v14;
	[tilespmem:$0x1BB90] =	vst v6;
	v2 =	vadd.f32 v2, v16  }
0x2a7: {  	[tilespmem:$0x1BBA0] =	vst v5;
	v60 =	vadd.f32 v9, v8;
	v0 =	vadd.f32 v0, v3  }
0x2a8: {  	[tilespmem:$0x1BBB0] =	vst v4;
	v61 =	vadd.f32 v12, v59;
	v1 =	vadd.f32 v1, v2  }
0x2a9: {  	v62 =	vadd.f32 v11, v60;
	[tilespmem:$0x1BBC0] =	vst v0  }
0x2aa: {  	s14 =	sadd.s32 $0x1, s14;
	v63 =	vadd.f32 v13, v61;
	[tilespmem:$0x1BBD0] =	vst v1  }
0x2ab: {  	p0 =	sne.s32 s14, $0x10;
	[tilespmem:$0x1BBE0] =	vst v62  }
.Ltmp9:
0x2ac: {  	s15 =	sadd.s32 s15, s7;
	[tilespmem:$0x1BBF0] =	vst v63;
	(pc) =	sbr.rel @p0 .LBB2_4-.Ltmp9, $4  }
0x2ad: {  	[hbm4b:s15+s3] =	stream.linear.scatter [tilespmem:s0], [sflag:$0x9], $0x200, $0x200038;
	[tilespmem:$0x1BC00] =	vst v63  }
0x2ae: {  	_ =	swait.ge [sflag:s9], $0x200  }
0x2af: {  	[sflag:s9] =	ssyncset.done $0x0  }
0x2b0: {  	[sflag:s9] =	ssyncadd.s32 $0xFFFFFE00  }
0x2b1: {  	s13 =	sadd.s32 $0x1, s13  }
0x2b2: {  	p0 =	sne.s32 s13, s8  }
.Ltmp10:
0x2b3: {  	_ = 	snop;
	(pc) =	sbr.rel @p0 .LBB2_1-.Ltmp10, $2  }
0x2b4: {  	_ =	sdelay $0x2  }
0x2b5: {  	_ =	strace $0x9000004C  }
0x2b6: {  	_ =	sfence.sel $0x180000  }
0x2b7: {  	[bflag:$0x0] =	sbarrier.arrive $0xFFFF  }
0x2b8: {  	_ =	strace $0x90000047  }
0x2b9: {  	s0 =	stileid.u32;
	[bflag:$0x2] =	sbarrier.arrive $0xFFFF  }
0x2ba: {  	p0 =	sne.s32 s0, $0x0;
	s0 =	rddreg [dreg:$0x3]  }
0x2bb: {  	s0 =	sadd.s32 @!p0 $0x100000, s0  }
0x2bc: {  	[sflag:s0] =	ssyncadd.tile.s32 @!p0 $0x1;
	_ =	shalt  }
.Lfunc_end2:
_tile_overlayer_lowered:
.L_overlay_start_2:
0x2bd: {  	(tag) =	ssettag $0x2  }
0x2be: {  	s0 =	rddreg [dreg:$0x0];
	s2 =	stileid.u32  }
0x2bf: {  	s1 =	rddreg [dreg:$0x1];
	p0 =	sne.s32 s2, $0x0  }
0x2c0: {  	s3 =	rddreg [dreg:$0x2];
	[bflag:$0x3] =	sbarrier.arrive $0xFFFF;
	s2 =	simm.s32 @!p0 $0x1C09  }
0x2c1: {  	[timem:s3], [sflag:s2] =	dma.local @!p0 [hbm:s0], s1  }
0x2c2: {  	s0 =	simm.s32 @!p0 $0x9  }
0x2c3: {  	_ =	swait.ge @!p0 [sflag:s0], s1  }
0x2c4: {  	s1 =	ssub.s32 @!p0 $0x0, s1;
	[sflag:s0] =	ssyncset.done @!p0 $0x0  }
0x2c5: {  	[sflag:s0] =	ssyncadd.s32 @!p0 s1  }
0x2c6: {  	[bflag:$0x3] =	sbarrier.arrive $0xFFFF  }
0x2c7: {  	_ =	shalt  }

</sc_bundles>
